<compile_context>
chip_gen: v7x
topology: tpu7x:2x2x1
jax: 0.10.2.dev20260603
libtpu: 0.0.44.dev20260713+nightly
codegen_flags: <defaults>
</compile_context>

<pallas_src>
import jax
import jax.numpy as jnp
from jax import lax
from jax.experimental import pallas as pl
from jax.experimental.pallas import tpu as pltpu
from jax.experimental.pallas import tpu_sc as plsc

NPAD = 10752
EPAD = 163840
BLK = 512
RNG = 384
ACC_R = 384
ACC_W = 1408
SENT_PK = RNG << 14


def _bcast(v, lane):
    idx = jnp.full((16, 1), lane, jnp.int32)
    dnums = lax.GatherDimensionNumbers(
        offset_dims=(), collapsed_slice_dims=(0,), start_index_map=(0,))
    return lax.gather(v, idx, dnums, (1,),
                      mode=lax.GatherScatterMode.PROMISE_IN_BOUNDS)



def _cnt_body(epk, zv, cnt2, idxb, ones, ech, cnt_sp):
    c = lax.axis_index("c")
    s = lax.axis_index("s")
    pltpu.sync_copy(zv, cnt_sp.at[pl.ds(s * 1024, 1024)])
    one16 = jnp.full((16,), 1.0, jnp.float32)
    for t in range(8):
        ones[pl.ds(t * 16, 16)] = one16
    plsc.subcore_barrier()
    wid = s * 2 + c

    def chunk(ci, carry):
        pltpu.sync_copy(epk.at[pl.ds(wid * 5120 + ci * 128, 128)], ech)
        for t in range(8):
            v = ech[pl.ds(t * 16, 16)]
            idxb[pl.ds(t * 16, 16)] = v >> 14
        pltpu.sync_copy(ones, cnt_sp.at[idxb], add=True)
        return carry

    lax.fori_loop(0, 40, chunk, 0)
    plsc.subcore_barrier()
    pltpu.sync_copy(cnt_sp.at[pl.ds(s * 672, 672)],
                    cnt2.at[c, pl.ds(s * 672, 672)])


def _sc_cnt(epk, zv):
    mesh = plsc.VectorSubcoreMesh(core_axis_name="c", subcore_axis_name="s")
    return pl.kernel(
        _cnt_body,
        out_type=jax.ShapeDtypeStruct((2, NPAD), jnp.float32),
        mesh=mesh,
        scratch_types=[
            pltpu.VMEM((128,), jnp.int32),
            pltpu.VMEM((128,), jnp.float32),
            pltpu.VMEM((128,), jnp.int32),
            pltpu.VMEM_SHARED((16384,), jnp.float32),
        ],
        compiler_params=pltpu.CompilerParams(use_tc_tiling_on_sc=False, needs_layout_passes=False),
    )(epk, zv)



def _main_body(epk, xt, meta, adp, zr, accs_out,
               ech, mbuf, gidx, rowsx, rowsm, advb, stag, zbuf, acc_sp, gsem,
               ssem):
    c = lax.axis_index("c")
    s = lax.axis_index("s")
    iota = lax.iota(jnp.int32, 16)
    sentv = jnp.full((16,), SENT_PK, jnp.int32)
    pltpu.sync_copy(zr, zbuf)
    wbase = s * 24

    def process_batch(off):
        def gi(t, carry):
            pv = mbuf[pl.ds(off + t * 16, 16)]
            gidx[pl.ds(t * 16, 16)] = pv & 16383
            return carry

        lax.fori_loop(0, 8, gi, 0)
        cp1 = pltpu.async_copy(xt.at[gidx], rowsx, gsem)
        cp2 = pltpu.async_copy(meta.at[gidx], rowsm, gsem)
        cp1.wait()
        cp2.wait()

        def subb(sb, carry):
            pv = mbuf[pl.ds(off + sb * 16, 16)]
            dlr = pv >> 14
            dl16 = jnp.where(dlr < RNG, dlr, 0)
            svf = jnp.where(dlr < RNG, 1.0, 0.0)
            hb = (sb & 1) * 16

            def edge(j, carry2):
                jj = sb * 16 + j
                jh = hb + j
                dlb = _bcast(dl16, j)
                sv = _bcast(svf, j)
                asv = rowsm[jj, pl.ds(0, 16)]
                adv = plsc.load_gather(advb, [dlb, iota])
                z = asv + adv
                e = jnp.where(z >= 0, z, 0.2 * z)
                ex = jnp.exp(e) * sv
                dinvb = _bcast(asv, 8) * sv
                xfs = [rowsx[jj, pl.ds(f * 16, 16)] for f in range(8)]
                for f in range(8):
                    stag[jh, pl.ds(f * 16, 16)] = xfs[f] * sv
                    stag[jh, pl.ds(128 + f * 16, 16)] = xfs[f] * dinvb
                for k in range(8):
                    exb = _bcast(ex, k)
                    for f in range(8):
                        stag[jh, pl.ds(256 + k * 128 + f * 16, 16)] = xfs[f] * exb
                stag[jh, pl.ds(1280, 16)] = jnp.where(iota < 8, ex, 0.0)
                return carry2

            lax.fori_loop(0, 16, edge, 0)

            @pl.when(sb >= 1)
            def _drain():
                pltpu.make_async_copy(
                    zr, acc_sp.at[pl.ds(0, 16)], ssem).wait()
            pltpu.async_copy(stag.at[pl.ds(hb, 16)], acc_sp.at[dl16], ssem,
                             add=True)
            return carry

        lax.fori_loop(0, 8, subb, 0)
        pltpu.make_async_copy(zr, acc_sp.at[pl.ds(0, 16)], ssem).wait()

    def passbody(p, carry0):
        base = (p * 2 + c) * RNG
        rout = p * 2 + c
        pltpu.sync_copy(zbuf, acc_sp.at[pl.ds(wbase, 16)])
        pltpu.sync_copy(zbuf.at[pl.ds(0, 8)], acc_sp.at[pl.ds(wbase + 16, 8)])
        pltpu.sync_copy(adp.at[pl.ds(base, RNG)], advb.at[pl.ds(0, RNG)])
        plsc.subcore_barrier()

        def sfill(i, carry):
            mbuf[pl.ds(i * 16, 16)] = sentv
            return carry

        lax.fori_loop(0, 48, sfill, 0)

        def chunk(ci, mcnt):
            pltpu.sync_copy(epk.at[pl.ds(s * 10240 + ci * 512, 512)], ech)

            def group(g, mc):
                v = ech[pl.ds(g * 16, 16)]
                d = v >> 14
                m = (d >= base) & (d < base + RNG)
                nh = jnp.sum(m.astype(jnp.int32))
                pk2 = ((d - base) << 14) | (v & 16383)
                plsc.store_compressed(mbuf.at[pl.ds(mc, 16)], pk2, mask=m)
                return mc + nh

            mcnt = lax.fori_loop(0, 32, group, mcnt)
            nb = mcnt // 128

            def bat(b, carry):
                process_batch(b * 128)
                return carry

            lax.fori_loop(0, nb, bat, 0)
            tb = nb * 128
            tails = [mbuf[pl.ds(tb + t * 16, 16)] for t in range(8)]
            lax.fori_loop(0, 48, sfill, 0)
            for t in range(8):
                mbuf[pl.ds(t * 16, 16)] = tails[t]
            return mcnt - tb

        mcnt = lax.fori_loop(0, 20, chunk, 0)

        @pl.when(mcnt > 0)
        def _flush():
            process_batch(0)

        plsc.subcore_barrier()
        pltpu.sync_copy(acc_sp.at[pl.ds(wbase, 24)],
                        accs_out.at[rout, pl.ds(wbase, 24)])
        return carry0

    lax.fori_loop(0, 14, passbody, 0)


def _sc_main(epk, xt, meta, adp, zr):
    mesh = plsc.VectorSubcoreMesh(core_axis_name="c", subcore_axis_name="s")
    return pl.kernel(
        _main_body,
        out_type=jax.ShapeDtypeStruct((28, RNG, ACC_W), jnp.float32),
        mesh=mesh,
        scratch_types=[
            pltpu.VMEM((512,), jnp.int32),
            pltpu.VMEM((768,), jnp.int32),
            pltpu.VMEM((128,), jnp.int32),
            pltpu.VMEM((128, 128), jnp.float32),
            pltpu.VMEM((128, 16), jnp.float32),
            pltpu.VMEM((ACC_R, 16), jnp.float32),
            pltpu.VMEM((32, ACC_W), jnp.float32),
            pltpu.VMEM((16, ACC_W), jnp.float32),
            pltpu.VMEM_SHARED((ACC_R, ACC_W), jnp.float32),
            pltpu.SemaphoreType.DMA,
            pltpu.SemaphoreType.DMA,
        ],
        compiler_params=pltpu.CompilerParams(use_tc_tiling_on_sc=False, needs_layout_passes=False),
    )(epk, xt, meta, adp, zr)



def _attn_logits_body(x_ref, v_ref, out_ref):
    out_ref[...] = jnp.dot(x_ref[...], v_ref[...],
                           preferred_element_type=jnp.float32)


def _attn_logits(x_pad, vcat):
    grid = (NPAD // BLK,)
    return pl.pallas_call(
        _attn_logits_body,
        grid=grid,
        in_specs=[
            pl.BlockSpec((BLK, 128), lambda i: (i, 0)),
            pl.BlockSpec((128, 128), lambda i: (0, 0)),
        ],
        out_specs=pl.BlockSpec((BLK, 128), lambda i: (i, 0)),
        out_shape=jax.ShapeDtypeStruct((NPAD, 128), jnp.float32),
    )(x_pad, vcat)



def _post_body(x_ref, aux_ref, acc_ref,
               gcnW_ref, gatW_ref, gtW_ref, sageWl_ref, sageWr_ref,
               fusW_ref, gatb_ref, vecs_ref, out_ref):
    f32 = jnp.float32
    x = x_ref[...]
    aux = aux_ref[...]
    cnt = aux[:, 0:1]
    a_s = aux[:, 1:9]
    a_d = aux[:, 9:17]
    scal = acc_ref[:, 1280:1408]
    ssum = scal[:, 0:8]

    deg = cnt + 1.0
    dinv = jax.lax.rsqrt(deg)

    gcn_in = dinv * (acc_ref[:, 128:256] + dinv * x)
    gcn_b = vecs_ref[0:1, :]
    gcn_x = jax.nn.relu(
        jnp.dot(gcn_in, gcnW_ref[...], preferred_element_type=f32) + gcn_b)

    z = a_s + a_d
    self_e = jnp.where(z >= 0, z, 0.2 * z)
    self_ex = jnp.exp(self_e)
    den = ssum + self_ex + 1e-16
    hcols = []
    for k in range(8):
        num_k = acc_ref[:, 256 + k * 128:384 + k * 128] + self_ex[:, k:k + 1] * x
        gin_k = num_k / den[:, k:k + 1]
        hcols.append(jnp.dot(gin_k, gatW_ref[:, k * 128:(k + 1) * 128],
                             preferred_element_type=f32))
    gat_hidden = jax.nn.relu(
        jnp.concatenate(hcols, axis=1) + gatb_ref[...].reshape(1, 1024))
    gt_b = vecs_ref[1:2, :]
    gat_x = jnp.dot(gat_hidden, gtW_ref[...], preferred_element_type=f32) + gt_b

    mean = acc_ref[:, 0:128] / jnp.maximum(cnt, 1.0)
    sage_bl = vecs_ref[2:3, :]
    sage_x = jax.nn.relu(
        jnp.dot(mean, sageWl_ref[...], preferred_element_type=f32) + sage_bl
        + jnp.dot(x, sageWr_ref[...], preferred_element_type=f32))

    s0 = vecs_ref[6, 0]
    s1 = vecs_ref[6, 1]
    s2 = vecs_ref[6, 2]
    merged = s0 * gcn_x + s1 * gat_x + s2 * sage_x
    mu = jnp.mean(merged, axis=1, keepdims=True)
    var = jnp.mean((merged - mu) ** 2, axis=1, keepdims=True)
    ln_w = vecs_ref[3:4, :]
    ln_b = vecs_ref[4:5, :]
    normed = (merged - mu) * jax.lax.rsqrt(var + 1e-5) * ln_w + ln_b
    fus_b = vecs_ref[5:6, :]
    out = (jnp.dot(normed, fusW_ref[:128, :], preferred_element_type=f32)
           + jnp.dot(x, fusW_ref[128:, :], preferred_element_type=f32)
           + fus_b)
    out_ref[...] = jax.nn.relu(out + x)


def _post(x_pad, aux, acc,
          gcn_W, gat_W, gt_W, sage_Wl, sage_Wr, fus_W, gat_b, vecs):
    grid = (NPAD // BLK,)
    row = lambda i: (i, 0)
    full = lambda i: (0, 0)
    return pl.pallas_call(
        _post_body,
        grid=grid,
        in_specs=[
            pl.BlockSpec((BLK, 128), row),
            pl.BlockSpec((BLK, 32), row),
            pl.BlockSpec((BLK, ACC_W), row),
            pl.BlockSpec((128, 128), full),
            pl.BlockSpec((128, 1024), full),
            pl.BlockSpec((1024, 128), full),
            pl.BlockSpec((128, 128), full),
            pl.BlockSpec((128, 128), full),
            pl.BlockSpec((256, 128), full),
            pl.BlockSpec((8, 128), full),
            pl.BlockSpec((8, 128), full),
        ],
        out_specs=pl.BlockSpec((BLK, 128), row),
        out_shape=jax.ShapeDtypeStruct((NPAD, 128), jnp.float32),
    )(x_pad, aux, acc, gcn_W, gat_W, gt_W, sage_Wl, sage_Wr, fus_W, gat_b,
      vecs)


def kernel(x, edge_index, gcn_W, gcn_b, gat_W, gat_att_src, gat_att_dst,
           gat_b, gt_W, gt_b, sage_Wl, sage_bl, sage_Wr, attn_w, ln_w, ln_b,
           fus_W, fus_b):
    N, D = x.shape
    H = gat_att_src.shape[0]
    src = edge_index[0].astype(jnp.int32)
    dst = edge_index[1].astype(jnp.int32)
    E = src.shape[0]

    Wg = gat_W.reshape(D, H, D)
    V_src = jnp.einsum('dhf,hf->dh', Wg, gat_att_src)
    V_dst = jnp.einsum('dhf,hf->dh', Wg, gat_att_dst)
    vcat = jnp.zeros((D, 128), jnp.float32)
    vcat = vcat.at[:, 0:H].set(V_src).at[:, H:2 * H].set(V_dst)

    x_pad = jnp.zeros((NPAD, D), jnp.float32).at[:N].set(x)

    a = _attn_logits(x_pad, vcat)
    a_s = a[:, 0:H]
    a_d = a[:, H:2 * H]

    epk = (dst << 14) | src
    epk = jnp.full((EPAD,), 16383 << 14, jnp.int32).at[:E].set(epk)

    zv = jnp.zeros((1024,), jnp.float32)
    cnt2 = _sc_cnt(epk, zv)
    cnt = cnt2[0] + cnt2[1]
    dinv = jax.lax.rsqrt(cnt + 1.0)

    meta = jnp.zeros((NPAD, 16), jnp.float32)
    meta = meta.at[:, 0:8].set(a_s).at[:, 8].set(dinv)
    adp = jnp.zeros((NPAD, 16), jnp.float32).at[:, 0:8].set(a_d)
    zr = jnp.zeros((16, ACC_W), jnp.float32)

    accs = _sc_main(epk, x_pad, meta, adp, zr)
    acc = accs.reshape(NPAD, ACC_W)

    aux = jnp.zeros((NPAD, 32), jnp.float32)
    aux = aux.at[:, 0].set(cnt)
    aux = aux.at[:, 1:9].set(a_s)
    aux = aux.at[:, 9:17].set(a_d)

    scores = jax.nn.softmax(attn_w, axis=0).reshape(3)
    vecs = jnp.zeros((8, 128), jnp.float32)
    vecs = (vecs.at[0, :].set(gcn_b).at[1, :].set(gt_b).at[2, :].set(sage_bl)
                .at[3, :].set(ln_w).at[4, :].set(ln_b).at[5, :].set(fus_b)
                .at[6, 0:3].set(scores))

    out = _post(x_pad, aux, acc, gcn_W, gat_W, gt_W, sage_Wl, sage_Wr,
                fus_W, gat_b.reshape(8, 128), vecs)
    return out[:N]

# --- scband reference (transcript-rebuilt; emitter-appended) ---
"""Pipeline reference for scband-hybrid-graph-conv-44367012168180 (READ-ONLY COPY).

The authoritative reference and input builder live on the scoring server;
editing this copy changes nothing except your own understanding.
"""

import jax, jax.numpy as jnp
import numpy as np

N = 10000
E = 160000
D = 128
H = 8


def setup_inputs(seed: int = 0):
    key = jax.random.key(seed)
    ks = jax.random.split(key, 12)
    s = 0.05
    inp = {}
    inp["x"] = jax.random.normal(ks[0], (N, D), dtype=jnp.float32)
    inp["edge_index"] = jax.random.randint(ks[1], (2, E), 0, N)
    inp["gcn_W"] = jax.random.normal(ks[2], (D, D), dtype=jnp.float32) * s
    inp["gcn_b"] = jnp.zeros((D,), dtype=jnp.float32)
    inp["gat_W"] = jax.random.normal(ks[3], (D, H * D), dtype=jnp.float32) * s
    inp["gat_att_src"] = jax.random.normal(ks[4], (H, D), dtype=jnp.float32) * s
    inp["gat_att_dst"] = jax.random.normal(ks[5], (H, D), dtype=jnp.float32) * s
    inp["gat_b"] = jnp.zeros((H * D,), dtype=jnp.float32)
    inp["gt_W"] = jax.random.normal(ks[6], (H * D, D), dtype=jnp.float32) * s
    inp["gt_b"] = jnp.zeros((D,), dtype=jnp.float32)
    inp["sage_Wl"] = jax.random.normal(ks[7], (D, D), dtype=jnp.float32) * s
    inp["sage_bl"] = jnp.zeros((D,), dtype=jnp.float32)
    inp["sage_Wr"] = jax.random.normal(ks[8], (D, D), dtype=jnp.float32) * s
    inp["attn_w"] = jax.random.normal(ks[9], (3, 1), dtype=jnp.float32)
    inp["ln_w"] = jnp.ones((D,), dtype=jnp.float32)
    inp["ln_b"] = jnp.zeros((D,), dtype=jnp.float32)
    inp["fus_W"] = jax.random.normal(ks[10], (2 * D, D), dtype=jnp.float32) * s
    inp["fus_b"] = jnp.zeros((D,), dtype=jnp.float32)
    return inp


def _gcn(x, src, dst, W, b):
    n = x.shape[0]
    loop = jnp.arange(n)
    s2 = jnp.concatenate([src, loop])
    d2 = jnp.concatenate([dst, loop])
    deg = jax.ops.segment_sum(jnp.ones_like(s2, dtype=x.dtype), d2, num_segments=n)
    dinv = jnp.where(deg > 0, 1.0 / jnp.sqrt(jnp.maximum(deg, 1e-12)), 0.0)
    norm = dinv[s2] * dinv[d2]
    h = x @ W
    return jax.ops.segment_sum(norm[:, None] * h[s2], d2, num_segments=n) + b


def _gat(x, src, dst, W, a_src, a_dst, b):
    n = x.shape[0]
    h = (x @ W).reshape(n, H, D)
    alpha_src = (h * a_src[None, :, :]).sum(-1)
    alpha_dst = (h * a_dst[None, :, :]).sum(-1)
    loop = jnp.arange(n)
    s2 = jnp.concatenate([src, loop])
    d2 = jnp.concatenate([dst, loop])
    e = jax.nn.leaky_relu(alpha_src[s2] + alpha_dst[d2], negative_slope=0.2)
    m = jax.ops.segment_max(e, d2, num_segments=n)
    ex = jnp.exp(e - m[d2])
    ssum = jax.ops.segment_sum(ex, d2, num_segments=n)
    alpha = ex / (ssum[d2] + 1e-16)
    out = jax.ops.segment_sum(h[s2] * alpha[:, :, None], d2, num_segments=n)
    return out.reshape(n, H * D) + b


def _sage(x, src, dst, Wl, bl, Wr):
    n = x.shape[0]
    cnt = jax.ops.segment_sum(jnp.ones_like(src, dtype=x.dtype), dst, num_segments=n)
    agg = jax.ops.segment_sum(x[src], dst, num_segments=n)
    mean = agg / jnp.maximum(cnt, 1.0)[:, None]
    return mean @ Wl + bl + x @ Wr


def reference(x, edge_index, gcn_W, gcn_b, gat_W, gat_att_src, gat_att_dst, gat_b, gt_W, gt_b, sage_Wl, sage_bl, sage_Wr, attn_w, ln_w, ln_b, fus_W, fus_b):
    src = edge_index[0]
    dst = edge_index[1]
    identity = x
    gcn_x = jax.nn.relu(_gcn(x, src, dst, gcn_W, gcn_b))
    gat_x = jax.nn.relu(_gat(x, src, dst, gat_W, gat_att_src, gat_att_dst, gat_b))
    gat_x = gat_x @ gt_W + gt_b
    sage_x = jax.nn.relu(_sage(x, src, dst, sage_Wl, sage_bl, sage_Wr))
    scores = jax.nn.softmax(attn_w, axis=0).reshape(3, 1, 1)
    merged = (scores * jnp.stack([gcn_x, gat_x, sage_x], axis=0)).sum(0)
    mu = merged.mean(-1, keepdims=True)
    var = ((merged - mu) ** 2).mean(-1, keepdims=True)
    merged = (merged - mu) / jnp.sqrt(var + 1e-5) * ln_w + ln_b
    out = jnp.concatenate([merged, identity], axis=1) @ fus_W + fus_b
    return jax.nn.relu(out + identity)

if __name__ == "__main__":
    import jax
    _d = setup_inputs()
    print(jax.jit(kernel)(*tuple(_d.values())))

</pallas_src>

<mosaic_0001>
#map = affine_map<(d0, d1) -> (0)>
#map1 = affine_map<(d0, d1) -> (0, 0)>
#map2 = affine_map<(d0, d1) -> (0, 0, 0)>
module attributes {stable_mosaic.version = 14 : i64} {
  func.func @_main_body(%arg0: i32, %arg1: i32, %arg2: memref<163840xi32, #tpu.memory_space<hbm>>, %arg3: memref<10752x128xf32, #tpu.memory_space<hbm>>, %arg4: memref<10752x16xf32, #tpu.memory_space<hbm>>, %arg5: memref<10752x16xf32, #tpu.memory_space<hbm>>, %arg6: memref<16x1408xf32, #tpu.memory_space<hbm>>, %arg7: memref<28x384x1408xf32, #tpu.memory_space<hbm>>, %arg8: memref<512xi32, #tpu.memory_space<vmem>>, %arg9: memref<768xi32, #tpu.memory_space<vmem>>, %arg10: memref<128xi32, #tpu.memory_space<vmem>>, %arg11: memref<128x128xf32, #tpu.memory_space<vmem>>, %arg12: memref<128x16xf32, #tpu.memory_space<vmem>>, %arg13: memref<384x16xf32, #tpu.memory_space<vmem>>, %arg14: memref<32x1408xf32, #tpu.memory_space<vmem>>, %arg15: memref<16x1408xf32, #tpu.memory_space<vmem>>, %arg16: memref<384x1408xf32, #tpu.memory_space<vmem_shared>>, %arg17: memref<!tpu.dma_semaphore, #tpu.memory_space<semaphore_mem>>, %arg18: memref<!tpu.dma_semaphore, #tpu.memory_space<semaphore_mem>>) attributes {dimension_semantics = [#tpu.dimension_semantics<core_parallel>, #tpu.dimension_semantics<subcore_parallel>], iteration_bounds = array<i64: 2, 16>, scalar_prefetch = 0 : i64, scratch_operands = 11 : i64, tpu.core_type = #tpu.core_type<sc_vector_subcore>, window_params = [{transform_indices = #map}, {transform_indices = #map1}, {transform_indices = #map1}, {transform_indices = #map1}, {transform_indices = #map1}, {transform_indices = #map2}]} {
    %iota3A = tpu.iota {dimensions = array<i32: 0>} : vector<16xi32>
    %broadcast_in_dim3A = arith.constant 6291456 : i32
    %broadcast_in_dim3A_0 = vector.broadcast %broadcast_in_dim3A : i32 to vector<16xi32>
    "tpu.region"() ({
      %run_scoped3A = tpu.sem_alloc : memref<!tpu.dma_semaphore, #tpu.memory_space<semaphore_mem>>
      tpu.enqueue_dma source(%arg6 : memref<16x1408xf32, #tpu.memory_space<hbm>>) target(%arg15 : memref<16x1408xf32, #tpu.memory_space<vmem>>) target_semaphore(%run_scoped3A : memref<!tpu.dma_semaphore, #tpu.memory_space<semaphore_mem>>)
      tpu.wait_dma2 semaphore(%run_scoped3A : memref<!tpu.dma_semaphore, #tpu.memory_space<semaphore_mem>>) src(%arg6 : memref<16x1408xf32, #tpu.memory_space<hbm>>) dst(%arg15 : memref<16x1408xf32, #tpu.memory_space<vmem>>)
      tpu.yield
    }) : () -> ()
    %mul3A = arith.constant 24 : i32
    %mul3A_1 = arith.muli %arg1, %mul3A : i32
    %scan3A = arith.constant 0 : i32
    %scan3A_2 = arith.constant 0 : i32
    %scan3A_3 = arith.constant 14 : i32
    %scan3A_4 = arith.addi %scan3A_2, %scan3A_3 : i32
    %scan3A_5 = arith.constant 1 : i32
    scf.for %scan3A_7 = %scan3A_2 to %scan3A_4 step %scan3A_5  : i32 {
      %mul3A_8 = arith.constant 2 : i32
      %mul3A_9 = arith.muli %scan3A_7, %mul3A_8 : i32
      %add3A = arith.addi %mul3A_9, %arg0 : i32
      %mul3A_10 = arith.constant 384 : i32
      %mul3A_11 = arith.muli %add3A, %mul3A_10 : i32
      %mul3A_12 = arith.constant 2 : i32
      %mul3A_13 = arith.muli %scan3A_7, %mul3A_12 : i32
      %add3A_14 = arith.addi %mul3A_13, %arg0 : i32
      "tpu.region"() ({
        %run_scoped3A = tpu.sem_alloc : memref<!tpu.dma_semaphore, #tpu.memory_space<semaphore_mem>>
        %dma_start3A = arith.constant 0 : i32
        %dma_start3A_33 = tpu.memref_slice %arg16[%mul3A_1, %dma_start3A] : memref<384x1408xf32, #tpu.memory_space<vmem_shared>> -> memref<16x1408xf32, #tpu.memory_space<vmem_shared>>
        %dma_start3A_34 = arith.constant 0 : i32
        %dma_start3A_35 = tpu.memref_slice %arg16[%mul3A_1, %dma_start3A_34] : memref<384x1408xf32, #tpu.memory_space<vmem_shared>> -> memref<16x1408xf32, #tpu.memory_space<vmem_shared>>
        tpu.enqueue_dma source(%arg15 : memref<16x1408xf32, #tpu.memory_space<vmem>>) target(%dma_start3A_35 : memref<16x1408xf32, #tpu.memory_space<vmem_shared>>) target_semaphore(%run_scoped3A : memref<!tpu.dma_semaphore, #tpu.memory_space<semaphore_mem>>)
        %dma_wait3A = arith.constant 0 : i32
        %dma_wait3A_36 = tpu.memref_slice %arg16[%mul3A_1, %dma_wait3A] : memref<384x1408xf32, #tpu.memory_space<vmem_shared>> -> memref<16x1408xf32, #tpu.memory_space<vmem_shared>>
        %dma_wait3A_37 = arith.constant 0 : i32
        %dma_wait3A_38 = tpu.memref_slice %arg16[%mul3A_1, %dma_wait3A_37] : memref<384x1408xf32, #tpu.memory_space<vmem_shared>> -> memref<16x1408xf32, #tpu.memory_space<vmem_shared>>
        tpu.wait_dma2 semaphore(%run_scoped3A : memref<!tpu.dma_semaphore, #tpu.memory_space<semaphore_mem>>) src(%arg15 : memref<16x1408xf32, #tpu.memory_space<vmem>>) dst(%dma_wait3A_38 : memref<16x1408xf32, #tpu.memory_space<vmem_shared>>)
        tpu.yield
      }) : () -> ()
      %add3A_15 = arith.constant 16 : i32
      %add3A_16 = arith.addi %mul3A_1, %add3A_15 : i32
      "tpu.region"() ({
        %run_scoped3A = tpu.sem_alloc : memref<!tpu.dma_semaphore, #tpu.memory_space<semaphore_mem>>
        %dma_start3A = arith.constant 0 : i32
        %dma_start3A_33 = arith.constant 0 : i32
        %dma_start3A_34 = tpu.memref_slice %arg15[%dma_start3A, %dma_start3A_33] : memref<16x1408xf32, #tpu.memory_space<vmem>> -> memref<8x1408xf32, #tpu.memory_space<vmem>>
        %dma_start3A_35 = arith.constant 0 : i32
        %dma_start3A_36 = tpu.memref_slice %arg16[%add3A_16, %dma_start3A_35] : memref<384x1408xf32, #tpu.memory_space<vmem_shared>> -> memref<8x1408xf32, #tpu.memory_space<vmem_shared>>
        %dma_start3A_37 = arith.constant 0 : i32
        %dma_start3A_38 = tpu.memref_slice %arg16[%add3A_16, %dma_start3A_37] : memref<384x1408xf32, #tpu.memory_space<vmem_shared>> -> memref<8x1408xf32, #tpu.memory_space<vmem_shared>>
        %dma_start3A_39 = arith.constant 0 : i32
        %dma_start3A_40 = arith.constant 0 : i32
        %dma_start3A_41 = tpu.memref_slice %arg15[%dma_start3A_39, %dma_start3A_40] : memref<16x1408xf32, #tpu.memory_space<vmem>> -> memref<8x1408xf32, #tpu.memory_space<vmem>>
        tpu.enqueue_dma source(%dma_start3A_41 : memref<8x1408xf32, #tpu.memory_space<vmem>>) target(%dma_start3A_38 : memref<8x1408xf32, #tpu.memory_space<vmem_shared>>) target_semaphore(%run_scoped3A : memref<!tpu.dma_semaphore, #tpu.memory_space<semaphore_mem>>)
        %dma_wait3A = arith.constant 0 : i32
        %dma_wait3A_42 = arith.constant 0 : i32
        %dma_wait3A_43 = tpu.memref_slice %arg15[%dma_wait3A, %dma_wait3A_42] : memref<16x1408xf32, #tpu.memory_space<vmem>> -> memref<8x1408xf32, #tpu.memory_space<vmem>>
        %dma_wait3A_44 = arith.constant 0 : i32
        %dma_wait3A_45 = tpu.memref_slice %arg16[%add3A_16, %dma_wait3A_44] : memref<384x1408xf32, #tpu.memory_space<vmem_shared>> -> memref<8x1408xf32, #tpu.memory_space<vmem_shared>>
        %dma_wait3A_46 = arith.constant 0 : i32
        %dma_wait3A_47 = tpu.memref_slice %arg16[%add3A_16, %dma_wait3A_46] : memref<384x1408xf32, #tpu.memory_space<vmem_shared>> -> memref<8x1408xf32, #tpu.memory_space<vmem_shared>>
        %dma_wait3A_48 = arith.constant 0 : i32
        %dma_wait3A_49 = arith.constant 0 : i32
        %dma_wait3A_50 = tpu.memref_slice %arg15[%dma_wait3A_48, %dma_wait3A_49] : memref<16x1408xf32, #tpu.memory_space<vmem>> -> memref<8x1408xf32, #tpu.memory_space<vmem>>
        tpu.wait_dma2 semaphore(%run_scoped3A : memref<!tpu.dma_semaphore, #tpu.memory_space<semaphore_mem>>) src(%dma_wait3A_50 : memref<8x1408xf32, #tpu.memory_space<vmem>>) dst(%dma_wait3A_47 : memref<8x1408xf32, #tpu.memory_space<vmem_shared>>)
        tpu.yield
      }) : () -> ()
      "tpu.region"() ({
        %run_scoped3A = tpu.sem_alloc : memref<!tpu.dma_semaphore, #tpu.memory_space<semaphore_mem>>
        %dma_start3A = arith.constant 0 : i32
        %dma_start3A_33 = arith.constant 0 : i32
        %dma_start3A_34 = tpu.memref_slice %arg13[%dma_start3A, %dma_start3A_33] : memref<384x16xf32, #tpu.memory_space<vmem>> -> memref<384x16xf32, #tpu.memory_space<vmem>>
        %dma_start3A_35 = arith.constant 0 : i32
        %dma_start3A_36 = tpu.memref_slice %arg5[%mul3A_11, %dma_start3A_35] : memref<10752x16xf32, #tpu.memory_space<hbm>> -> memref<384x16xf32, #tpu.memory_space<hbm>>
        %dma_start3A_37 = arith.constant 0 : i32
        %dma_start3A_38 = arith.constant 0 : i32
        %dma_start3A_39 = tpu.memref_slice %arg13[%dma_start3A_37, %dma_start3A_38] : memref<384x16xf32, #tpu.memory_space<vmem>> -> memref<384x16xf32, #tpu.memory_space<vmem>>
        %dma_start3A_40 = arith.constant 0 : i32
        %dma_start3A_41 = tpu.memref_slice %arg5[%mul3A_11, %dma_start3A_40] : memref<10752x16xf32, #tpu.memory_space<hbm>> -> memref<384x16xf32, #tpu.memory_space<hbm>>
        tpu.enqueue_dma source(%dma_start3A_41 : memref<384x16xf32, #tpu.memory_space<hbm>>) target(%dma_start3A_39 : memref<384x16xf32, #tpu.memory_space<vmem>>) target_semaphore(%run_scoped3A : memref<!tpu.dma_semaphore, #tpu.memory_space<semaphore_mem>>)
        %dma_wait3A = arith.constant 0 : i32
        %dma_wait3A_42 = arith.constant 0 : i32
        %dma_wait3A_43 = tpu.memref_slice %arg13[%dma_wait3A, %dma_wait3A_42] : memref<384x16xf32, #tpu.memory_space<vmem>> -> memref<384x16xf32, #tpu.memory_space<vmem>>
        %dma_wait3A_44 = arith.constant 0 : i32
        %dma_wait3A_45 = tpu.memref_slice %arg5[%mul3A_11, %dma_wait3A_44] : memref<10752x16xf32, #tpu.memory_space<hbm>> -> memref<384x16xf32, #tpu.memory_space<hbm>>
        %dma_wait3A_46 = arith.constant 0 : i32
        %dma_wait3A_47 = arith.constant 0 : i32
        %dma_wait3A_48 = tpu.memref_slice %arg13[%dma_wait3A_46, %dma_wait3A_47] : memref<384x16xf32, #tpu.memory_space<vmem>> -> memref<384x16xf32, #tpu.memory_space<vmem>>
        %dma_wait3A_49 = arith.constant 0 : i32
        %dma_wait3A_50 = tpu.memref_slice %arg5[%mul3A_11, %dma_wait3A_49] : memref<10752x16xf32, #tpu.memory_space<hbm>> -> memref<384x16xf32, #tpu.memory_space<hbm>>
        tpu.wait_dma2 semaphore(%run_scoped3A : memref<!tpu.dma_semaphore, #tpu.memory_space<semaphore_mem>>) src(%dma_wait3A_50 : memref<384x16xf32, #tpu.memory_space<hbm>>) dst(%dma_wait3A_48 : memref<384x16xf32, #tpu.memory_space<vmem>>)
        tpu.yield
      }) : () -> ()
      %barrier3A = arith.constant 0 : index
      tpu.barrier barrier_id(%barrier3A)
      %scan3A_17 = arith.constant 0 : i32
      %scan3A_18 = arith.constant 0 : i32
      %scan3A_19 = arith.constant 48 : i32
      %scan3A_20 = arith.addi %scan3A_18, %scan3A_19 : i32
      %scan3A_21 = arith.constant 1 : i32
      scf.for %scan3A_33 = %scan3A_18 to %scan3A_20 step %scan3A_21  : i32 {
        %mul3A_34 = arith.constant 16 : i32
        %mul3A_35 = arith.muli %scan3A_33, %mul3A_34 : i32
        %swap3A = arith.index_cast %mul3A_35 : i32 to index
        %swap3A_36 = tpu.vector_load %arg9[%swap3A] {strides = array<i32>} : memref<768xi32, #tpu.memory_space<vmem>>, vector<16xi32>,
        tpu.vector_store %arg9[%swap3A], %broadcast_in_dim3A_0 {strides = array<i32>} : memref<768xi32, #tpu.memory_space<vmem>>, vector<16xi32>,
      }
      %scan3A_22 = arith.constant 48 : i32
      %scan3A_23 = arith.constant 0 : i32
      %scan3A_24 = arith.constant 0 : i32
      %scan3A_25 = arith.constant 20 : i32
      %scan3A_26 = arith.addi %scan3A_24, %scan3A_25 : i32
      %scan3A_27 = arith.constant 1 : i32
      %scan3A_28 = scf.for %scan3A_33 = %scan3A_24 to %scan3A_26 step %scan3A_27 iter_args(%scan3A_34 = %scan3A_23) -> (i32)  : i32 {
        %mul3A_35 = arith.constant 10240 : i32
        %mul3A_36 = arith.muli %arg1, %mul3A_35 : i32
        %mul3A_37 = arith.constant 512 : i32
        %mul3A_38 = arith.muli %scan3A_33, %mul3A_37 : i32
        %add3A_39 = arith.addi %mul3A_36, %mul3A_38 : i32
        "tpu.region"() ({
          %run_scoped3A = tpu.sem_alloc : memref<!tpu.dma_semaphore, #tpu.memory_space<semaphore_mem>>
          %dma_start3A = tpu.memref_slice %arg2[%add3A_39] : memref<163840xi32, #tpu.memory_space<hbm>> -> memref<512xi32, #tpu.memory_space<hbm>>
          %dma_start3A_126 = tpu.memref_slice %arg2[%add3A_39] : memref<163840xi32, #tpu.memory_space<hbm>> -> memref<512xi32, #tpu.memory_space<hbm>>
          tpu.enqueue_dma source(%dma_start3A_126 : memref<512xi32, #tpu.memory_space<hbm>>) target(%arg8 : memref<512xi32, #tpu.memory_space<vmem>>) target_semaphore(%run_scoped3A : memref<!tpu.dma_semaphore, #tpu.memory_space<semaphore_mem>>)
          %dma_wait3A = tpu.memref_slice %arg2[%add3A_39] : memref<163840xi32, #tpu.memory_space<hbm>> -> memref<512xi32, #tpu.memory_space<hbm>>
          %dma_wait3A_127 = tpu.memref_slice %arg2[%add3A_39] : memref<163840xi32, #tpu.memory_space<hbm>> -> memref<512xi32, #tpu.memory_space<hbm>>
          tpu.wait_dma2 semaphore(%run_scoped3A : memref<!tpu.dma_semaphore, #tpu.memory_space<semaphore_mem>>) src(%dma_wait3A_127 : memref<512xi32, #tpu.memory_space<hbm>>) dst(%arg8 : memref<512xi32, #tpu.memory_space<vmem>>)
          tpu.yield
        }) : () -> ()
        %scan3A_40 = arith.constant 0 : i32
        %scan3A_41 = arith.constant 32 : i32
        %scan3A_42 = arith.addi %scan3A_40, %scan3A_41 : i32
        %scan3A_43 = arith.constant 1 : i32
        %scan3A_44 = scf.for %scan3A_126 = %scan3A_40 to %scan3A_42 step %scan3A_43 iter_args(%scan3A_127 = %scan3A_34) -> (i32)  : i32 {
          %mul3A_128 = arith.constant 16 : i32
          %mul3A_129 = arith.muli %scan3A_126, %mul3A_128 : i32
          %get3A_130 = arith.index_cast %mul3A_129 : i32 to index
          %get3A_131 = tpu.vector_load %arg8[%get3A_130] {strides = array<i32>} : memref<512xi32, #tpu.memory_space<vmem>>, vector<16xi32>,
          %shift_right_arithmetic3A = arith.constant 14 : i32
          %shift_right_arithmetic3A_132 = vector.broadcast %shift_right_arithmetic3A : i32 to vector<16xi32>
          %shift_right_arithmetic3A_133 = arith.shrsi %get3A_131, %shift_right_arithmetic3A_132 : vector<16xi32>
          %ge3A = vector.broadcast %mul3A_11 : i32 to vector<16xi32>
          %ge3A_134 = arith.cmpi sge, %shift_right_arithmetic3A_133, %ge3A : vector<16xi32>
          %add3A_135 = arith.constant 384 : i32
          %add3A_136 = arith.addi %mul3A_11, %add3A_135 : i32
          %lt3A = vector.broadcast %add3A_136 : i32 to vector<16xi32>
          %lt3A_137 = arith.cmpi slt, %shift_right_arithmetic3A_133, %lt3A : vector<16xi32>
          %and3A_138 = arith.andi %ge3A_134, %lt3A_137 : vector<16xi1>
          %convert_element_type3A_139 = arith.extui %and3A_138 : vector<16xi1> to vector<16xi32>
          %reduce_sum3A = arith.constant true
          %reduce_sum3A_140 = vector.broadcast %reduce_sum3A : i1 to vector<16xi1>
          %reduce_sum3A_141 = tpu.scan <sum>, %convert_element_type3A_139 masked %reduce_sum3A_140 : vector<16xi32>, vector<16xi1> -> vector<16xi32>
          %reduce_sum3A_142 = vector.extract %reduce_sum3A_141[15] : i32 from vector<16xi32>
          %sub3A_143 = vector.broadcast %mul3A_11 : i32 to vector<16xi32>
          %sub3A_144 = arith.subi %shift_right_arithmetic3A_133, %sub3A_143 : vector<16xi32>
          %shift_left3A = arith.constant 14 : i32
          %shift_left3A_145 = vector.broadcast %shift_left3A : i32 to vector<16xi32>
          %shift_left3A_146 = arith.shli %sub3A_144, %shift_left3A_145 : vector<16xi32>
          %and3A_147 = arith.constant 16383 : i32
          %and3A_148 = vector.broadcast %and3A_147 : i32 to vector<16xi32>
          %and3A_149 = arith.andi %get3A_131, %and3A_148 : vector<16xi32>
          %or3A = arith.ori %shift_left3A_146, %and3A_149 : vector<16xi32>
          %swap3A_150 = arith.index_cast %scan3A_127 : i32 to index
          %swap3A_151 = tpu.vector_load %arg9[%swap3A_150] masked %and3A_138 {strides = array<i32>} : memref<768xi32, #tpu.memory_space<vmem>>, vector<16xi32>, vector<16xi1>
          tpu.vector_store %arg9[%swap3A_150], %or3A masked %and3A_138 {strides = array<i32>} : memref<768xi32, #tpu.memory_space<vmem>>, vector<16xi32>, vector<16xi1>
          %add3A_152 = arith.addi %scan3A_127, %reduce_sum3A_142 : i32
          scf.yield %add3A_152 : i32
        }
        %scan3A_45 = arith.constant 32 : i32
        %jit3A = arith.constant 128 : i32
        %div3A = arith.divsi %scan3A_44, %jit3A : i32
        %sign3A = arith.constant 0 : i32
        %sign3A_46 = arith.cmpi sgt, %scan3A_44, %sign3A : i32
        %sign3A_47 = arith.extui %sign3A_46 : i1 to i32
        %sign3A_48 = arith.constant 0 : i32
        %sign3A_49 = arith.cmpi slt, %scan3A_44, %sign3A_48 : i32
        %sign3A_50 = arith.extui %sign3A_49 : i1 to i32
        %sign3A_51 = arith.subi %sign3A_47, %sign3A_50 : i32
        %sign3A_52 = arith.constant 0 : i32
        %sign3A_53 = arith.cmpi sgt, %jit3A, %sign3A_52 : i32
        %sign3A_54 = arith.extui %sign3A_53 : i1 to i32
        %sign3A_55 = arith.constant 0 : i32
        %sign3A_56 = arith.cmpi slt, %jit3A, %sign3A_55 : i32
        %sign3A_57 = arith.extui %sign3A_56 : i1 to i32
        %sign3A_58 = arith.subi %sign3A_54, %sign3A_57 : i32
        %ne3A = arith.cmpi ne, %sign3A_51, %sign3A_58 : i32
        %rem3A = arith.remsi %scan3A_44, %jit3A : i32
        %ne3A_59 = arith.constant 0 : i32
        %ne3A_60 = arith.cmpi ne, %rem3A, %ne3A_59 : i32
        %and3A = arith.andi %ne3A, %ne3A_60 : i1
        %sub3A = arith.constant 1 : i32
        %sub3A_61 = arith.subi %div3A, %sub3A : i32
        %select_n3A = arith.select %and3A, %sub3A_61, %div3A : i32
        %while3A = arith.constant 0 : i32
        %while3A_62 = arith.constant 0 : i32
        %while3A_63 = arith.subi %select_n3A, %while3A_62 : i32
        %while3A_64 = arith.addi %while3A_62, %while3A_63 : i32
        %while3A_65 = arith.constant 1 : i32
        %while3A_66 = arith.divsi %while3A_63, %while3A_65 : i32
        %while3A_67 = arith.muli %while3A_66, %while3A_65 : i32
        %while3A_68 = arith.addi %while3A_62, %while3A_67 : i32
        %while3A_69 = arith.constant 1 : i32
        scf.for %while3A_126 = %while3A_62 to %while3A_68 step %while3A_69  : i32 {
          %mul3A_127 = arith.constant 128 : i32
          %mul3A_128 = arith.muli %while3A_126, %mul3A_127 : i32
          %scan3A_129 = arith.constant 0 : i32
          %scan3A_130 = arith.constant 0 : i32
          %scan3A_131 = arith.constant 8 : i32
          %scan3A_132 = arith.addi %scan3A_130, %scan3A_131 : i32
          %scan3A_133 = arith.constant 1 : i32
          scf.for %scan3A_154 = %scan3A_130 to %scan3A_132 step %scan3A_133  : i32 {
            %mul3A_155 = arith.constant 16 : i32
            %mul3A_156 = arith.muli %scan3A_154, %mul3A_155 : i32
            %add3A_157 = arith.addi %mul3A_128, %mul3A_156 : i32
            %get3A_158 = arith.index_cast %add3A_157 : i32 to index
            %get3A_159 = tpu.vector_load %arg9[%get3A_158] {strides = array<i32>} : memref<768xi32, #tpu.memory_space<vmem>>, vector<16xi32>,
            %and3A_160 = arith.constant 16383 : i32
            %and3A_161 = vector.broadcast %and3A_160 : i32 to vector<16xi32>
            %and3A_162 = arith.andi %get3A_159, %and3A_161 : vector<16xi32>
            %mul3A_163 = arith.constant 16 : i32
            %mul3A_164 = arith.muli %scan3A_154, %mul3A_163 : i32
            %swap3A_165 = arith.index_cast %mul3A_164 : i32 to index
            %swap3A_166 = tpu.vector_load %arg10[%swap3A_165] {strides = array<i32>} : memref<128xi32, #tpu.memory_space<vmem>>, vector<16xi32>,
            tpu.vector_store %arg10[%swap3A_165], %and3A_162 {strides = array<i32>} : memref<128xi32, #tpu.memory_space<vmem>>, vector<16xi32>,
          }
          %scan3A_134 = arith.constant 8 : i32
          %dma_start3A = arith.constant 0 : i32
          %dma_start3A_135 = arith.constant 0 : i32
          %dma_start3A_136 = tpu.memref_slice %arg3[%dma_start3A, %dma_start3A_135] : memref<10752x128xf32, #tpu.memory_space<hbm>> -> memref<10752x128xf32, #tpu.memory_space<hbm>>
          tpu.enqueue_indirect_dma source(%dma_start3A_136 : memref<10752x128xf32, #tpu.memory_space<hbm>>) target(%arg11 : memref<128x128xf32, #tpu.memory_space<vmem>>) offsets(%arg10 : memref<128xi32, #tpu.memory_space<vmem>>) semaphore(%arg17 : memref<!tpu.dma_semaphore, #tpu.memory_space<semaphore_mem>>)
          %dma_start3A_137 = arith.constant 0 : i32
          %dma_start3A_138 = arith.constant 0 : i32
          %dma_start3A_139 = tpu.memref_slice %arg4[%dma_start3A_137, %dma_start3A_138] : memref<10752x16xf32, #tpu.memory_space<hbm>> -> memref<10752x16xf32, #tpu.memory_space<hbm>>
          tpu.enqueue_indirect_dma source(%dma_start3A_139 : memref<10752x16xf32, #tpu.memory_space<hbm>>) target(%arg12 : memref<128x16xf32, #tpu.memory_space<vmem>>) offsets(%arg10 : memref<128xi32, #tpu.memory_space<vmem>>) semaphore(%arg17 : memref<!tpu.dma_semaphore, #tpu.memory_space<semaphore_mem>>)
          %dma_wait3A = arith.constant 0 : i32
          %dma_wait3A_140 = arith.constant 0 : i32
          %dma_wait3A_141 = tpu.memref_slice %arg3[%dma_wait3A, %dma_wait3A_140] : memref<10752x128xf32, #tpu.memory_space<hbm>> -> memref<10752x128xf32, #tpu.memory_space<hbm>>
          tpu.wait_indirect_dma semaphore(%arg17 : memref<!tpu.dma_semaphore, #tpu.memory_space<semaphore_mem>>) src(%dma_wait3A_141 : memref<10752x128xf32, #tpu.memory_space<hbm>>) dst(%arg11 : memref<128x128xf32, #tpu.memory_space<vmem>>)
          %dma_wait3A_142 = arith.constant 0 : i32
          %dma_wait3A_143 = arith.constant 0 : i32
          %dma_wait3A_144 = tpu.memref_slice %arg4[%dma_wait3A_142, %dma_wait3A_143] : memref<10752x16xf32, #tpu.memory_space<hbm>> -> memref<10752x16xf32, #tpu.memory_space<hbm>>
          tpu.wait_indirect_dma semaphore(%arg17 : memref<!tpu.dma_semaphore, #tpu.memory_space<semaphore_mem>>) src(%dma_wait3A_144 : memref<10752x16xf32, #tpu.memory_space<hbm>>) dst(%arg12 : memref<128x16xf32, #tpu.memory_space<vmem>>)
          %scan3A_145 = arith.constant 0 : i32
          %scan3A_146 = arith.constant 0 : i32
          %scan3A_147 = arith.constant 8 : i32
          %scan3A_148 = arith.addi %scan3A_146, %scan3A_147 : i32
          %scan3A_149 = arith.constant 1 : i32
          scf.for %scan3A_154 = %scan3A_146 to %scan3A_148 step %scan3A_149  : i32 {
            %mul3A_155 = arith.constant 16 : i32
            %mul3A_156 = arith.muli %scan3A_154, %mul3A_155 : i32
            %add3A_157 = arith.addi %mul3A_128, %mul3A_156 : i32
            %get3A_158 = arith.index_cast %add3A_157 : i32 to index
            %get3A_159 = tpu.vector_load %arg9[%get3A_158] {strides = array<i32>} : memref<768xi32, #tpu.memory_space<vmem>>, vector<16xi32>,
            %shift_right_arithmetic3A = arith.constant 14 : i32
            %shift_right_arithmetic3A_160 = vector.broadcast %shift_right_arithmetic3A : i32 to vector<16xi32>
            %shift_right_arithmetic3A_161 = arith.shrsi %get3A_159, %shift_right_arithmetic3A_160 : vector<16xi32>
            %lt3A = arith.constant 384 : i32
            %lt3A_162 = vector.broadcast %lt3A : i32 to vector<16xi32>
            %lt3A_163 = arith.cmpi slt, %shift_right_arithmetic3A_161, %lt3A_162 : vector<16xi32>
            %jit3A_164 = arith.constant 0 : i32
            %broadcast_in_dim3A_165 = vector.broadcast %jit3A_164 : i32 to vector<16xi32>
            %select_n3A_166 = arith.select %lt3A_163, %shift_right_arithmetic3A_161, %broadcast_in_dim3A_165 : vector<16xi1>, vector<16xi32>
            %lt3A_167 = arith.constant 384 : i32
            %lt3A_168 = vector.broadcast %lt3A_167 : i32 to vector<16xi32>
            %lt3A_169 = arith.cmpi slt, %shift_right_arithmetic3A_161, %lt3A_168 : vector<16xi32>
            %jit3A_170 = arith.constant 1.000000e+00 : f32
            %jit3A_171 = arith.constant 0.000000e+00 : f32
            %broadcast_in_dim3A_172 = vector.broadcast %jit3A_170 : f32 to vector<16xf32>
            %broadcast_in_dim3A_173 = vector.broadcast %jit3A_171 : f32 to vector<16xf32>
            %select_n3A_174 = arith.select %lt3A_169, %broadcast_in_dim3A_172, %broadcast_in_dim3A_173 : vector<16xi1>, vector<16xf32>
            %and3A_175 = arith.constant 1 : i32
            %and3A_176 = arith.andi %scan3A_154, %and3A_175 : i32
            %mul3A_177 = arith.constant 16 : i32
            %mul3A_178 = arith.muli %and3A_176, %mul3A_177 : i32
            %scan3A_179 = arith.constant 0 : i32
            %scan3A_180 = arith.constant 0 : i32
            %scan3A_181 = arith.constant 16 : i32
            %scan3A_182 = arith.addi %scan3A_180, %scan3A_181 : i32
            %scan3A_183 = arith.constant 1 : i32
            scf.for %scan3A_194 = %scan3A_180 to %scan3A_182 step %scan3A_183  : i32 {
              %mul3A_195 = arith.constant 16 : i32
              %mul3A_196 = arith.muli %scan3A_154, %mul3A_195 : i32
              %add3A_197 = arith.addi %mul3A_196, %scan3A_194 : i32
              %add3A_198 = arith.addi %mul3A_178, %scan3A_194 : i32
              %broadcast_in_dim3A_199 = vector.broadcast %scan3A_194 : i32 to vector<16x1xi32>
              %gather3A = vector.shape_cast %broadcast_in_dim3A_199 : vector<16x1xi32> to vector<16xi32>
              %gather3A_200 = tpu.dynamic_gather %select_n3A_166[%gather3A] in [0] : vector<16xi32>, vector<16xi32> -> vector<16xi32>
              %broadcast_in_dim3A_201 = vector.broadcast %scan3A_194 : i32 to vector<16x1xi32>
              %gather3A_202 = vector.shape_cast %broadcast_in_dim3A_201 : vector<16x1xi32> to vector<16xi32>
              %gather3A_203 = tpu.dynamic_gather %select_n3A_174[%gather3A_202] in [0] : vector<16xf32>, vector<16xi32> -> vector<16xf32>
              %get3A_204 = arith.index_cast %add3A_197 : i32 to index
              %get3A_205 = arith.constant 0 : index
              %get3A_206 = tpu.vector_load %arg12[%get3A_204, %get3A_205] {strides = array<i32>} : memref<128x16xf32, #tpu.memory_space<vmem>>, vector<16xf32>,
              %gather3A_207 = tpu.vector_load_idx %arg13[%gather3A_200, %iota3A] : memref<384x16xf32, #tpu.memory_space<vmem>>[vector<16xi32>, vector<16xi32>], vector<16xf32>,
              %add3A_208 = arith.addf %get3A_206, %gather3A_207 : vector<16xf32>
              %ge3A_209 = arith.constant 0.000000e+00 : f32
              %ge3A_210 = vector.broadcast %ge3A_209 : f32 to vector<16xf32>
              %ge3A_211 = arith.cmpf oge, %add3A_208, %ge3A_210 : vector<16xf32>
              %mul3A_212 = arith.constant 2.000000e-01 : f32
              %mul3A_213 = vector.broadcast %mul3A_212 : f32 to vector<16xf32>
              %mul3A_214 = arith.mulf %mul3A_213, %add3A_208 : vector<16xf32>
              %select_n3A_215 = arith.select %ge3A_211, %add3A_208, %mul3A_214 : vector<16xi1>, vector<16xf32>
              %exp3A = math.exp %select_n3A_215 : vector<16xf32>
              %mul3A_216 = arith.mulf %exp3A, %gather3A_203 : vector<16xf32>
              %broadcast_in_dim3A_217 = arith.constant 8 : i32
              %broadcast_in_dim3A_218 = vector.broadcast %broadcast_in_dim3A_217 : i32 to vector<16x1xi32>
              %gather3A_219 = vector.shape_cast %broadcast_in_dim3A_218 : vector<16x1xi32> to vector<16xi32>
              %gather3A_220 = tpu.dynamic_gather %get3A_206[%gather3A_219] in [0] : vector<16xf32>, vector<16xi32> -> vector<16xf32>
              %mul3A_221 = arith.mulf %gather3A_220, %gather3A_203 : vector<16xf32>
              %get3A_222 = arith.index_cast %add3A_197 : i32 to index
              %get3A_223 = arith.constant 0 : index
              %get3A_224 = tpu.vector_load %arg11[%get3A_222, %get3A_223] {strides = array<i32>} : memref<128x128xf32, #tpu.memory_space<vmem>>, vector<16xf32>,
              %get3A_225 = arith.index_cast %add3A_197 : i32 to index
              %get3A_226 = arith.constant 16 : index
              %get3A_227 = tpu.vector_load %arg11[%get3A_225, %get3A_226] {strides = array<i32>} : memref<128x128xf32, #tpu.memory_space<vmem>>, vector<16xf32>,
              %get3A_228 = arith.index_cast %add3A_197 : i32 to index
              %get3A_229 = arith.constant 32 : index
              %get3A_230 = tpu.vector_load %arg11[%get3A_228, %get3A_229] {strides = array<i32>} : memref<128x128xf32, #tpu.memory_space<vmem>>, vector<16xf32>,
              %get3A_231 = arith.index_cast %add3A_197 : i32 to index
              %get3A_232 = arith.constant 48 : index
              %get3A_233 = tpu.vector_load %arg11[%get3A_231, %get3A_232] {strides = array<i32>} : memref<128x128xf32, #tpu.memory_space<vmem>>, vector<16xf32>,
              %get3A_234 = arith.index_cast %add3A_197 : i32 to index
              %get3A_235 = arith.constant 64 : index
              %get3A_236 = tpu.vector_load %arg11[%get3A_234, %get3A_235] {strides = array<i32>} : memref<128x128xf32, #tpu.memory_space<vmem>>, vector<16xf32>,
              %get3A_237 = arith.index_cast %add3A_197 : i32 to index
              %get3A_238 = arith.constant 80 : index
              %get3A_239 = tpu.vector_load %arg11[%get3A_237, %get3A_238] {strides = array<i32>} : memref<128x128xf32, #tpu.memory_space<vmem>>, vector<16xf32>,
              %get3A_240 = arith.index_cast %add3A_197 : i32 to index
              %get3A_241 = arith.constant 96 : index
              %get3A_242 = tpu.vector_load %arg11[%get3A_240, %get3A_241] {strides = array<i32>} : memref<128x128xf32, #tpu.memory_space<vmem>>, vector<16xf32>,
              %get3A_243 = arith.index_cast %add3A_197 : i32 to index
              %get3A_244 = arith.constant 112 : index
              %get3A_245 = tpu.vector_load %arg11[%get3A_243, %get3A_244] {strides = array<i32>} : memref<128x128xf32, #tpu.memory_space<vmem>>, vector<16xf32>,
              %mul3A_246 = arith.mulf %get3A_224, %gather3A_203 : vector<16xf32>
              %swap3A_247 = arith.index_cast %add3A_198 : i32 to index
              %swap3A_248 = arith.constant 0 : index
              %swap3A_249 = tpu.vector_load %arg14[%swap3A_247, %swap3A_248] {strides = array<i32>} : memref<32x1408xf32, #tpu.memory_space<vmem>>, vector<16xf32>,
              tpu.vector_store %arg14[%swap3A_247, %swap3A_248], %mul3A_246 {strides = array<i32>} : memref<32x1408xf32, #tpu.memory_space<vmem>>, vector<16xf32>,
              %mul3A_250 = arith.mulf %get3A_224, %mul3A_221 : vector<16xf32>
              %swap3A_251 = arith.index_cast %add3A_198 : i32 to index
              %swap3A_252 = arith.constant 128 : index
              %swap3A_253 = tpu.vector_load %arg14[%swap3A_251, %swap3A_252] {strides = array<i32>} : memref<32x1408xf32, #tpu.memory_space<vmem>>, vector<16xf32>,
              tpu.vector_store %arg14[%swap3A_251, %swap3A_252], %mul3A_250 {strides = array<i32>} : memref<32x1408xf32, #tpu.memory_space<vmem>>, vector<16xf32>,
              %mul3A_254 = arith.mulf %get3A_227, %gather3A_203 : vector<16xf32>
              %swap3A_255 = arith.index_cast %add3A_198 : i32 to index
              %swap3A_256 = arith.constant 16 : index
              %swap3A_257 = tpu.vector_load %arg14[%swap3A_255, %swap3A_256] {strides = array<i32>} : memref<32x1408xf32, #tpu.memory_space<vmem>>, vector<16xf32>,
              tpu.vector_store %arg14[%swap3A_255, %swap3A_256], %mul3A_254 {strides = array<i32>} : memref<32x1408xf32, #tpu.memory_space<vmem>>, vector<16xf32>,
              %mul3A_258 = arith.mulf %get3A_227, %mul3A_221 : vector<16xf32>
              %swap3A_259 = arith.index_cast %add3A_198 : i32 to index
              %swap3A_260 = arith.constant 144 : index
              %swap3A_261 = tpu.vector_load %arg14[%swap3A_259, %swap3A_260] {strides = array<i32>} : memref<32x1408xf32, #tpu.memory_space<vmem>>, vector<16xf32>,
              tpu.vector_store %arg14[%swap3A_259, %swap3A_260], %mul3A_258 {strides = array<i32>} : memref<32x1408xf32, #tpu.memory_space<vmem>>, vector<16xf32>,
              %mul3A_262 = arith.mulf %get3A_230, %gather3A_203 : vector<16xf32>
              %swap3A_263 = arith.index_cast %add3A_198 : i32 to index
              %swap3A_264 = arith.constant 32 : index
              %swap3A_265 = tpu.vector_load %arg14[%swap3A_263, %swap3A_264] {strides = array<i32>} : memref<32x1408xf32, #tpu.memory_space<vmem>>, vector<16xf32>,
              tpu.vector_store %arg14[%swap3A_263, %swap3A_264], %mul3A_262 {strides = array<i32>} : memref<32x1408xf32, #tpu.memory_space<vmem>>, vector<16xf32>,
              %mul3A_266 = arith.mulf %get3A_230, %mul3A_221 : vector<16xf32>
              %swap3A_267 = arith.index_cast %add3A_198 : i32 to index
              %swap3A_268 = arith.constant 160 : index
              %swap3A_269 = tpu.vector_load %arg14[%swap3A_267, %swap3A_268] {strides = array<i32>} : memref<32x1408xf32, #tpu.memory_space<vmem>>, vector<16xf32>,
              tpu.vector_store %arg14[%swap3A_267, %swap3A_268], %mul3A_266 {strides = array<i32>} : memref<32x1408xf32, #tpu.memory_space<vmem>>, vector<16xf32>,
              %mul3A_270 = arith.mulf %get3A_233, %gather3A_203 : vector<16xf32>
              %swap3A_271 = arith.index_cast %add3A_198 : i32 to index
              %swap3A_272 = arith.constant 48 : index
              %swap3A_273 = tpu.vector_load %arg14[%swap3A_271, %swap3A_272] {strides = array<i32>} : memref<32x1408xf32, #tpu.memory_space<vmem>>, vector<16xf32>,
              tpu.vector_store %arg14[%swap3A_271, %swap3A_272], %mul3A_270 {strides = array<i32>} : memref<32x1408xf32, #tpu.memory_space<vmem>>, vector<16xf32>,
              %mul3A_274 = arith.mulf %get3A_233, %mul3A_221 : vector<16xf32>
              %swap3A_275 = arith.index_cast %add3A_198 : i32 to index
              %swap3A_276 = arith.constant 176 : index
              %swap3A_277 = tpu.vector_load %arg14[%swap3A_275, %swap3A_276] {strides = array<i32>} : memref<32x1408xf32, #tpu.memory_space<vmem>>, vector<16xf32>,
              tpu.vector_store %arg14[%swap3A_275, %swap3A_276], %mul3A_274 {strides = array<i32>} : memref<32x1408xf32, #tpu.memory_space<vmem>>, vector<16xf32>,
              %mul3A_278 = arith.mulf %get3A_236, %gather3A_203 : vector<16xf32>
              %swap3A_279 = arith.index_cast %add3A_198 : i32 to index
              %swap3A_280 = arith.constant 64 : index
              %swap3A_281 = tpu.vector_load %arg14[%swap3A_279, %swap3A_280] {strides = array<i32>} : memref<32x1408xf32, #tpu.memory_space<vmem>>, vector<16xf32>,
              tpu.vector_store %arg14[%swap3A_279, %swap3A_280], %mul3A_278 {strides = array<i32>} : memref<32x1408xf32, #tpu.memory_space<vmem>>, vector<16xf32>,
              %mul3A_282 = arith.mulf %get3A_236, %mul3A_221 : vector<16xf32>
              %swap3A_283 = arith.index_cast %add3A_198 : i32 to index
              %swap3A_284 = arith.constant 192 : index
              %swap3A_285 = tpu.vector_load %arg14[%swap3A_283, %swap3A_284] {strides = array<i32>} : memref<32x1408xf32, #tpu.memory_space<vmem>>, vector<16xf32>,
              tpu.vector_store %arg14[%swap3A_283, %swap3A_284], %mul3A_282 {strides = array<i32>} : memref<32x1408xf32, #tpu.memory_space<vmem>>, vector<16xf32>,
              %mul3A_286 = arith.mulf %get3A_239, %gather3A_203 : vector<16xf32>
              %swap3A_287 = arith.index_cast %add3A_198 : i32 to index
              %swap3A_288 = arith.constant 80 : index
              %swap3A_289 = tpu.vector_load %arg14[%swap3A_287, %swap3A_288] {strides = array<i32>} : memref<32x1408xf32, #tpu.memory_space<vmem>>, vector<16xf32>,
              tpu.vector_store %arg14[%swap3A_287, %swap3A_288], %mul3A_286 {strides = array<i32>} : memref<32x1408xf32, #tpu.memory_space<vmem>>, vector<16xf32>,
              %mul3A_290 = arith.mulf %get3A_239, %mul3A_221 : vector<16xf32>
              %swap3A_291 = arith.index_cast %add3A_198 : i32 to index
              %swap3A_292 = arith.constant 208 : index
              %swap3A_293 = tpu.vector_load %arg14[%swap3A_291, %swap3A_292] {strides = array<i32>} : memref<32x1408xf32, #tpu.memory_space<vmem>>, vector<16xf32>,
              tpu.vector_store %arg14[%swap3A_291, %swap3A_292], %mul3A_290 {strides = array<i32>} : memref<32x1408xf32, #tpu.memory_space<vmem>>, vector<16xf32>,
              %mul3A_294 = arith.mulf %get3A_242, %gather3A_203 : vector<16xf32>
              %swap3A_295 = arith.index_cast %add3A_198 : i32 to index
              %swap3A_296 = arith.constant 96 : index
              %swap3A_297 = tpu.vector_load %arg14[%swap3A_295, %swap3A_296] {strides = array<i32>} : memref<32x1408xf32, #tpu.memory_space<vmem>>, vector<16xf32>,
              tpu.vector_store %arg14[%swap3A_295, %swap3A_296], %mul3A_294 {strides = array<i32>} : memref<32x1408xf32, #tpu.memory_space<vmem>>, vector<16xf32>,
              %mul3A_298 = arith.mulf %get3A_242, %mul3A_221 : vector<16xf32>
              %swap3A_299 = arith.index_cast %add3A_198 : i32 to index
              %swap3A_300 = arith.constant 224 : index
              %swap3A_301 = tpu.vector_load %arg14[%swap3A_299, %swap3A_300] {strides = array<i32>} : memref<32x1408xf32, #tpu.memory_space<vmem>>, vector<16xf32>,
              tpu.vector_store %arg14[%swap3A_299, %swap3A_300], %mul3A_298 {strides = array<i32>} : memref<32x1408xf32, #tpu.memory_space<vmem>>, vector<16xf32>,
              %mul3A_302 = arith.mulf %get3A_245, %gather3A_203 : vector<16xf32>
              %swap3A_303 = arith.index_cast %add3A_198 : i32 to index
              %swap3A_304 = arith.constant 112 : index
              %swap3A_305 = tpu.vector_load %arg14[%swap3A_303, %swap3A_304] {strides = array<i32>} : memref<32x1408xf32, #tpu.memory_space<vmem>>, vector<16xf32>,
              tpu.vector_store %arg14[%swap3A_303, %swap3A_304], %mul3A_302 {strides = array<i32>} : memref<32x1408xf32, #tpu.memory_space<vmem>>, vector<16xf32>,
              %mul3A_306 = arith.mulf %get3A_245, %mul3A_221 : vector<16xf32>
              %swap3A_307 = arith.index_cast %add3A_198 : i32 to index
              %swap3A_308 = arith.constant 240 : index
              %swap3A_309 = tpu.vector_load %arg14[%swap3A_307, %swap3A_308] {strides = array<i32>} : memref<32x1408xf32, #tpu.memory_space<vmem>>, vector<16xf32>,
              tpu.vector_store %arg14[%swap3A_307, %swap3A_308], %mul3A_306 {strides = array<i32>} : memref<32x1408xf32, #tpu.memory_space<vmem>>, vector<16xf32>,
              %broadcast_in_dim3A_310 = arith.constant 0 : i32
              %broadcast_in_dim3A_311 = vector.broadcast %broadcast_in_dim3A_310 : i32 to vector<16x1xi32>
              %gather3A_312 = vector.shape_cast %broadcast_in_dim3A_311 : vector<16x1xi32> to vector<16xi32>
              %gather3A_313 = tpu.dynamic_gather %mul3A_216[%gather3A_312] in [0] : vector<16xf32>, vector<16xi32> -> vector<16xf32>
              %mul3A_314 = arith.mulf %get3A_224, %gather3A_313 : vector<16xf32>
              %swap3A_315 = arith.index_cast %add3A_198 : i32 to index
              %swap3A_316 = arith.constant 256 : index
              %swap3A_317 = tpu.vector_load %arg14[%swap3A_315, %swap3A_316] {strides = array<i32>} : memref<32x1408xf32, #tpu.memory_space<vmem>>, vector<16xf32>,
              tpu.vector_store %arg14[%swap3A_315, %swap3A_316], %mul3A_314 {strides = array<i32>} : memref<32x1408xf32, #tpu.memory_space<vmem>>, vector<16xf32>,
              %mul3A_318 = arith.mulf %get3A_227, %gather3A_313 : vector<16xf32>
              %swap3A_319 = arith.index_cast %add3A_198 : i32 to index
              %swap3A_320 = arith.constant 272 : index
              %swap3A_321 = tpu.vector_load %arg14[%swap3A_319, %swap3A_320] {strides = array<i32>} : memref<32x1408xf32, #tpu.memory_space<vmem>>, vector<16xf32>,
              tpu.vector_store %arg14[%swap3A_319, %swap3A_320], %mul3A_318 {strides = array<i32>} : memref<32x1408xf32, #tpu.memory_space<vmem>>, vector<16xf32>,
              %mul3A_322 = arith.mulf %get3A_230, %gather3A_313 : vector<16xf32>
              %swap3A_323 = arith.index_cast %add3A_198 : i32 to index
              %swap3A_324 = arith.constant 288 : index
              %swap3A_325 = tpu.vector_load %arg14[%swap3A_323, %swap3A_324] {strides = array<i32>} : memref<32x1408xf32, #tpu.memory_space<vmem>>, vector<16xf32>,
              tpu.vector_store %arg14[%swap3A_323, %swap3A_324], %mul3A_322 {strides = array<i32>} : memref<32x1408xf32, #tpu.memory_space<vmem>>, vector<16xf32>,
              %mul3A_326 = arith.mulf %get3A_233, %gather3A_313 : vector<16xf32>
              %swap3A_327 = arith.index_cast %add3A_198 : i32 to index
              %swap3A_328 = arith.constant 304 : index
              %swap3A_329 = tpu.vector_load %arg14[%swap3A_327, %swap3A_328] {strides = array<i32>} : memref<32x1408xf32, #tpu.memory_space<vmem>>, vector<16xf32>,
              tpu.vector_store %arg14[%swap3A_327, %swap3A_328], %mul3A_326 {strides = array<i32>} : memref<32x1408xf32, #tpu.memory_space<vmem>>, vector<16xf32>,
              %mul3A_330 = arith.mulf %get3A_236, %gather3A_313 : vector<16xf32>
              %swap3A_331 = arith.index_cast %add3A_198 : i32 to index
              %swap3A_332 = arith.constant 320 : index
              %swap3A_333 = tpu.vector_load %arg14[%swap3A_331, %swap3A_332] {strides = array<i32>} : memref<32x1408xf32, #tpu.memory_space<vmem>>, vector<16xf32>,
              tpu.vector_store %arg14[%swap3A_331, %swap3A_332], %mul3A_330 {strides = array<i32>} : memref<32x1408xf32, #tpu.memory_space<vmem>>, vector<16xf32>,
              %mul3A_334 = arith.mulf %get3A_239, %gather3A_313 : vector<16xf32>
              %swap3A_335 = arith.index_cast %add3A_198 : i32 to index
              %swap3A_336 = arith.constant 336 : index
              %swap3A_337 = tpu.vector_load %arg14[%swap3A_335, %swap3A_336] {strides = array<i32>} : memref<32x1408xf32, #tpu.memory_space<vmem>>, vector<16xf32>,
              tpu.vector_store %arg14[%swap3A_335, %swap3A_336], %mul3A_334 {strides = array<i32>} : memref<32x1408xf32, #tpu.memory_space<vmem>>, vector<16xf32>,
              %mul3A_338 = arith.mulf %get3A_242, %gather3A_313 : vector<16xf32>
              %swap3A_339 = arith.index_cast %add3A_198 : i32 to index
              %swap3A_340 = arith.constant 352 : index
              %swap3A_341 = tpu.vector_load %arg14[%swap3A_339, %swap3A_340] {strides = array<i32>} : memref<32x1408xf32, #tpu.memory_space<vmem>>, vector<16xf32>,
              tpu.vector_store %arg14[%swap3A_339, %swap3A_340], %mul3A_338 {strides = array<i32>} : memref<32x1408xf32, #tpu.memory_space<vmem>>, vector<16xf32>,
              %mul3A_342 = arith.mulf %get3A_245, %gather3A_313 : vector<16xf32>
              %swap3A_343 = arith.index_cast %add3A_198 : i32 to index
              %swap3A_344 = arith.constant 368 : index
              %swap3A_345 = tpu.vector_load %arg14[%swap3A_343, %swap3A_344] {strides = array<i32>} : memref<32x1408xf32, #tpu.memory_space<vmem>>, vector<16xf32>,
              tpu.vector_store %arg14[%swap3A_343, %swap3A_344], %mul3A_342 {strides = array<i32>} : memref<32x1408xf32, #tpu.memory_space<vmem>>, vector<16xf32>,
              %broadcast_in_dim3A_346 = arith.constant 1 : i32
              %broadcast_in_dim3A_347 = vector.broadcast %broadcast_in_dim3A_346 : i32 to vector<16x1xi32>
              %gather3A_348 = vector.shape_cast %broadcast_in_dim3A_347 : vector<16x1xi32> to vector<16xi32>
              %gather3A_349 = tpu.dynamic_gather %mul3A_216[%gather3A_348] in [0] : vector<16xf32>, vector<16xi32> -> vector<16xf32>
              %mul3A_350 = arith.mulf %get3A_224, %gather3A_349 : vector<16xf32>
              %swap3A_351 = arith.index_cast %add3A_198 : i32 to index
              %swap3A_352 = arith.constant 384 : index
              %swap3A_353 = tpu.vector_load %arg14[%swap3A_351, %swap3A_352] {strides = array<i32>} : memref<32x1408xf32, #tpu.memory_space<vmem>>, vector<16xf32>,
              tpu.vector_store %arg14[%swap3A_351, %swap3A_352], %mul3A_350 {strides = array<i32>} : memref<32x1408xf32, #tpu.memory_space<vmem>>, vector<16xf32>,
              %mul3A_354 = arith.mulf %get3A_227, %gather3A_349 : vector<16xf32>
              %swap3A_355 = arith.index_cast %add3A_198 : i32 to index
              %swap3A_356 = arith.constant 400 : index
              %swap3A_357 = tpu.vector_load %arg14[%swap3A_355, %swap3A_356] {strides = array<i32>} : memref<32x1408xf32, #tpu.memory_space<vmem>>, vector<16xf32>,
              tpu.vector_store %arg14[%swap3A_355, %swap3A_356], %mul3A_354 {strides = array<i32>} : memref<32x1408xf32, #tpu.memory_space<vmem>>, vector<16xf32>,
              %mul3A_358 = arith.mulf %get3A_230, %gather3A_349 : vector<16xf32>
              %swap3A_359 = arith.index_cast %add3A_198 : i32 to index
              %swap3A_360 = arith.constant 416 : index
              %swap3A_361 = tpu.vector_load %arg14[%swap3A_359, %swap3A_360] {strides = array<i32>} : memref<32x1408xf32, #tpu.memory_space<vmem>>, vector<16xf32>,
              tpu.vector_store %arg14[%swap3A_359, %swap3A_360], %mul3A_358 {strides = array<i32>} : memref<32x1408xf32, #tpu.memory_space<vmem>>, vector<16xf32>,
              %mul3A_362 = arith.mulf %get3A_233, %gather3A_349 : vector<16xf32>
              %swap3A_363 = arith.index_cast %add3A_198 : i32 to index
              %swap3A_364 = arith.constant 432 : index
              %swap3A_365 = tpu.vector_load %arg14[%swap3A_363, %swap3A_364] {strides = array<i32>} : memref<32x1408xf32, #tpu.memory_space<vmem>>, vector<16xf32>,
              tpu.vector_store %arg14[%swap3A_363, %swap3A_364], %mul3A_362 {strides = array<i32>} : memref<32x1408xf32, #tpu.memory_space<vmem>>, vector<16xf32>,
              %mul3A_366 = arith.mulf %get3A_236, %gather3A_349 : vector<16xf32>
              %swap3A_367 = arith.index_cast %add3A_198 : i32 to index
              %swap3A_368 = arith.constant 448 : index
              %swap3A_369 = tpu.vector_load %arg14[%swap3A_367, %swap3A_368] {strides = array<i32>} : memref<32x1408xf32, #tpu.memory_space<vmem>>, vector<16xf32>,
              tpu.vector_store %arg14[%swap3A_367, %swap3A_368], %mul3A_366 {strides = array<i32>} : memref<32x1408xf32, #tpu.memory_space<vmem>>, vector<16xf32>,
              %mul3A_370 = arith.mulf %get3A_239, %gather3A_349 : vector<16xf32>
              %swap3A_371 = arith.index_cast %add3A_198 : i32 to index
              %swap3A_372 = arith.constant 464 : index
              %swap3A_373 = tpu.vector_load %arg14[%swap3A_371, %swap3A_372] {strides = array<i32>} : memref<32x1408xf32, #tpu.memory_space<vmem>>, vector<16xf32>,
              tpu.vector_store %arg14[%swap3A_371, %swap3A_372], %mul3A_370 {strides = array<i32>} : memref<32x1408xf32, #tpu.memory_space<vmem>>, vector<16xf32>,
              %mul3A_374 = arith.mulf %get3A_242, %gather3A_349 : vector<16xf32>
              %swap3A_375 = arith.index_cast %add3A_198 : i32 to index
              %swap3A_376 = arith.constant 480 : index
              %swap3A_377 = tpu.vector_load %arg14[%swap3A_375, %swap3A_376] {strides = array<i32>} : memref<32x1408xf32, #tpu.memory_space<vmem>>, vector<16xf32>,
              tpu.vector_store %arg14[%swap3A_375, %swap3A_376], %mul3A_374 {strides = array<i32>} : memref<32x1408xf32, #tpu.memory_space<vmem>>, vector<16xf32>,
              %mul3A_378 = arith.mulf %get3A_245, %gather3A_349 : vector<16xf32>
              %swap3A_379 = arith.index_cast %add3A_198 : i32 to index
              %swap3A_380 = arith.constant 496 : index
              %swap3A_381 = tpu.vector_load %arg14[%swap3A_379, %swap3A_380] {strides = array<i32>} : memref<32x1408xf32, #tpu.memory_space<vmem>>, vector<16xf32>,
              tpu.vector_store %arg14[%swap3A_379, %swap3A_380], %mul3A_378 {strides = array<i32>} : memref<32x1408xf32, #tpu.memory_space<vmem>>, vector<16xf32>,
              %broadcast_in_dim3A_382 = arith.constant 2 : i32
              %broadcast_in_dim3A_383 = vector.broadcast %broadcast_in_dim3A_382 : i32 to vector<16x1xi32>
              %gather3A_384 = vector.shape_cast %broadcast_in_dim3A_383 : vector<16x1xi32> to vector<16xi32>
              %gather3A_385 = tpu.dynamic_gather %mul3A_216[%gather3A_384] in [0] : vector<16xf32>, vector<16xi32> -> vector<16xf32>
              %mul3A_386 = arith.mulf %get3A_224, %gather3A_385 : vector<16xf32>
              %swap3A_387 = arith.index_cast %add3A_198 : i32 to index
              %swap3A_388 = arith.constant 512 : index
              %swap3A_389 = tpu.vector_load %arg14[%swap3A_387, %swap3A_388] {strides = array<i32>} : memref<32x1408xf32, #tpu.memory_space<vmem>>, vector<16xf32>,
              tpu.vector_store %arg14[%swap3A_387, %swap3A_388], %mul3A_386 {strides = array<i32>} : memref<32x1408xf32, #tpu.memory_space<vmem>>, vector<16xf32>,
              %mul3A_390 = arith.mulf %get3A_227, %gather3A_385 : vector<16xf32>
              %swap3A_391 = arith.index_cast %add3A_198 : i32 to index
              %swap3A_392 = arith.constant 528 : index
              %swap3A_393 = tpu.vector_load %arg14[%swap3A_391, %swap3A_392] {strides = array<i32>} : memref<32x1408xf32, #tpu.memory_space<vmem>>, vector<16xf32>,
              tpu.vector_store %arg14[%swap3A_391, %swap3A_392], %mul3A_390 {strides = array<i32>} : memref<32x1408xf32, #tpu.memory_space<vmem>>, vector<16xf32>,
              %mul3A_394 = arith.mulf %get3A_230, %gather3A_385 : vector<16xf32>
              %swap3A_395 = arith.index_cast %add3A_198 : i32 to index
              %swap3A_396 = arith.constant 544 : index
              %swap3A_397 = tpu.vector_load %arg14[%swap3A_395, %swap3A_396] {strides = array<i32>} : memref<32x1408xf32, #tpu.memory_space<vmem>>, vector<16xf32>,
              tpu.vector_store %arg14[%swap3A_395, %swap3A_396], %mul3A_394 {strides = array<i32>} : memref<32x1408xf32, #tpu.memory_space<vmem>>, vector<16xf32>,
              %mul3A_398 = arith.mulf %get3A_233, %gather3A_385 : vector<16xf32>
              %swap3A_399 = arith.index_cast %add3A_198 : i32 to index
              %swap3A_400 = arith.constant 560 : index
              %swap3A_401 = tpu.vector_load %arg14[%swap3A_399, %swap3A_400] {strides = array<i32>} : memref<32x1408xf32, #tpu.memory_space<vmem>>, vector<16xf32>,
              tpu.vector_store %arg14[%swap3A_399, %swap3A_400], %mul3A_398 {strides = array<i32>} : memref<32x1408xf32, #tpu.memory_space<vmem>>, vector<16xf32>,
              %mul3A_402 = arith.mulf %get3A_236, %gather3A_385 : vector<16xf32>
              %swap3A_403 = arith.index_cast %add3A_198 : i32 to index
              %swap3A_404 = arith.constant 576 : index
              %swap3A_405 = tpu.vector_load %arg14[%swap3A_403, %swap3A_404] {strides = array<i32>} : memref<32x1408xf32, #tpu.memory_space<vmem>>, vector<16xf32>,
              tpu.vector_store %arg14[%swap3A_403, %swap3A_404], %mul3A_402 {strides = array<i32>} : memref<32x1408xf32, #tpu.memory_space<vmem>>, vector<16xf32>,
              %mul3A_406 = arith.mulf %get3A_239, %gather3A_385 : vector<16xf32>
              %swap3A_407 = arith.index_cast %add3A_198 : i32 to index
              %swap3A_408 = arith.constant 592 : index
              %swap3A_409 = tpu.vector_load %arg14[%swap3A_407, %swap3A_408] {strides = array<i32>} : memref<32x1408xf32, #tpu.memory_space<vmem>>, vector<16xf32>,
              tpu.vector_store %arg14[%swap3A_407, %swap3A_408], %mul3A_406 {strides = array<i32>} : memref<32x1408xf32, #tpu.memory_space<vmem>>, vector<16xf32>,
              %mul3A_410 = arith.mulf %get3A_242, %gather3A_385 : vector<16xf32>
              %swap3A_411 = arith.index_cast %add3A_198 : i32 to index
              %swap3A_412 = arith.constant 608 : index
              %swap3A_413 = tpu.vector_load %arg14[%swap3A_411, %swap3A_412] {strides = array<i32>} : memref<32x1408xf32, #tpu.memory_space<vmem>>, vector<16xf32>,
              tpu.vector_store %arg14[%swap3A_411, %swap3A_412], %mul3A_410 {strides = array<i32>} : memref<32x1408xf32, #tpu.memory_space<vmem>>, vector<16xf32>,
              %mul3A_414 = arith.mulf %get3A_245, %gather3A_385 : vector<16xf32>
              %swap3A_415 = arith.index_cast %add3A_198 : i32 to index
              %swap3A_416 = arith.constant 624 : index
              %swap3A_417 = tpu.vector_load %arg14[%swap3A_415, %swap3A_416] {strides = array<i32>} : memref<32x1408xf32, #tpu.memory_space<vmem>>, vector<16xf32>,
              tpu.vector_store %arg14[%swap3A_415, %swap3A_416], %mul3A_414 {strides = array<i32>} : memref<32x1408xf32, #tpu.memory_space<vmem>>, vector<16xf32>,
              %broadcast_in_dim3A_418 = arith.constant 3 : i32
              %broadcast_in_dim3A_419 = vector.broadcast %broadcast_in_dim3A_418 : i32 to vector<16x1xi32>
              %gather3A_420 = vector.shape_cast %broadcast_in_dim3A_419 : vector<16x1xi32> to vector<16xi32>
              %gather3A_421 = tpu.dynamic_gather %mul3A_216[%gather3A_420] in [0] : vector<16xf32>, vector<16xi32> -> vector<16xf32>
              %mul3A_422 = arith.mulf %get3A_224, %gather3A_421 : vector<16xf32>
              %swap3A_423 = arith.index_cast %add3A_198 : i32 to index
              %swap3A_424 = arith.constant 640 : index
              %swap3A_425 = tpu.vector_load %arg14[%swap3A_423, %swap3A_424] {strides = array<i32>} : memref<32x1408xf32, #tpu.memory_space<vmem>>, vector<16xf32>,
              tpu.vector_store %arg14[%swap3A_423, %swap3A_424], %mul3A_422 {strides = array<i32>} : memref<32x1408xf32, #tpu.memory_space<vmem>>, vector<16xf32>,
              %mul3A_426 = arith.mulf %get3A_227, %gather3A_421 : vector<16xf32>
              %swap3A_427 = arith.index_cast %add3A_198 : i32 to index
              %swap3A_428 = arith.constant 656 : index
              %swap3A_429 = tpu.vector_load %arg14[%swap3A_427, %swap3A_428] {strides = array<i32>} : memref<32x1408xf32, #tpu.memory_space<vmem>>, vector<16xf32>,
              tpu.vector_store %arg14[%swap3A_427, %swap3A_428], %mul3A_426 {strides = array<i32>} : memref<32x1408xf32, #tpu.memory_space<vmem>>, vector<16xf32>,
              %mul3A_430 = arith.mulf %get3A_230, %gather3A_421 : vector<16xf32>
              %swap3A_431 = arith.index_cast %add3A_198 : i32 to index
              %swap3A_432 = arith.constant 672 : index
              %swap3A_433 = tpu.vector_load %arg14[%swap3A_431, %swap3A_432] {strides = array<i32>} : memref<32x1408xf32, #tpu.memory_space<vmem>>, vector<16xf32>,
              tpu.vector_store %arg14[%swap3A_431, %swap3A_432], %mul3A_430 {strides = array<i32>} : memref<32x1408xf32, #tpu.memory_space<vmem>>, vector<16xf32>,
              %mul3A_434 = arith.mulf %get3A_233, %gather3A_421 : vector<16xf32>
              %swap3A_435 = arith.index_cast %add3A_198 : i32 to index
              %swap3A_436 = arith.constant 688 : index
              %swap3A_437 = tpu.vector_load %arg14[%swap3A_435, %swap3A_436] {strides = array<i32>} : memref<32x1408xf32, #tpu.memory_space<vmem>>, vector<16xf32>,
              tpu.vector_store %arg14[%swap3A_435, %swap3A_436], %mul3A_434 {strides = array<i32>} : memref<32x1408xf32, #tpu.memory_space<vmem>>, vector<16xf32>,
              %mul3A_438 = arith.mulf %get3A_236, %gather3A_421 : vector<16xf32>
              %swap3A_439 = arith.index_cast %add3A_198 : i32 to index
              %swap3A_440 = arith.constant 704 : index
              %swap3A_441 = tpu.vector_load %arg14[%swap3A_439, %swap3A_440] {strides = array<i32>} : memref<32x1408xf32, #tpu.memory_space<vmem>>, vector<16xf32>,
              tpu.vector_store %arg14[%swap3A_439, %swap3A_440], %mul3A_438 {strides = array<i32>} : memref<32x1408xf32, #tpu.memory_space<vmem>>, vector<16xf32>,
              %mul3A_442 = arith.mulf %get3A_239, %gather3A_421 : vector<16xf32>
              %swap3A_443 = arith.index_cast %add3A_198 : i32 to index
              %swap3A_444 = arith.constant 720 : index
              %swap3A_445 = tpu.vector_load %arg14[%swap3A_443, %swap3A_444] {strides = array<i32>} : memref<32x1408xf32, #tpu.memory_space<vmem>>, vector<16xf32>,
              tpu.vector_store %arg14[%swap3A_443, %swap3A_444], %mul3A_442 {strides = array<i32>} : memref<32x1408xf32, #tpu.memory_space<vmem>>, vector<16xf32>,
              %mul3A_446 = arith.mulf %get3A_242, %gather3A_421 : vector<16xf32>
              %swap3A_447 = arith.index_cast %add3A_198 : i32 to index
              %swap3A_448 = arith.constant 736 : index
              %swap3A_449 = tpu.vector_load %arg14[%swap3A_447, %swap3A_448] {strides = array<i32>} : memref<32x1408xf32, #tpu.memory_space<vmem>>, vector<16xf32>,
              tpu.vector_store %arg14[%swap3A_447, %swap3A_448], %mul3A_446 {strides = array<i32>} : memref<32x1408xf32, #tpu.memory_space<vmem>>, vector<16xf32>,
              %mul3A_450 = arith.mulf %get3A_245, %gather3A_421 : vector<16xf32>
              %swap3A_451 = arith.index_cast %add3A_198 : i32 to index
              %swap3A_452 = arith.constant 752 : index
              %swap3A_453 = tpu.vector_load %arg14[%swap3A_451, %swap3A_452] {strides = array<i32>} : memref<32x1408xf32, #tpu.memory_space<vmem>>, vector<16xf32>,
              tpu.vector_store %arg14[%swap3A_451, %swap3A_452], %mul3A_450 {strides = array<i32>} : memref<32x1408xf32, #tpu.memory_space<vmem>>, vector<16xf32>,
              %broadcast_in_dim3A_454 = arith.constant 4 : i32
              %broadcast_in_dim3A_455 = vector.broadcast %broadcast_in_dim3A_454 : i32 to vector<16x1xi32>
              %gather3A_456 = vector.shape_cast %broadcast_in_dim3A_455 : vector<16x1xi32> to vector<16xi32>
              %gather3A_457 = tpu.dynamic_gather %mul3A_216[%gather3A_456] in [0] : vector<16xf32>, vector<16xi32> -> vector<16xf32>
              %mul3A_458 = arith.mulf %get3A_224, %gather3A_457 : vector<16xf32>
              %swap3A_459 = arith.index_cast %add3A_198 : i32 to index
              %swap3A_460 = arith.constant 768 : index
              %swap3A_461 = tpu.vector_load %arg14[%swap3A_459, %swap3A_460] {strides = array<i32>} : memref<32x1408xf32, #tpu.memory_space<vmem>>, vector<16xf32>,
              tpu.vector_store %arg14[%swap3A_459, %swap3A_460], %mul3A_458 {strides = array<i32>} : memref<32x1408xf32, #tpu.memory_space<vmem>>, vector<16xf32>,
              %mul3A_462 = arith.mulf %get3A_227, %gather3A_457 : vector<16xf32>
              %swap3A_463 = arith.index_cast %add3A_198 : i32 to index
              %swap3A_464 = arith.constant 784 : index
              %swap3A_465 = tpu.vector_load %arg14[%swap3A_463, %swap3A_464] {strides = array<i32>} : memref<32x1408xf32, #tpu.memory_space<vmem>>, vector<16xf32>,
              tpu.vector_store %arg14[%swap3A_463, %swap3A_464], %mul3A_462 {strides = array<i32>} : memref<32x1408xf32, #tpu.memory_space<vmem>>, vector<16xf32>,
              %mul3A_466 = arith.mulf %get3A_230, %gather3A_457 : vector<16xf32>
              %swap3A_467 = arith.index_cast %add3A_198 : i32 to index
              %swap3A_468 = arith.constant 800 : index
              %swap3A_469 = tpu.vector_load %arg14[%swap3A_467, %swap3A_468] {strides = array<i32>} : memref<32x1408xf32, #tpu.memory_space<vmem>>, vector<16xf32>,
              tpu.vector_store %arg14[%swap3A_467, %swap3A_468], %mul3A_466 {strides = array<i32>} : memref<32x1408xf32, #tpu.memory_space<vmem>>, vector<16xf32>,
              %mul3A_470 = arith.mulf %get3A_233, %gather3A_457 : vector<16xf32>
              %swap3A_471 = arith.index_cast %add3A_198 : i32 to index
              %swap3A_472 = arith.constant 816 : index
              %swap3A_473 = tpu.vector_load %arg14[%swap3A_471, %swap3A_472] {strides = array<i32>} : memref<32x1408xf32, #tpu.memory_space<vmem>>, vector<16xf32>,
              tpu.vector_store %arg14[%swap3A_471, %swap3A_472], %mul3A_470 {strides = array<i32>} : memref<32x1408xf32, #tpu.memory_space<vmem>>, vector<16xf32>,
              %mul3A_474 = arith.mulf %get3A_236, %gather3A_457 : vector<16xf32>
              %swap3A_475 = arith.index_cast %add3A_198 : i32 to index
              %swap3A_476 = arith.constant 832 : index
              %swap3A_477 = tpu.vector_load %arg14[%swap3A_475, %swap3A_476] {strides = array<i32>} : memref<32x1408xf32, #tpu.memory_space<vmem>>, vector<16xf32>,
              tpu.vector_store %arg14[%swap3A_475, %swap3A_476], %mul3A_474 {strides = array<i32>} : memref<32x1408xf32, #tpu.memory_space<vmem>>, vector<16xf32>,
              %mul3A_478 = arith.mulf %get3A_239, %gather3A_457 : vector<16xf32>
              %swap3A_479 = arith.index_cast %add3A_198 : i32 to index
              %swap3A_480 = arith.constant 848 : index
              %swap3A_481 = tpu.vector_load %arg14[%swap3A_479, %swap3A_480] {strides = array<i32>} : memref<32x1408xf32, #tpu.memory_space<vmem>>, vector<16xf32>,
              tpu.vector_store %arg14[%swap3A_479, %swap3A_480], %mul3A_478 {strides = array<i32>} : memref<32x1408xf32, #tpu.memory_space<vmem>>, vector<16xf32>,
              %mul3A_482 = arith.mulf %get3A_242, %gather3A_457 : vector<16xf32>
              %swap3A_483 = arith.index_cast %add3A_198 : i32 to index
              %swap3A_484 = arith.constant 864 : index
              %swap3A_485 = tpu.vector_load %arg14[%swap3A_483, %swap3A_484] {strides = array<i32>} : memref<32x1408xf32, #tpu.memory_space<vmem>>, vector<16xf32>,
              tpu.vector_store %arg14[%swap3A_483, %swap3A_484], %mul3A_482 {strides = array<i32>} : memref<32x1408xf32, #tpu.memory_space<vmem>>, vector<16xf32>,
              %mul3A_486 = arith.mulf %get3A_245, %gather3A_457 : vector<16xf32>
              %swap3A_487 = arith.index_cast %add3A_198 : i32 to index
              %swap3A_488 = arith.constant 880 : index
              %swap3A_489 = tpu.vector_load %arg14[%swap3A_487, %swap3A_488] {strides = array<i32>} : memref<32x1408xf32, #tpu.memory_space<vmem>>, vector<16xf32>,
              tpu.vector_store %arg14[%swap3A_487, %swap3A_488], %mul3A_486 {strides = array<i32>} : memref<32x1408xf32, #tpu.memory_space<vmem>>, vector<16xf32>,
              %broadcast_in_dim3A_490 = arith.constant 5 : i32
              %broadcast_in_dim3A_491 = vector.broadcast %broadcast_in_dim3A_490 : i32 to vector<16x1xi32>
              %gather3A_492 = vector.shape_cast %broadcast_in_dim3A_491 : vector<16x1xi32> to vector<16xi32>
              %gather3A_493 = tpu.dynamic_gather %mul3A_216[%gather3A_492] in [0] : vector<16xf32>, vector<16xi32> -> vector<16xf32>
              %mul3A_494 = arith.mulf %get3A_224, %gather3A_493 : vector<16xf32>
              %swap3A_495 = arith.index_cast %add3A_198 : i32 to index
              %swap3A_496 = arith.constant 896 : index
              %swap3A_497 = tpu.vector_load %arg14[%swap3A_495, %swap3A_496] {strides = array<i32>} : memref<32x1408xf32, #tpu.memory_space<vmem>>, vector<16xf32>,
              tpu.vector_store %arg14[%swap3A_495, %swap3A_496], %mul3A_494 {strides = array<i32>} : memref<32x1408xf32, #tpu.memory_space<vmem>>, vector<16xf32>,
              %mul3A_498 = arith.mulf %get3A_227, %gather3A_493 : vector<16xf32>
              %swap3A_499 = arith.index_cast %add3A_198 : i32 to index
              %swap3A_500 = arith.constant 912 : index
              %swap3A_501 = tpu.vector_load %arg14[%swap3A_499, %swap3A_500] {strides = array<i32>} : memref<32x1408xf32, #tpu.memory_space<vmem>>, vector<16xf32>,
              tpu.vector_store %arg14[%swap3A_499, %swap3A_500], %mul3A_498 {strides = array<i32>} : memref<32x1408xf32, #tpu.memory_space<vmem>>, vector<16xf32>,
              %mul3A_502 = arith.mulf %get3A_230, %gather3A_493 : vector<16xf32>
              %swap3A_503 = arith.index_cast %add3A_198 : i32 to index
              %swap3A_504 = arith.constant 928 : index
              %swap3A_505 = tpu.vector_load %arg14[%swap3A_503, %swap3A_504] {strides = array<i32>} : memref<32x1408xf32, #tpu.memory_space<vmem>>, vector<16xf32>,
              tpu.vector_store %arg14[%swap3A_503, %swap3A_504], %mul3A_502 {strides = array<i32>} : memref<32x1408xf32, #tpu.memory_space<vmem>>, vector<16xf32>,
              %mul3A_506 = arith.mulf %get3A_233, %gather3A_493 : vector<16xf32>
              %swap3A_507 = arith.index_cast %add3A_198 : i32 to index
              %swap3A_508 = arith.constant 944 : index
              %swap3A_509 = tpu.vector_load %arg14[%swap3A_507, %swap3A_508] {strides = array<i32>} : memref<32x1408xf32, #tpu.memory_space<vmem>>, vector<16xf32>,
              tpu.vector_store %arg14[%swap3A_507, %swap3A_508], %mul3A_506 {strides = array<i32>} : memref<32x1408xf32, #tpu.memory_space<vmem>>, vector<16xf32>,
              %mul3A_510 = arith.mulf %get3A_236, %gather3A_493 : vector<16xf32>
              %swap3A_511 = arith.index_cast %add3A_198 : i32 to index
              %swap3A_512 = arith.constant 960 : index
              %swap3A_513 = tpu.vector_load %arg14[%swap3A_511, %swap3A_512] {strides = array<i32>} : memref<32x1408xf32, #tpu.memory_space<vmem>>, vector<16xf32>,
              tpu.vector_store %arg14[%swap3A_511, %swap3A_512], %mul3A_510 {strides = array<i32>} : memref<32x1408xf32, #tpu.memory_space<vmem>>, vector<16xf32>,
              %mul3A_514 = arith.mulf %get3A_239, %gather3A_493 : vector<16xf32>
              %swap3A_515 = arith.index_cast %add3A_198 : i32 to index
              %swap3A_516 = arith.constant 976 : index
              %swap3A_517 = tpu.vector_load %arg14[%swap3A_515, %swap3A_516] {strides = array<i32>} : memref<32x1408xf32, #tpu.memory_space<vmem>>, vector<16xf32>,
              tpu.vector_store %arg14[%swap3A_515, %swap3A_516], %mul3A_514 {strides = array<i32>} : memref<32x1408xf32, #tpu.memory_space<vmem>>, vector<16xf32>,
              %mul3A_518 = arith.mulf %get3A_242, %gather3A_493 : vector<16xf32>
              %swap3A_519 = arith.index_cast %add3A_198 : i32 to index
              %swap3A_520 = arith.constant 992 : index
              %swap3A_521 = tpu.vector_load %arg14[%swap3A_519, %swap3A_520] {strides = array<i32>} : memref<32x1408xf32, #tpu.memory_space<vmem>>, vector<16xf32>,
              tpu.vector_store %arg14[%swap3A_519, %swap3A_520], %mul3A_518 {strides = array<i32>} : memref<32x1408xf32, #tpu.memory_space<vmem>>, vector<16xf32>,
              %mul3A_522 = arith.mulf %get3A_245, %gather3A_493 : vector<16xf32>
              %swap3A_523 = arith.index_cast %add3A_198 : i32 to index
              %swap3A_524 = arith.constant 1008 : index
              %swap3A_525 = tpu.vector_load %arg14[%swap3A_523, %swap3A_524] {strides = array<i32>} : memref<32x1408xf32, #tpu.memory_space<vmem>>, vector<16xf32>,
              tpu.vector_store %arg14[%swap3A_523, %swap3A_524], %mul3A_522 {strides = array<i32>} : memref<32x1408xf32, #tpu.memory_space<vmem>>, vector<16xf32>,
              %broadcast_in_dim3A_526 = arith.constant 6 : i32
              %broadcast_in_dim3A_527 = vector.broadcast %broadcast_in_dim3A_526 : i32 to vector<16x1xi32>
              %gather3A_528 = vector.shape_cast %broadcast_in_dim3A_527 : vector<16x1xi32> to vector<16xi32>
              %gather3A_529 = tpu.dynamic_gather %mul3A_216[%gather3A_528] in [0] : vector<16xf32>, vector<16xi32> -> vector<16xf32>
              %mul3A_530 = arith.mulf %get3A_224, %gather3A_529 : vector<16xf32>
              %swap3A_531 = arith.index_cast %add3A_198 : i32 to index
              %swap3A_532 = arith.constant 1024 : index
              %swap3A_533 = tpu.vector_load %arg14[%swap3A_531, %swap3A_532] {strides = array<i32>} : memref<32x1408xf32, #tpu.memory_space<vmem>>, vector<16xf32>,
              tpu.vector_store %arg14[%swap3A_531, %swap3A_532], %mul3A_530 {strides = array<i32>} : memref<32x1408xf32, #tpu.memory_space<vmem>>, vector<16xf32>,
              %mul3A_534 = arith.mulf %get3A_227, %gather3A_529 : vector<16xf32>
              %swap3A_535 = arith.index_cast %add3A_198 : i32 to index
              %swap3A_536 = arith.constant 1040 : index
              %swap3A_537 = tpu.vector_load %arg14[%swap3A_535, %swap3A_536] {strides = array<i32>} : memref<32x1408xf32, #tpu.memory_space<vmem>>, vector<16xf32>,
              tpu.vector_store %arg14[%swap3A_535, %swap3A_536], %mul3A_534 {strides = array<i32>} : memref<32x1408xf32, #tpu.memory_space<vmem>>, vector<16xf32>,
              %mul3A_538 = arith.mulf %get3A_230, %gather3A_529 : vector<16xf32>
              %swap3A_539 = arith.index_cast %add3A_198 : i32 to index
              %swap3A_540 = arith.constant 1056 : index
              %swap3A_541 = tpu.vector_load %arg14[%swap3A_539, %swap3A_540] {strides = array<i32>} : memref<32x1408xf32, #tpu.memory_space<vmem>>, vector<16xf32>,
              tpu.vector_store %arg14[%swap3A_539, %swap3A_540], %mul3A_538 {strides = array<i32>} : memref<32x1408xf32, #tpu.memory_space<vmem>>, vector<16xf32>,
              %mul3A_542 = arith.mulf %get3A_233, %gather3A_529 : vector<16xf32>
              %swap3A_543 = arith.index_cast %add3A_198 : i32 to index
              %swap3A_544 = arith.constant 1072 : index
              %swap3A_545 = tpu.vector_load %arg14[%swap3A_543, %swap3A_544] {strides = array<i32>} : memref<32x1408xf32, #tpu.memory_space<vmem>>, vector<16xf32>,
              tpu.vector_store %arg14[%swap3A_543, %swap3A_544], %mul3A_542 {strides = array<i32>} : memref<32x1408xf32, #tpu.memory_space<vmem>>, vector<16xf32>,
              %mul3A_546 = arith.mulf %get3A_236, %gather3A_529 : vector<16xf32>
              %swap3A_547 = arith.index_cast %add3A_198 : i32 to index
              %swap3A_548 = arith.constant 1088 : index
              %swap3A_549 = tpu.vector_load %arg14[%swap3A_547, %swap3A_548] {strides = array<i32>} : memref<32x1408xf32, #tpu.memory_space<vmem>>, vector<16xf32>,
              tpu.vector_store %arg14[%swap3A_547, %swap3A_548], %mul3A_546 {strides = array<i32>} : memref<32x1408xf32, #tpu.memory_space<vmem>>, vector<16xf32>,
              %mul3A_550 = arith.mulf %get3A_239, %gather3A_529 : vector<16xf32>
              %swap3A_551 = arith.index_cast %add3A_198 : i32 to index
              %swap3A_552 = arith.constant 1104 : index
              %swap3A_553 = tpu.vector_load %arg14[%swap3A_551, %swap3A_552] {strides = array<i32>} : memref<32x1408xf32, #tpu.memory_space<vmem>>, vector<16xf32>,
              tpu.vector_store %arg14[%swap3A_551, %swap3A_552], %mul3A_550 {strides = array<i32>} : memref<32x1408xf32, #tpu.memory_space<vmem>>, vector<16xf32>,
              %mul3A_554 = arith.mulf %get3A_242, %gather3A_529 : vector<16xf32>
              %swap3A_555 = arith.index_cast %add3A_198 : i32 to index
              %swap3A_556 = arith.constant 1120 : index
              %swap3A_557 = tpu.vector_load %arg14[%swap3A_555, %swap3A_556] {strides = array<i32>} : memref<32x1408xf32, #tpu.memory_space<vmem>>, vector<16xf32>,
              tpu.vector_store %arg14[%swap3A_555, %swap3A_556], %mul3A_554 {strides = array<i32>} : memref<32x1408xf32, #tpu.memory_space<vmem>>, vector<16xf32>,
              %mul3A_558 = arith.mulf %get3A_245, %gather3A_529 : vector<16xf32>
              %swap3A_559 = arith.index_cast %add3A_198 : i32 to index
              %swap3A_560 = arith.constant 1136 : index
              %swap3A_561 = tpu.vector_load %arg14[%swap3A_559, %swap3A_560] {strides = array<i32>} : memref<32x1408xf32, #tpu.memory_space<vmem>>, vector<16xf32>,
              tpu.vector_store %arg14[%swap3A_559, %swap3A_560], %mul3A_558 {strides = array<i32>} : memref<32x1408xf32, #tpu.memory_space<vmem>>, vector<16xf32>,
              %broadcast_in_dim3A_562 = arith.constant 7 : i32
              %broadcast_in_dim3A_563 = vector.broadcast %broadcast_in_dim3A_562 : i32 to vector<16x1xi32>
              %gather3A_564 = vector.shape_cast %broadcast_in_dim3A_563 : vector<16x1xi32> to vector<16xi32>
              %gather3A_565 = tpu.dynamic_gather %mul3A_216[%gather3A_564] in [0] : vector<16xf32>, vector<16xi32> -> vector<16xf32>
              %mul3A_566 = arith.mulf %get3A_224, %gather3A_565 : vector<16xf32>
              %swap3A_567 = arith.index_cast %add3A_198 : i32 to index
              %swap3A_568 = arith.constant 1152 : index
              %swap3A_569 = tpu.vector_load %arg14[%swap3A_567, %swap3A_568] {strides = array<i32>} : memref<32x1408xf32, #tpu.memory_space<vmem>>, vector<16xf32>,
              tpu.vector_store %arg14[%swap3A_567, %swap3A_568], %mul3A_566 {strides = array<i32>} : memref<32x1408xf32, #tpu.memory_space<vmem>>, vector<16xf32>,
              %mul3A_570 = arith.mulf %get3A_227, %gather3A_565 : vector<16xf32>
              %swap3A_571 = arith.index_cast %add3A_198 : i32 to index
              %swap3A_572 = arith.constant 1168 : index
              %swap3A_573 = tpu.vector_load %arg14[%swap3A_571, %swap3A_572] {strides = array<i32>} : memref<32x1408xf32, #tpu.memory_space<vmem>>, vector<16xf32>,
              tpu.vector_store %arg14[%swap3A_571, %swap3A_572], %mul3A_570 {strides = array<i32>} : memref<32x1408xf32, #tpu.memory_space<vmem>>, vector<16xf32>,
              %mul3A_574 = arith.mulf %get3A_230, %gather3A_565 : vector<16xf32>
              %swap3A_575 = arith.index_cast %add3A_198 : i32 to index
              %swap3A_576 = arith.constant 1184 : index
              %swap3A_577 = tpu.vector_load %arg14[%swap3A_575, %swap3A_576] {strides = array<i32>} : memref<32x1408xf32, #tpu.memory_space<vmem>>, vector<16xf32>,
              tpu.vector_store %arg14[%swap3A_575, %swap3A_576], %mul3A_574 {strides = array<i32>} : memref<32x1408xf32, #tpu.memory_space<vmem>>, vector<16xf32>,
              %mul3A_578 = arith.mulf %get3A_233, %gather3A_565 : vector<16xf32>
              %swap3A_579 = arith.index_cast %add3A_198 : i32 to index
              %swap3A_580 = arith.constant 1200 : index
              %swap3A_581 = tpu.vector_load %arg14[%swap3A_579, %swap3A_580] {strides = array<i32>} : memref<32x1408xf32, #tpu.memory_space<vmem>>, vector<16xf32>,
              tpu.vector_store %arg14[%swap3A_579, %swap3A_580], %mul3A_578 {strides = array<i32>} : memref<32x1408xf32, #tpu.memory_space<vmem>>, vector<16xf32>,
              %mul3A_582 = arith.mulf %get3A_236, %gather3A_565 : vector<16xf32>
              %swap3A_583 = arith.index_cast %add3A_198 : i32 to index
              %swap3A_584 = arith.constant 1216 : index
              %swap3A_585 = tpu.vector_load %arg14[%swap3A_583, %swap3A_584] {strides = array<i32>} : memref<32x1408xf32, #tpu.memory_space<vmem>>, vector<16xf32>,
              tpu.vector_store %arg14[%swap3A_583, %swap3A_584], %mul3A_582 {strides = array<i32>} : memref<32x1408xf32, #tpu.memory_space<vmem>>, vector<16xf32>,
              %mul3A_586 = arith.mulf %get3A_239, %gather3A_565 : vector<16xf32>
              %swap3A_587 = arith.index_cast %add3A_198 : i32 to index
              %swap3A_588 = arith.constant 1232 : index
              %swap3A_589 = tpu.vector_load %arg14[%swap3A_587, %swap3A_588] {strides = array<i32>} : memref<32x1408xf32, #tpu.memory_space<vmem>>, vector<16xf32>,
              tpu.vector_store %arg14[%swap3A_587, %swap3A_588], %mul3A_586 {strides = array<i32>} : memref<32x1408xf32, #tpu.memory_space<vmem>>, vector<16xf32>,
              %mul3A_590 = arith.mulf %get3A_242, %gather3A_565 : vector<16xf32>
              %swap3A_591 = arith.index_cast %add3A_198 : i32 to index
              %swap3A_592 = arith.constant 1248 : index
              %swap3A_593 = tpu.vector_load %arg14[%swap3A_591, %swap3A_592] {strides = array<i32>} : memref<32x1408xf32, #tpu.memory_space<vmem>>, vector<16xf32>,
              tpu.vector_store %arg14[%swap3A_591, %swap3A_592], %mul3A_590 {strides = array<i32>} : memref<32x1408xf32, #tpu.memory_space<vmem>>, vector<16xf32>,
              %mul3A_594 = arith.mulf %get3A_245, %gather3A_565 : vector<16xf32>
              %swap3A_595 = arith.index_cast %add3A_198 : i32 to index
              %swap3A_596 = arith.constant 1264 : index
              %swap3A_597 = tpu.vector_load %arg14[%swap3A_595, %swap3A_596] {strides = array<i32>} : memref<32x1408xf32, #tpu.memory_space<vmem>>, vector<16xf32>,
              tpu.vector_store %arg14[%swap3A_595, %swap3A_596], %mul3A_594 {strides = array<i32>} : memref<32x1408xf32, #tpu.memory_space<vmem>>, vector<16xf32>,
              %lt3A_598 = arith.constant 8 : i32
              %lt3A_599 = vector.broadcast %lt3A_598 : i32 to vector<16xi32>
              %lt3A_600 = arith.cmpi slt, %iota3A, %lt3A_599 : vector<16xi32>
              %jit3A_601 = arith.constant 0.000000e+00 : f32
              %broadcast_in_dim3A_602 = vector.broadcast %jit3A_601 : f32 to vector<16xf32>
              %select_n3A_603 = arith.select %lt3A_600, %mul3A_216, %broadcast_in_dim3A_602 : vector<16xi1>, vector<16xf32>
              %swap3A_604 = arith.index_cast %add3A_198 : i32 to index
              %swap3A_605 = arith.constant 1280 : index
              %swap3A_606 = tpu.vector_load %arg14[%swap3A_604, %swap3A_605] {strides = array<i32>} : memref<32x1408xf32, #tpu.memory_space<vmem>>, vector<16xf32>,
              tpu.vector_store %arg14[%swap3A_604, %swap3A_605], %select_n3A_603 {strides = array<i32>} : memref<32x1408xf32, #tpu.memory_space<vmem>>, vector<16xf32>,
            }
            %scan3A_184 = arith.constant 16 : i32
            %ge3A = arith.constant 1 : i32
            %ge3A_185 = arith.cmpi sge, %scan3A_154, %ge3A : i32
            %convert_element_type3A_186 = arith.extui %ge3A_185 : i1 to i32
            %cond3A_187 = arith.constant 0 : i32
            %cond3A_188 = arith.cmpi ne, %convert_element_type3A_186, %cond3A_187 : i32
            scf.if %cond3A_188 {
              %dma_wait3A_194 = arith.constant 0 : i32
              %dma_wait3A_195 = arith.constant 0 : i32
              %dma_wait3A_196 = tpu.memref_slice %arg16[%dma_wait3A_194, %dma_wait3A_195] : memref<384x1408xf32, #tpu.memory_space<vmem_shared>> -> memref<16x1408xf32, #tpu.memory_space<vmem_shared>>
              tpu.wait_dma2 semaphore(%arg18 : memref<!tpu.dma_semaphore, #tpu.memory_space<semaphore_mem>>) src(%arg6 : memref<16x1408xf32, #tpu.memory_space<hbm>>) dst(%dma_wait3A_196 : memref<16x1408xf32, #tpu.memory_space<vmem_shared>>)
            } else {
            }
            %dma_start3A_189 = arith.constant 0 : i32
            %dma_start3A_190 = tpu.memref_slice %arg14[%mul3A_178, %dma_start3A_189] : memref<32x1408xf32, #tpu.memory_space<vmem>> -> memref<16x1408xf32, #tpu.memory_space<vmem>>
            %dma_start3A_191 = arith.constant 0 : i32
            %dma_start3A_192 = arith.constant 0 : i32
            %dma_start3A_193 = tpu.memref_slice %arg16[%dma_start3A_191, %dma_start3A_192] : memref<384x1408xf32, #tpu.memory_space<vmem_shared>> -> memref<384x1408xf32, #tpu.memory_space<vmem_shared>>
            tpu.enqueue_indirect_dma source(%dma_start3A_190 : memref<16x1408xf32, #tpu.memory_space<vmem>>) target(%dma_start3A_193 : memref<384x1408xf32, #tpu.memory_space<vmem_shared>>) offsets(%select_n3A_166 : vector<16xi32>) semaphore(%arg18 : memref<!tpu.dma_semaphore, #tpu.memory_space<semaphore_mem>>) {add = true}
          }
          %scan3A_150 = arith.constant 8 : i32
          %dma_wait3A_151 = arith.constant 0 : i32
          %dma_wait3A_152 = arith.constant 0 : i32
          %dma_wait3A_153 = tpu.memref_slice %arg16[%dma_wait3A_151, %dma_wait3A_152] : memref<384x1408xf32, #tpu.memory_space<vmem_shared>> -> memref<16x1408xf32, #tpu.memory_space<vmem_shared>>
          tpu.wait_dma2 semaphore(%arg18 : memref<!tpu.dma_semaphore, #tpu.memory_space<semaphore_mem>>) src(%arg6 : memref<16x1408xf32, #tpu.memory_space<hbm>>) dst(%dma_wait3A_153 : memref<16x1408xf32, #tpu.memory_space<vmem_shared>>)
        }
        %while3A_70 = arith.constant 1 : i32
        scf.for %while3A_126 = %while3A_68 to %while3A_64 step %while3A_70  : i32 {
          %mul3A_127 = arith.constant 128 : i32
          %mul3A_128 = arith.muli %while3A_126, %mul3A_127 : i32
          %scan3A_129 = arith.constant 0 : i32
          %scan3A_130 = arith.constant 0 : i32
          %scan3A_131 = arith.constant 8 : i32
          %scan3A_132 = arith.addi %scan3A_130, %scan3A_131 : i32
          %scan3A_133 = arith.constant 1 : i32
          scf.for %scan3A_154 = %scan3A_130 to %scan3A_132 step %scan3A_133  : i32 {
            %mul3A_155 = arith.constant 16 : i32
            %mul3A_156 = arith.muli %scan3A_154, %mul3A_155 : i32
            %add3A_157 = arith.addi %mul3A_128, %mul3A_156 : i32
            %get3A_158 = arith.index_cast %add3A_157 : i32 to index
            %get3A_159 = tpu.vector_load %arg9[%get3A_158] {strides = array<i32>} : memref<768xi32, #tpu.memory_space<vmem>>, vector<16xi32>,
            %and3A_160 = arith.constant 16383 : i32
            %and3A_161 = vector.broadcast %and3A_160 : i32 to vector<16xi32>
            %and3A_162 = arith.andi %get3A_159, %and3A_161 : vector<16xi32>
            %mul3A_163 = arith.constant 16 : i32
            %mul3A_164 = arith.muli %scan3A_154, %mul3A_163 : i32
            %swap3A_165 = arith.index_cast %mul3A_164 : i32 to index
            %swap3A_166 = tpu.vector_load %arg10[%swap3A_165] {strides = array<i32>} : memref<128xi32, #tpu.memory_space<vmem>>, vector<16xi32>,
            tpu.vector_store %arg10[%swap3A_165], %and3A_162 {strides = array<i32>} : memref<128xi32, #tpu.memory_space<vmem>>, vector<16xi32>,
          }
          %scan3A_134 = arith.constant 8 : i32
          %dma_start3A = arith.constant 0 : i32
          %dma_start3A_135 = arith.constant 0 : i32
          %dma_start3A_136 = tpu.memref_slice %arg3[%dma_start3A, %dma_start3A_135] : memref<10752x128xf32, #tpu.memory_space<hbm>> -> memref<10752x128xf32, #tpu.memory_space<hbm>>
          tpu.enqueue_indirect_dma source(%dma_start3A_136 : memref<10752x128xf32, #tpu.memory_space<hbm>>) target(%arg11 : memref<128x128xf32, #tpu.memory_space<vmem>>) offsets(%arg10 : memref<128xi32, #tpu.memory_space<vmem>>) semaphore(%arg17 : memref<!tpu.dma_semaphore, #tpu.memory_space<semaphore_mem>>)
          %dma_start3A_137 = arith.constant 0 : i32
          %dma_start3A_138 = arith.constant 0 : i32
          %dma_start3A_139 = tpu.memref_slice %arg4[%dma_start3A_137, %dma_start3A_138] : memref<10752x16xf32, #tpu.memory_space<hbm>> -> memref<10752x16xf32, #tpu.memory_space<hbm>>
          tpu.enqueue_indirect_dma source(%dma_start3A_139 : memref<10752x16xf32, #tpu.memory_space<hbm>>) target(%arg12 : memref<128x16xf32, #tpu.memory_space<vmem>>) offsets(%arg10 : memref<128xi32, #tpu.memory_space<vmem>>) semaphore(%arg17 : memref<!tpu.dma_semaphore, #tpu.memory_space<semaphore_mem>>)
          %dma_wait3A = arith.constant 0 : i32
          %dma_wait3A_140 = arith.constant 0 : i32
          %dma_wait3A_141 = tpu.memref_slice %arg3[%dma_wait3A, %dma_wait3A_140] : memref<10752x128xf32, #tpu.memory_space<hbm>> -> memref<10752x128xf32, #tpu.memory_space<hbm>>
          tpu.wait_indirect_dma semaphore(%arg17 : memref<!tpu.dma_semaphore, #tpu.memory_space<semaphore_mem>>) src(%dma_wait3A_141 : memref<10752x128xf32, #tpu.memory_space<hbm>>) dst(%arg11 : memref<128x128xf32, #tpu.memory_space<vmem>>)
          %dma_wait3A_142 = arith.constant 0 : i32
          %dma_wait3A_143 = arith.constant 0 : i32
          %dma_wait3A_144 = tpu.memref_slice %arg4[%dma_wait3A_142, %dma_wait3A_143] : memref<10752x16xf32, #tpu.memory_space<hbm>> -> memref<10752x16xf32, #tpu.memory_space<hbm>>
          tpu.wait_indirect_dma semaphore(%arg17 : memref<!tpu.dma_semaphore, #tpu.memory_space<semaphore_mem>>) src(%dma_wait3A_144 : memref<10752x16xf32, #tpu.memory_space<hbm>>) dst(%arg12 : memref<128x16xf32, #tpu.memory_space<vmem>>)
          %scan3A_145 = arith.constant 0 : i32
          %scan3A_146 = arith.constant 0 : i32
          %scan3A_147 = arith.constant 8 : i32
          %scan3A_148 = arith.addi %scan3A_146, %scan3A_147 : i32
          %scan3A_149 = arith.constant 1 : i32
          scf.for %scan3A_154 = %scan3A_146 to %scan3A_148 step %scan3A_149  : i32 {
            %mul3A_155 = arith.constant 16 : i32
            %mul3A_156 = arith.muli %scan3A_154, %mul3A_155 : i32
            %add3A_157 = arith.addi %mul3A_128, %mul3A_156 : i32
            %get3A_158 = arith.index_cast %add3A_157 : i32 to index
            %get3A_159 = tpu.vector_load %arg9[%get3A_158] {strides = array<i32>} : memref<768xi32, #tpu.memory_space<vmem>>, vector<16xi32>,
            %shift_right_arithmetic3A = arith.constant 14 : i32
            %shift_right_arithmetic3A_160 = vector.broadcast %shift_right_arithmetic3A : i32 to vector<16xi32>
            %shift_right_arithmetic3A_161 = arith.shrsi %get3A_159, %shift_right_arithmetic3A_160 : vector<16xi32>
            %lt3A = arith.constant 384 : i32
            %lt3A_162 = vector.broadcast %lt3A : i32 to vector<16xi32>
            %lt3A_163 = arith.cmpi slt, %shift_right_arithmetic3A_161, %lt3A_162 : vector<16xi32>
            %jit3A_164 = arith.constant 0 : i32
            %broadcast_in_dim3A_165 = vector.broadcast %jit3A_164 : i32 to vector<16xi32>
            %select_n3A_166 = arith.select %lt3A_163, %shift_right_arithmetic3A_161, %broadcast_in_dim3A_165 : vector<16xi1>, vector<16xi32>
            %lt3A_167 = arith.constant 384 : i32
            %lt3A_168 = vector.broadcast %lt3A_167 : i32 to vector<16xi32>
            %lt3A_169 = arith.cmpi slt, %shift_right_arithmetic3A_161, %lt3A_168 : vector<16xi32>
            %jit3A_170 = arith.constant 1.000000e+00 : f32
            %jit3A_171 = arith.constant 0.000000e+00 : f32
            %broadcast_in_dim3A_172 = vector.broadcast %jit3A_170 : f32 to vector<16xf32>
            %broadcast_in_dim3A_173 = vector.broadcast %jit3A_171 : f32 to vector<16xf32>
            %select_n3A_174 = arith.select %lt3A_169, %broadcast_in_dim3A_172, %broadcast_in_dim3A_173 : vector<16xi1>, vector<16xf32>
            %and3A_175 = arith.constant 1 : i32
            %and3A_176 = arith.andi %scan3A_154, %and3A_175 : i32
            %mul3A_177 = arith.constant 16 : i32
            %mul3A_178 = arith.muli %and3A_176, %mul3A_177 : i32
            %scan3A_179 = arith.constant 0 : i32
            %scan3A_180 = arith.constant 0 : i32
            %scan3A_181 = arith.constant 16 : i32
            %scan3A_182 = arith.addi %scan3A_180, %scan3A_181 : i32
            %scan3A_183 = arith.constant 1 : i32
            scf.for %scan3A_194 = %scan3A_180 to %scan3A_182 step %scan3A_183  : i32 {
              %mul3A_195 = arith.constant 16 : i32
              %mul3A_196 = arith.muli %scan3A_154, %mul3A_195 : i32
              %add3A_197 = arith.addi %mul3A_196, %scan3A_194 : i32
              %add3A_198 = arith.addi %mul3A_178, %scan3A_194 : i32
              %broadcast_in_dim3A_199 = vector.broadcast %scan3A_194 : i32 to vector<16x1xi32>
              %gather3A = vector.shape_cast %broadcast_in_dim3A_199 : vector<16x1xi32> to vector<16xi32>
              %gather3A_200 = tpu.dynamic_gather %select_n3A_166[%gather3A] in [0] : vector<16xi32>, vector<16xi32> -> vector<16xi32>
              %broadcast_in_dim3A_201 = vector.broadcast %scan3A_194 : i32 to vector<16x1xi32>
              %gather3A_202 = vector.shape_cast %broadcast_in_dim3A_201 : vector<16x1xi32> to vector<16xi32>
              %gather3A_203 = tpu.dynamic_gather %select_n3A_174[%gather3A_202] in [0] : vector<16xf32>, vector<16xi32> -> vector<16xf32>
              %get3A_204 = arith.index_cast %add3A_197 : i32 to index
              %get3A_205 = arith.constant 0 : index
              %get3A_206 = tpu.vector_load %arg12[%get3A_204, %get3A_205] {strides = array<i32>} : memref<128x16xf32, #tpu.memory_space<vmem>>, vector<16xf32>,
              %gather3A_207 = tpu.vector_load_idx %arg13[%gather3A_200, %iota3A] : memref<384x16xf32, #tpu.memory_space<vmem>>[vector<16xi32>, vector<16xi32>], vector<16xf32>,
              %add3A_208 = arith.addf %get3A_206, %gather3A_207 : vector<16xf32>
              %ge3A_209 = arith.constant 0.000000e+00 : f32
              %ge3A_210 = vector.broadcast %ge3A_209 : f32 to vector<16xf32>
              %ge3A_211 = arith.cmpf oge, %add3A_208, %ge3A_210 : vector<16xf32>
              %mul3A_212 = arith.constant 2.000000e-01 : f32
              %mul3A_213 = vector.broadcast %mul3A_212 : f32 to vector<16xf32>
              %mul3A_214 = arith.mulf %mul3A_213, %add3A_208 : vector<16xf32>
              %select_n3A_215 = arith.select %ge3A_211, %add3A_208, %mul3A_214 : vector<16xi1>, vector<16xf32>
              %exp3A = math.exp %select_n3A_215 : vector<16xf32>
              %mul3A_216 = arith.mulf %exp3A, %gather3A_203 : vector<16xf32>
              %broadcast_in_dim3A_217 = arith.constant 8 : i32
              %broadcast_in_dim3A_218 = vector.broadcast %broadcast_in_dim3A_217 : i32 to vector<16x1xi32>
              %gather3A_219 = vector.shape_cast %broadcast_in_dim3A_218 : vector<16x1xi32> to vector<16xi32>
              %gather3A_220 = tpu.dynamic_gather %get3A_206[%gather3A_219] in [0] : vector<16xf32>, vector<16xi32> -> vector<16xf32>
              %mul3A_221 = arith.mulf %gather3A_220, %gather3A_203 : vector<16xf32>
              %get3A_222 = arith.index_cast %add3A_197 : i32 to index
              %get3A_223 = arith.constant 0 : index
              %get3A_224 = tpu.vector_load %arg11[%get3A_222, %get3A_223] {strides = array<i32>} : memref<128x128xf32, #tpu.memory_space<vmem>>, vector<16xf32>,
              %get3A_225 = arith.index_cast %add3A_197 : i32 to index
              %get3A_226 = arith.constant 16 : index
              %get3A_227 = tpu.vector_load %arg11[%get3A_225, %get3A_226] {strides = array<i32>} : memref<128x128xf32, #tpu.memory_space<vmem>>, vector<16xf32>,
              %get3A_228 = arith.index_cast %add3A_197 : i32 to index
              %get3A_229 = arith.constant 32 : index
              %get3A_230 = tpu.vector_load %arg11[%get3A_228, %get3A_229] {strides = array<i32>} : memref<128x128xf32, #tpu.memory_space<vmem>>, vector<16xf32>,
              %get3A_231 = arith.index_cast %add3A_197 : i32 to index
              %get3A_232 = arith.constant 48 : index
              %get3A_233 = tpu.vector_load %arg11[%get3A_231, %get3A_232] {strides = array<i32>} : memref<128x128xf32, #tpu.memory_space<vmem>>, vector<16xf32>,
              %get3A_234 = arith.index_cast %add3A_197 : i32 to index
              %get3A_235 = arith.constant 64 : index
              %get3A_236 = tpu.vector_load %arg11[%get3A_234, %get3A_235] {strides = array<i32>} : memref<128x128xf32, #tpu.memory_space<vmem>>, vector<16xf32>,
              %get3A_237 = arith.index_cast %add3A_197 : i32 to index
              %get3A_238 = arith.constant 80 : index
              %get3A_239 = tpu.vector_load %arg11[%get3A_237, %get3A_238] {strides = array<i32>} : memref<128x128xf32, #tpu.memory_space<vmem>>, vector<16xf32>,
              %get3A_240 = arith.index_cast %add3A_197 : i32 to index
              %get3A_241 = arith.constant 96 : index
              %get3A_242 = tpu.vector_load %arg11[%get3A_240, %get3A_241] {strides = array<i32>} : memref<128x128xf32, #tpu.memory_space<vmem>>, vector<16xf32>,
              %get3A_243 = arith.index_cast %add3A_197 : i32 to index
              %get3A_244 = arith.constant 112 : index
              %get3A_245 = tpu.vector_load %arg11[%get3A_243, %get3A_244] {strides = array<i32>} : memref<128x128xf32, #tpu.memory_space<vmem>>, vector<16xf32>,
              %mul3A_246 = arith.mulf %get3A_224, %gather3A_203 : vector<16xf32>
              %swap3A_247 = arith.index_cast %add3A_198 : i32 to index
              %swap3A_248 = arith.constant 0 : index
              %swap3A_249 = tpu.vector_load %arg14[%swap3A_247, %swap3A_248] {strides = array<i32>} : memref<32x1408xf32, #tpu.memory_space<vmem>>, vector<16xf32>,
              tpu.vector_store %arg14[%swap3A_247, %swap3A_248], %mul3A_246 {strides = array<i32>} : memref<32x1408xf32, #tpu.memory_space<vmem>>, vector<16xf32>,
              %mul3A_250 = arith.mulf %get3A_224, %mul3A_221 : vector<16xf32>
              %swap3A_251 = arith.index_cast %add3A_198 : i32 to index
              %swap3A_252 = arith.constant 128 : index
              %swap3A_253 = tpu.vector_load %arg14[%swap3A_251, %swap3A_252] {strides = array<i32>} : memref<32x1408xf32, #tpu.memory_space<vmem>>, vector<16xf32>,
              tpu.vector_store %arg14[%swap3A_251, %swap3A_252], %mul3A_250 {strides = array<i32>} : memref<32x1408xf32, #tpu.memory_space<vmem>>, vector<16xf32>,
              %mul3A_254 = arith.mulf %get3A_227, %gather3A_203 : vector<16xf32>
              %swap3A_255 = arith.index_cast %add3A_198 : i32 to index
              %swap3A_256 = arith.constant 16 : index
              %swap3A_257 = tpu.vector_load %arg14[%swap3A_255, %swap3A_256] {strides = array<i32>} : memref<32x1408xf32, #tpu.memory_space<vmem>>, vector<16xf32>,
              tpu.vector_store %arg14[%swap3A_255, %swap3A_256], %mul3A_254 {strides = array<i32>} : memref<32x1408xf32, #tpu.memory_space<vmem>>, vector<16xf32>,
              %mul3A_258 = arith.mulf %get3A_227, %mul3A_221 : vector<16xf32>
              %swap3A_259 = arith.index_cast %add3A_198 : i32 to index
              %swap3A_260 = arith.constant 144 : index
              %swap3A_261 = tpu.vector_load %arg14[%swap3A_259, %swap3A_260] {strides = array<i32>} : memref<32x1408xf32, #tpu.memory_space<vmem>>, vector<16xf32>,
              tpu.vector_store %arg14[%swap3A_259, %swap3A_260], %mul3A_258 {strides = array<i32>} : memref<32x1408xf32, #tpu.memory_space<vmem>>, vector<16xf32>,
              %mul3A_262 = arith.mulf %get3A_230, %gather3A_203 : vector<16xf32>
              %swap3A_263 = arith.index_cast %add3A_198 : i32 to index
              %swap3A_264 = arith.constant 32 : index
              %swap3A_265 = tpu.vector_load %arg14[%swap3A_263, %swap3A_264] {strides = array<i32>} : memref<32x1408xf32, #tpu.memory_space<vmem>>, vector<16xf32>,
              tpu.vector_store %arg14[%swap3A_263, %swap3A_264], %mul3A_262 {strides = array<i32>} : memref<32x1408xf32, #tpu.memory_space<vmem>>, vector<16xf32>,
              %mul3A_266 = arith.mulf %get3A_230, %mul3A_221 : vector<16xf32>
              %swap3A_267 = arith.index_cast %add3A_198 : i32 to index
              %swap3A_268 = arith.constant 160 : index
              %swap3A_269 = tpu.vector_load %arg14[%swap3A_267, %swap3A_268] {strides = array<i32>} : memref<32x1408xf32, #tpu.memory_space<vmem>>, vector<16xf32>,
              tpu.vector_store %arg14[%swap3A_267, %swap3A_268], %mul3A_266 {strides = array<i32>} : memref<32x1408xf32, #tpu.memory_space<vmem>>, vector<16xf32>,
              %mul3A_270 = arith.mulf %get3A_233, %gather3A_203 : vector<16xf32>
              %swap3A_271 = arith.index_cast %add3A_198 : i32 to index
              %swap3A_272 = arith.constant 48 : index
              %swap3A_273 = tpu.vector_load %arg14[%swap3A_271, %swap3A_272] {strides = array<i32>} : memref<32x1408xf32, #tpu.memory_space<vmem>>, vector<16xf32>,
              tpu.vector_store %arg14[%swap3A_271, %swap3A_272], %mul3A_270 {strides = array<i32>} : memref<32x1408xf32, #tpu.memory_space<vmem>>, vector<16xf32>,
              %mul3A_274 = arith.mulf %get3A_233, %mul3A_221 : vector<16xf32>
              %swap3A_275 = arith.index_cast %add3A_198 : i32 to index
              %swap3A_276 = arith.constant 176 : index
              %swap3A_277 = tpu.vector_load %arg14[%swap3A_275, %swap3A_276] {strides = array<i32>} : memref<32x1408xf32, #tpu.memory_space<vmem>>, vector<16xf32>,
              tpu.vector_store %arg14[%swap3A_275, %swap3A_276], %mul3A_274 {strides = array<i32>} : memref<32x1408xf32, #tpu.memory_space<vmem>>, vector<16xf32>,
              %mul3A_278 = arith.mulf %get3A_236, %gather3A_203 : vector<16xf32>
              %swap3A_279 = arith.index_cast %add3A_198 : i32 to index
              %swap3A_280 = arith.constant 64 : index
              %swap3A_281 = tpu.vector_load %arg14[%swap3A_279, %swap3A_280] {strides = array<i32>} : memref<32x1408xf32, #tpu.memory_space<vmem>>, vector<16xf32>,
              tpu.vector_store %arg14[%swap3A_279, %swap3A_280], %mul3A_278 {strides = array<i32>} : memref<32x1408xf32, #tpu.memory_space<vmem>>, vector<16xf32>,
              %mul3A_282 = arith.mulf %get3A_236, %mul3A_221 : vector<16xf32>
              %swap3A_283 = arith.index_cast %add3A_198 : i32 to index
              %swap3A_284 = arith.constant 192 : index
              %swap3A_285 = tpu.vector_load %arg14[%swap3A_283, %swap3A_284] {strides = array<i32>} : memref<32x1408xf32, #tpu.memory_space<vmem>>, vector<16xf32>,
              tpu.vector_store %arg14[%swap3A_283, %swap3A_284], %mul3A_282 {strides = array<i32>} : memref<32x1408xf32, #tpu.memory_space<vmem>>, vector<16xf32>,
              %mul3A_286 = arith.mulf %get3A_239, %gather3A_203 : vector<16xf32>
              %swap3A_287 = arith.index_cast %add3A_198 : i32 to index
              %swap3A_288 = arith.constant 80 : index
              %swap3A_289 = tpu.vector_load %arg14[%swap3A_287, %swap3A_288] {strides = array<i32>} : memref<32x1408xf32, #tpu.memory_space<vmem>>, vector<16xf32>,
              tpu.vector_store %arg14[%swap3A_287, %swap3A_288], %mul3A_286 {strides = array<i32>} : memref<32x1408xf32, #tpu.memory_space<vmem>>, vector<16xf32>,
              %mul3A_290 = arith.mulf %get3A_239, %mul3A_221 : vector<16xf32>
              %swap3A_291 = arith.index_cast %add3A_198 : i32 to index
              %swap3A_292 = arith.constant 208 : index
              %swap3A_293 = tpu.vector_load %arg14[%swap3A_291, %swap3A_292] {strides = array<i32>} : memref<32x1408xf32, #tpu.memory_space<vmem>>, vector<16xf32>,
              tpu.vector_store %arg14[%swap3A_291, %swap3A_292], %mul3A_290 {strides = array<i32>} : memref<32x1408xf32, #tpu.memory_space<vmem>>, vector<16xf32>,
              %mul3A_294 = arith.mulf %get3A_242, %gather3A_203 : vector<16xf32>
              %swap3A_295 = arith.index_cast %add3A_198 : i32 to index
              %swap3A_296 = arith.constant 96 : index
              %swap3A_297 = tpu.vector_load %arg14[%swap3A_295, %swap3A_296] {strides = array<i32>} : memref<32x1408xf32, #tpu.memory_space<vmem>>, vector<16xf32>,
              tpu.vector_store %arg14[%swap3A_295, %swap3A_296], %mul3A_294 {strides = array<i32>} : memref<32x1408xf32, #tpu.memory_space<vmem>>, vector<16xf32>,
              %mul3A_298 = arith.mulf %get3A_242, %mul3A_221 : vector<16xf32>
              %swap3A_299 = arith.index_cast %add3A_198 : i32 to index
              %swap3A_300 = arith.constant 224 : index
              %swap3A_301 = tpu.vector_load %arg14[%swap3A_299, %swap3A_300] {strides = array<i32>} : memref<32x1408xf32, #tpu.memory_space<vmem>>, vector<16xf32>,
              tpu.vector_store %arg14[%swap3A_299, %swap3A_300], %mul3A_298 {strides = array<i32>} : memref<32x1408xf32, #tpu.memory_space<vmem>>, vector<16xf32>,
              %mul3A_302 = arith.mulf %get3A_245, %gather3A_203 : vector<16xf32>
              %swap3A_303 = arith.index_cast %add3A_198 : i32 to index
              %swap3A_304 = arith.constant 112 : index
              %swap3A_305 = tpu.vector_load %arg14[%swap3A_303, %swap3A_304] {strides = array<i32>} : memref<32x1408xf32, #tpu.memory_space<vmem>>, vector<16xf32>,
              tpu.vector_store %arg14[%swap3A_303, %swap3A_304], %mul3A_302 {strides = array<i32>} : memref<32x1408xf32, #tpu.memory_space<vmem>>, vector<16xf32>,
              %mul3A_306 = arith.mulf %get3A_245, %mul3A_221 : vector<16xf32>
              %swap3A_307 = arith.index_cast %add3A_198 : i32 to index
              %swap3A_308 = arith.constant 240 : index
              %swap3A_309 = tpu.vector_load %arg14[%swap3A_307, %swap3A_308] {strides = array<i32>} : memref<32x1408xf32, #tpu.memory_space<vmem>>, vector<16xf32>,
              tpu.vector_store %arg14[%swap3A_307, %swap3A_308], %mul3A_306 {strides = array<i32>} : memref<32x1408xf32, #tpu.memory_space<vmem>>, vector<16xf32>,
              %broadcast_in_dim3A_310 = arith.constant 0 : i32
              %broadcast_in_dim3A_311 = vector.broadcast %broadcast_in_dim3A_310 : i32 to vector<16x1xi32>
              %gather3A_312 = vector.shape_cast %broadcast_in_dim3A_311 : vector<16x1xi32> to vector<16xi32>
              %gather3A_313 = tpu.dynamic_gather %mul3A_216[%gather3A_312] in [0] : vector<16xf32>, vector<16xi32> -> vector<16xf32>
              %mul3A_314 = arith.mulf %get3A_224, %gather3A_313 : vector<16xf32>
              %swap3A_315 = arith.index_cast %add3A_198 : i32 to index
              %swap3A_316 = arith.constant 256 : index
              %swap3A_317 = tpu.vector_load %arg14[%swap3A_315, %swap3A_316] {strides = array<i32>} : memref<32x1408xf32, #tpu.memory_space<vmem>>, vector<16xf32>,
              tpu.vector_store %arg14[%swap3A_315, %swap3A_316], %mul3A_314 {strides = array<i32>} : memref<32x1408xf32, #tpu.memory_space<vmem>>, vector<16xf32>,
              %mul3A_318 = arith.mulf %get3A_227, %gather3A_313 : vector<16xf32>
              %swap3A_319 = arith.index_cast %add3A_198 : i32 to index
              %swap3A_320 = arith.constant 272 : index
              %swap3A_321 = tpu.vector_load %arg14[%swap3A_319, %swap3A_320] {strides = array<i32>} : memref<32x1408xf32, #tpu.memory_space<vmem>>, vector<16xf32>,
              tpu.vector_store %arg14[%swap3A_319, %swap3A_320], %mul3A_318 {strides = array<i32>} : memref<32x1408xf32, #tpu.memory_space<vmem>>, vector<16xf32>,
              %mul3A_322 = arith.mulf %get3A_230, %gather3A_313 : vector<16xf32>
              %swap3A_323 = arith.index_cast %add3A_198 : i32 to index
              %swap3A_324 = arith.constant 288 : index
              %swap3A_325 = tpu.vector_load %arg14[%swap3A_323, %swap3A_324] {strides = array<i32>} : memref<32x1408xf32, #tpu.memory_space<vmem>>, vector<16xf32>,
              tpu.vector_store %arg14[%swap3A_323, %swap3A_324], %mul3A_322 {strides = array<i32>} : memref<32x1408xf32, #tpu.memory_space<vmem>>, vector<16xf32>,
              %mul3A_326 = arith.mulf %get3A_233, %gather3A_313 : vector<16xf32>
              %swap3A_327 = arith.index_cast %add3A_198 : i32 to index
              %swap3A_328 = arith.constant 304 : index
              %swap3A_329 = tpu.vector_load %arg14[%swap3A_327, %swap3A_328] {strides = array<i32>} : memref<32x1408xf32, #tpu.memory_space<vmem>>, vector<16xf32>,
              tpu.vector_store %arg14[%swap3A_327, %swap3A_328], %mul3A_326 {strides = array<i32>} : memref<32x1408xf32, #tpu.memory_space<vmem>>, vector<16xf32>,
              %mul3A_330 = arith.mulf %get3A_236, %gather3A_313 : vector<16xf32>
              %swap3A_331 = arith.index_cast %add3A_198 : i32 to index
              %swap3A_332 = arith.constant 320 : index
              %swap3A_333 = tpu.vector_load %arg14[%swap3A_331, %swap3A_332] {strides = array<i32>} : memref<32x1408xf32, #tpu.memory_space<vmem>>, vector<16xf32>,
              tpu.vector_store %arg14[%swap3A_331, %swap3A_332], %mul3A_330 {strides = array<i32>} : memref<32x1408xf32, #tpu.memory_space<vmem>>, vector<16xf32>,
              %mul3A_334 = arith.mulf %get3A_239, %gather3A_313 : vector<16xf32>
              %swap3A_335 = arith.index_cast %add3A_198 : i32 to index
              %swap3A_336 = arith.constant 336 : index
              %swap3A_337 = tpu.vector_load %arg14[%swap3A_335, %swap3A_336] {strides = array<i32>} : memref<32x1408xf32, #tpu.memory_space<vmem>>, vector<16xf32>,
              tpu.vector_store %arg14[%swap3A_335, %swap3A_336], %mul3A_334 {strides = array<i32>} : memref<32x1408xf32, #tpu.memory_space<vmem>>, vector<16xf32>,
              %mul3A_338 = arith.mulf %get3A_242, %gather3A_313 : vector<16xf32>
              %swap3A_339 = arith.index_cast %add3A_198 : i32 to index
              %swap3A_340 = arith.constant 352 : index
              %swap3A_341 = tpu.vector_load %arg14[%swap3A_339, %swap3A_340] {strides = array<i32>} : memref<32x1408xf32, #tpu.memory_space<vmem>>, vector<16xf32>,
              tpu.vector_store %arg14[%swap3A_339, %swap3A_340], %mul3A_338 {strides = array<i32>} : memref<32x1408xf32, #tpu.memory_space<vmem>>, vector<16xf32>,
              %mul3A_342 = arith.mulf %get3A_245, %gather3A_313 : vector<16xf32>
              %swap3A_343 = arith.index_cast %add3A_198 : i32 to index
              %swap3A_344 = arith.constant 368 : index
              %swap3A_345 = tpu.vector_load %arg14[%swap3A_343, %swap3A_344] {strides = array<i32>} : memref<32x1408xf32, #tpu.memory_space<vmem>>, vector<16xf32>,
              tpu.vector_store %arg14[%swap3A_343, %swap3A_344], %mul3A_342 {strides = array<i32>} : memref<32x1408xf32, #tpu.memory_space<vmem>>, vector<16xf32>,
              %broadcast_in_dim3A_346 = arith.constant 1 : i32
              %broadcast_in_dim3A_347 = vector.broadcast %broadcast_in_dim3A_346 : i32 to vector<16x1xi32>
              %gather3A_348 = vector.shape_cast %broadcast_in_dim3A_347 : vector<16x1xi32> to vector<16xi32>
              %gather3A_349 = tpu.dynamic_gather %mul3A_216[%gather3A_348] in [0] : vector<16xf32>, vector<16xi32> -> vector<16xf32>
              %mul3A_350 = arith.mulf %get3A_224, %gather3A_349 : vector<16xf32>
              %swap3A_351 = arith.index_cast %add3A_198 : i32 to index
              %swap3A_352 = arith.constant 384 : index
              %swap3A_353 = tpu.vector_load %arg14[%swap3A_351, %swap3A_352] {strides = array<i32>} : memref<32x1408xf32, #tpu.memory_space<vmem>>, vector<16xf32>,
              tpu.vector_store %arg14[%swap3A_351, %swap3A_352], %mul3A_350 {strides = array<i32>} : memref<32x1408xf32, #tpu.memory_space<vmem>>, vector<16xf32>,
              %mul3A_354 = arith.mulf %get3A_227, %gather3A_349 : vector<16xf32>
              %swap3A_355 = arith.index_cast %add3A_198 : i32 to index
              %swap3A_356 = arith.constant 400 : index
              %swap3A_357 = tpu.vector_load %arg14[%swap3A_355, %swap3A_356] {strides = array<i32>} : memref<32x1408xf32, #tpu.memory_space<vmem>>, vector<16xf32>,
              tpu.vector_store %arg14[%swap3A_355, %swap3A_356], %mul3A_354 {strides = array<i32>} : memref<32x1408xf32, #tpu.memory_space<vmem>>, vector<16xf32>,
              %mul3A_358 = arith.mulf %get3A_230, %gather3A_349 : vector<16xf32>
              %swap3A_359 = arith.index_cast %add3A_198 : i32 to index
              %swap3A_360 = arith.constant 416 : index
              %swap3A_361 = tpu.vector_load %arg14[%swap3A_359, %swap3A_360] {strides = array<i32>} : memref<32x1408xf32, #tpu.memory_space<vmem>>, vector<16xf32>,
              tpu.vector_store %arg14[%swap3A_359, %swap3A_360], %mul3A_358 {strides = array<i32>} : memref<32x1408xf32, #tpu.memory_space<vmem>>, vector<16xf32>,
              %mul3A_362 = arith.mulf %get3A_233, %gather3A_349 : vector<16xf32>
              %swap3A_363 = arith.index_cast %add3A_198 : i32 to index
              %swap3A_364 = arith.constant 432 : index
              %swap3A_365 = tpu.vector_load %arg14[%swap3A_363, %swap3A_364] {strides = array<i32>} : memref<32x1408xf32, #tpu.memory_space<vmem>>, vector<16xf32>,
              tpu.vector_store %arg14[%swap3A_363, %swap3A_364], %mul3A_362 {strides = array<i32>} : memref<32x1408xf32, #tpu.memory_space<vmem>>, vector<16xf32>,
              %mul3A_366 = arith.mulf %get3A_236, %gather3A_349 : vector<16xf32>
              %swap3A_367 = arith.index_cast %add3A_198 : i32 to index
              %swap3A_368 = arith.constant 448 : index
              %swap3A_369 = tpu.vector_load %arg14[%swap3A_367, %swap3A_368] {strides = array<i32>} : memref<32x1408xf32, #tpu.memory_space<vmem>>, vector<16xf32>,
              tpu.vector_store %arg14[%swap3A_367, %swap3A_368], %mul3A_366 {strides = array<i32>} : memref<32x1408xf32, #tpu.memory_space<vmem>>, vector<16xf32>,
              %mul3A_370 = arith.mulf %get3A_239, %gather3A_349 : vector<16xf32>
              %swap3A_371 = arith.index_cast %add3A_198 : i32 to index
              %swap3A_372 = arith.constant 464 : index
              %swap3A_373 = tpu.vector_load %arg14[%swap3A_371, %swap3A_372] {strides = array<i32>} : memref<32x1408xf32, #tpu.memory_space<vmem>>, vector<16xf32>,
              tpu.vector_store %arg14[%swap3A_371, %swap3A_372], %mul3A_370 {strides = array<i32>} : memref<32x1408xf32, #tpu.memory_space<vmem>>, vector<16xf32>,
              %mul3A_374 = arith.mulf %get3A_242, %gather3A_349 : vector<16xf32>
              %swap3A_375 = arith.index_cast %add3A_198 : i32 to index
              %swap3A_376 = arith.constant 480 : index
              %swap3A_377 = tpu.vector_load %arg14[%swap3A_375, %swap3A_376] {strides = array<i32>} : memref<32x1408xf32, #tpu.memory_space<vmem>>, vector<16xf32>,
              tpu.vector_store %arg14[%swap3A_375, %swap3A_376], %mul3A_374 {strides = array<i32>} : memref<32x1408xf32, #tpu.memory_space<vmem>>, vector<16xf32>,
              %mul3A_378 = arith.mulf %get3A_245, %gather3A_349 : vector<16xf32>
              %swap3A_379 = arith.index_cast %add3A_198 : i32 to index
              %swap3A_380 = arith.constant 496 : index
              %swap3A_381 = tpu.vector_load %arg14[%swap3A_379, %swap3A_380] {strides = array<i32>} : memref<32x1408xf32, #tpu.memory_space<vmem>>, vector<16xf32>,
              tpu.vector_store %arg14[%swap3A_379, %swap3A_380], %mul3A_378 {strides = array<i32>} : memref<32x1408xf32, #tpu.memory_space<vmem>>, vector<16xf32>,
              %broadcast_in_dim3A_382 = arith.constant 2 : i32
              %broadcast_in_dim3A_383 = vector.broadcast %broadcast_in_dim3A_382 : i32 to vector<16x1xi32>
              %gather3A_384 = vector.shape_cast %broadcast_in_dim3A_383 : vector<16x1xi32> to vector<16xi32>
              %gather3A_385 = tpu.dynamic_gather %mul3A_216[%gather3A_384] in [0] : vector<16xf32>, vector<16xi32> -> vector<16xf32>
              %mul3A_386 = arith.mulf %get3A_224, %gather3A_385 : vector<16xf32>
              %swap3A_387 = arith.index_cast %add3A_198 : i32 to index
              %swap3A_388 = arith.constant 512 : index
              %swap3A_389 = tpu.vector_load %arg14[%swap3A_387, %swap3A_388] {strides = array<i32>} : memref<32x1408xf32, #tpu.memory_space<vmem>>, vector<16xf32>,
              tpu.vector_store %arg14[%swap3A_387, %swap3A_388], %mul3A_386 {strides = array<i32>} : memref<32x1408xf32, #tpu.memory_space<vmem>>, vector<16xf32>,
              %mul3A_390 = arith.mulf %get3A_227, %gather3A_385 : vector<16xf32>
              %swap3A_391 = arith.index_cast %add3A_198 : i32 to index
              %swap3A_392 = arith.constant 528 : index
              %swap3A_393 = tpu.vector_load %arg14[%swap3A_391, %swap3A_392] {strides = array<i32>} : memref<32x1408xf32, #tpu.memory_space<vmem>>, vector<16xf32>,
              tpu.vector_store %arg14[%swap3A_391, %swap3A_392], %mul3A_390 {strides = array<i32>} : memref<32x1408xf32, #tpu.memory_space<vmem>>, vector<16xf32>,
              %mul3A_394 = arith.mulf %get3A_230, %gather3A_385 : vector<16xf32>
              %swap3A_395 = arith.index_cast %add3A_198 : i32 to index
              %swap3A_396 = arith.constant 544 : index
              %swap3A_397 = tpu.vector_load %arg14[%swap3A_395, %swap3A_396] {strides = array<i32>} : memref<32x1408xf32, #tpu.memory_space<vmem>>, vector<16xf32>,
              tpu.vector_store %arg14[%swap3A_395, %swap3A_396], %mul3A_394 {strides = array<i32>} : memref<32x1408xf32, #tpu.memory_space<vmem>>, vector<16xf32>,
              %mul3A_398 = arith.mulf %get3A_233, %gather3A_385 : vector<16xf32>
              %swap3A_399 = arith.index_cast %add3A_198 : i32 to index
              %swap3A_400 = arith.constant 560 : index
              %swap3A_401 = tpu.vector_load %arg14[%swap3A_399, %swap3A_400] {strides = array<i32>} : memref<32x1408xf32, #tpu.memory_space<vmem>>, vector<16xf32>,
              tpu.vector_store %arg14[%swap3A_399, %swap3A_400], %mul3A_398 {strides = array<i32>} : memref<32x1408xf32, #tpu.memory_space<vmem>>, vector<16xf32>,
              %mul3A_402 = arith.mulf %get3A_236, %gather3A_385 : vector<16xf32>
              %swap3A_403 = arith.index_cast %add3A_198 : i32 to index
              %swap3A_404 = arith.constant 576 : index
              %swap3A_405 = tpu.vector_load %arg14[%swap3A_403, %swap3A_404] {strides = array<i32>} : memref<32x1408xf32, #tpu.memory_space<vmem>>, vector<16xf32>,
              tpu.vector_store %arg14[%swap3A_403, %swap3A_404], %mul3A_402 {strides = array<i32>} : memref<32x1408xf32, #tpu.memory_space<vmem>>, vector<16xf32>,
              %mul3A_406 = arith.mulf %get3A_239, %gather3A_385 : vector<16xf32>
              %swap3A_407 = arith.index_cast %add3A_198 : i32 to index
              %swap3A_408 = arith.constant 592 : index
              %swap3A_409 = tpu.vector_load %arg14[%swap3A_407, %swap3A_408] {strides = array<i32>} : memref<32x1408xf32, #tpu.memory_space<vmem>>, vector<16xf32>,
              tpu.vector_store %arg14[%swap3A_407, %swap3A_408], %mul3A_406 {strides = array<i32>} : memref<32x1408xf32, #tpu.memory_space<vmem>>, vector<16xf32>,
              %mul3A_410 = arith.mulf %get3A_242, %gather3A_385 : vector<16xf32>
              %swap3A_411 = arith.index_cast %add3A_198 : i32 to index
              %swap3A_412 = arith.constant 608 : index
              %swap3A_413 = tpu.vector_load %arg14[%swap3A_411, %swap3A_412] {strides = array<i32>} : memref<32x1408xf32, #tpu.memory_space<vmem>>, vector<16xf32>,
              tpu.vector_store %arg14[%swap3A_411, %swap3A_412], %mul3A_410 {strides = array<i32>} : memref<32x1408xf32, #tpu.memory_space<vmem>>, vector<16xf32>,
              %mul3A_414 = arith.mulf %get3A_245, %gather3A_385 : vector<16xf32>
              %swap3A_415 = arith.index_cast %add3A_198 : i32 to index
              %swap3A_416 = arith.constant 624 : index
              %swap3A_417 = tpu.vector_load %arg14[%swap3A_415, %swap3A_416] {strides = array<i32>} : memref<32x1408xf32, #tpu.memory_space<vmem>>, vector<16xf32>,
              tpu.vector_store %arg14[%swap3A_415, %swap3A_416], %mul3A_414 {strides = array<i32>} : memref<32x1408xf32, #tpu.memory_space<vmem>>, vector<16xf32>,
              %broadcast_in_dim3A_418 = arith.constant 3 : i32
              %broadcast_in_dim3A_419 = vector.broadcast %broadcast_in_dim3A_418 : i32 to vector<16x1xi32>
              %gather3A_420 = vector.shape_cast %broadcast_in_dim3A_419 : vector<16x1xi32> to vector<16xi32>
              %gather3A_421 = tpu.dynamic_gather %mul3A_216[%gather3A_420] in [0] : vector<16xf32>, vector<16xi32> -> vector<16xf32>
              %mul3A_422 = arith.mulf %get3A_224, %gather3A_421 : vector<16xf32>
              %swap3A_423 = arith.index_cast %add3A_198 : i32 to index
              %swap3A_424 = arith.constant 640 : index
              %swap3A_425 = tpu.vector_load %arg14[%swap3A_423, %swap3A_424] {strides = array<i32>} : memref<32x1408xf32, #tpu.memory_space<vmem>>, vector<16xf32>,
              tpu.vector_store %arg14[%swap3A_423, %swap3A_424], %mul3A_422 {strides = array<i32>} : memref<32x1408xf32, #tpu.memory_space<vmem>>, vector<16xf32>,
              %mul3A_426 = arith.mulf %get3A_227, %gather3A_421 : vector<16xf32>
              %swap3A_427 = arith.index_cast %add3A_198 : i32 to index
              %swap3A_428 = arith.constant 656 : index
              %swap3A_429 = tpu.vector_load %arg14[%swap3A_427, %swap3A_428] {strides = array<i32>} : memref<32x1408xf32, #tpu.memory_space<vmem>>, vector<16xf32>,
              tpu.vector_store %arg14[%swap3A_427, %swap3A_428], %mul3A_426 {strides = array<i32>} : memref<32x1408xf32, #tpu.memory_space<vmem>>, vector<16xf32>,
              %mul3A_430 = arith.mulf %get3A_230, %gather3A_421 : vector<16xf32>
              %swap3A_431 = arith.index_cast %add3A_198 : i32 to index
              %swap3A_432 = arith.constant 672 : index
              %swap3A_433 = tpu.vector_load %arg14[%swap3A_431, %swap3A_432] {strides = array<i32>} : memref<32x1408xf32, #tpu.memory_space<vmem>>, vector<16xf32>,
              tpu.vector_store %arg14[%swap3A_431, %swap3A_432], %mul3A_430 {strides = array<i32>} : memref<32x1408xf32, #tpu.memory_space<vmem>>, vector<16xf32>,
              %mul3A_434 = arith.mulf %get3A_233, %gather3A_421 : vector<16xf32>
              %swap3A_435 = arith.index_cast %add3A_198 : i32 to index
              %swap3A_436 = arith.constant 688 : index
              %swap3A_437 = tpu.vector_load %arg14[%swap3A_435, %swap3A_436] {strides = array<i32>} : memref<32x1408xf32, #tpu.memory_space<vmem>>, vector<16xf32>,
              tpu.vector_store %arg14[%swap3A_435, %swap3A_436], %mul3A_434 {strides = array<i32>} : memref<32x1408xf32, #tpu.memory_space<vmem>>, vector<16xf32>,
              %mul3A_438 = arith.mulf %get3A_236, %gather3A_421 : vector<16xf32>
              %swap3A_439 = arith.index_cast %add3A_198 : i32 to index
              %swap3A_440 = arith.constant 704 : index
              %swap3A_441 = tpu.vector_load %arg14[%swap3A_439, %swap3A_440] {strides = array<i32>} : memref<32x1408xf32, #tpu.memory_space<vmem>>, vector<16xf32>,
              tpu.vector_store %arg14[%swap3A_439, %swap3A_440], %mul3A_438 {strides = array<i32>} : memref<32x1408xf32, #tpu.memory_space<vmem>>, vector<16xf32>,
              %mul3A_442 = arith.mulf %get3A_239, %gather3A_421 : vector<16xf32>
              %swap3A_443 = arith.index_cast %add3A_198 : i32 to index
              %swap3A_444 = arith.constant 720 : index
              %swap3A_445 = tpu.vector_load %arg14[%swap3A_443, %swap3A_444] {strides = array<i32>} : memref<32x1408xf32, #tpu.memory_space<vmem>>, vector<16xf32>,
              tpu.vector_store %arg14[%swap3A_443, %swap3A_444], %mul3A_442 {strides = array<i32>} : memref<32x1408xf32, #tpu.memory_space<vmem>>, vector<16xf32>,
              %mul3A_446 = arith.mulf %get3A_242, %gather3A_421 : vector<16xf32>
              %swap3A_447 = arith.index_cast %add3A_198 : i32 to index
              %swap3A_448 = arith.constant 736 : index
              %swap3A_449 = tpu.vector_load %arg14[%swap3A_447, %swap3A_448] {strides = array<i32>} : memref<32x1408xf32, #tpu.memory_space<vmem>>, vector<16xf32>,
              tpu.vector_store %arg14[%swap3A_447, %swap3A_448], %mul3A_446 {strides = array<i32>} : memref<32x1408xf32, #tpu.memory_space<vmem>>, vector<16xf32>,
              %mul3A_450 = arith.mulf %get3A_245, %gather3A_421 : vector<16xf32>
              %swap3A_451 = arith.index_cast %add3A_198 : i32 to index
              %swap3A_452 = arith.constant 752 : index
              %swap3A_453 = tpu.vector_load %arg14[%swap3A_451, %swap3A_452] {strides = array<i32>} : memref<32x1408xf32, #tpu.memory_space<vmem>>, vector<16xf32>,
              tpu.vector_store %arg14[%swap3A_451, %swap3A_452], %mul3A_450 {strides = array<i32>} : memref<32x1408xf32, #tpu.memory_space<vmem>>, vector<16xf32>,
              %broadcast_in_dim3A_454 = arith.constant 4 : i32
              %broadcast_in_dim3A_455 = vector.broadcast %broadcast_in_dim3A_454 : i32 to vector<16x1xi32>
              %gather3A_456 = vector.shape_cast %broadcast_in_dim3A_455 : vector<16x1xi32> to vector<16xi32>
              %gather3A_457 = tpu.dynamic_gather %mul3A_216[%gather3A_456] in [0] : vector<16xf32>, vector<16xi32> -> vector<16xf32>
              %mul3A_458 = arith.mulf %get3A_224, %gather3A_457 : vector<16xf32>
              %swap3A_459 = arith.index_cast %add3A_198 : i32 to index
              %swap3A_460 = arith.constant 768 : index
              %swap3A_461 = tpu.vector_load %arg14[%swap3A_459, %swap3A_460] {strides = array<i32>} : memref<32x1408xf32, #tpu.memory_space<vmem>>, vector<16xf32>,
              tpu.vector_store %arg14[%swap3A_459, %swap3A_460], %mul3A_458 {strides = array<i32>} : memref<32x1408xf32, #tpu.memory_space<vmem>>, vector<16xf32>,
              %mul3A_462 = arith.mulf %get3A_227, %gather3A_457 : vector<16xf32>
              %swap3A_463 = arith.index_cast %add3A_198 : i32 to index
              %swap3A_464 = arith.constant 784 : index
              %swap3A_465 = tpu.vector_load %arg14[%swap3A_463, %swap3A_464] {strides = array<i32>} : memref<32x1408xf32, #tpu.memory_space<vmem>>, vector<16xf32>,
              tpu.vector_store %arg14[%swap3A_463, %swap3A_464], %mul3A_462 {strides = array<i32>} : memref<32x1408xf32, #tpu.memory_space<vmem>>, vector<16xf32>,
              %mul3A_466 = arith.mulf %get3A_230, %gather3A_457 : vector<16xf32>
              %swap3A_467 = arith.index_cast %add3A_198 : i32 to index
              %swap3A_468 = arith.constant 800 : index
              %swap3A_469 = tpu.vector_load %arg14[%swap3A_467, %swap3A_468] {strides = array<i32>} : memref<32x1408xf32, #tpu.memory_space<vmem>>, vector<16xf32>,
              tpu.vector_store %arg14[%swap3A_467, %swap3A_468], %mul3A_466 {strides = array<i32>} : memref<32x1408xf32, #tpu.memory_space<vmem>>, vector<16xf32>,
              %mul3A_470 = arith.mulf %get3A_233, %gather3A_457 : vector<16xf32>
              %swap3A_471 = arith.index_cast %add3A_198 : i32 to index
              %swap3A_472 = arith.constant 816 : index
              %swap3A_473 = tpu.vector_load %arg14[%swap3A_471, %swap3A_472] {strides = array<i32>} : memref<32x1408xf32, #tpu.memory_space<vmem>>, vector<16xf32>,
              tpu.vector_store %arg14[%swap3A_471, %swap3A_472], %mul3A_470 {strides = array<i32>} : memref<32x1408xf32, #tpu.memory_space<vmem>>, vector<16xf32>,
              %mul3A_474 = arith.mulf %get3A_236, %gather3A_457 : vector<16xf32>
              %swap3A_475 = arith.index_cast %add3A_198 : i32 to index
              %swap3A_476 = arith.constant 832 : index
              %swap3A_477 = tpu.vector_load %arg14[%swap3A_475, %swap3A_476] {strides = array<i32>} : memref<32x1408xf32, #tpu.memory_space<vmem>>, vector<16xf32>,
              tpu.vector_store %arg14[%swap3A_475, %swap3A_476], %mul3A_474 {strides = array<i32>} : memref<32x1408xf32, #tpu.memory_space<vmem>>, vector<16xf32>,
              %mul3A_478 = arith.mulf %get3A_239, %gather3A_457 : vector<16xf32>
              %swap3A_479 = arith.index_cast %add3A_198 : i32 to index
              %swap3A_480 = arith.constant 848 : index
              %swap3A_481 = tpu.vector_load %arg14[%swap3A_479, %swap3A_480] {strides = array<i32>} : memref<32x1408xf32, #tpu.memory_space<vmem>>, vector<16xf32>,
              tpu.vector_store %arg14[%swap3A_479, %swap3A_480], %mul3A_478 {strides = array<i32>} : memref<32x1408xf32, #tpu.memory_space<vmem>>, vector<16xf32>,
              %mul3A_482 = arith.mulf %get3A_242, %gather3A_457 : vector<16xf32>
              %swap3A_483 = arith.index_cast %add3A_198 : i32 to index
              %swap3A_484 = arith.constant 864 : index
              %swap3A_485 = tpu.vector_load %arg14[%swap3A_483, %swap3A_484] {strides = array<i32>} : memref<32x1408xf32, #tpu.memory_space<vmem>>, vector<16xf32>,
              tpu.vector_store %arg14[%swap3A_483, %swap3A_484], %mul3A_482 {strides = array<i32>} : memref<32x1408xf32, #tpu.memory_space<vmem>>, vector<16xf32>,
              %mul3A_486 = arith.mulf %get3A_245, %gather3A_457 : vector<16xf32>
              %swap3A_487 = arith.index_cast %add3A_198 : i32 to index
              %swap3A_488 = arith.constant 880 : index
              %swap3A_489 = tpu.vector_load %arg14[%swap3A_487, %swap3A_488] {strides = array<i32>} : memref<32x1408xf32, #tpu.memory_space<vmem>>, vector<16xf32>,
              tpu.vector_store %arg14[%swap3A_487, %swap3A_488], %mul3A_486 {strides = array<i32>} : memref<32x1408xf32, #tpu.memory_space<vmem>>, vector<16xf32>,
              %broadcast_in_dim3A_490 = arith.constant 5 : i32
              %broadcast_in_dim3A_491 = vector.broadcast %broadcast_in_dim3A_490 : i32 to vector<16x1xi32>
              %gather3A_492 = vector.shape_cast %broadcast_in_dim3A_491 : vector<16x1xi32> to vector<16xi32>
              %gather3A_493 = tpu.dynamic_gather %mul3A_216[%gather3A_492] in [0] : vector<16xf32>, vector<16xi32> -> vector<16xf32>
              %mul3A_494 = arith.mulf %get3A_224, %gather3A_493 : vector<16xf32>
              %swap3A_495 = arith.index_cast %add3A_198 : i32 to index
              %swap3A_496 = arith.constant 896 : index
              %swap3A_497 = tpu.vector_load %arg14[%swap3A_495, %swap3A_496] {strides = array<i32>} : memref<32x1408xf32, #tpu.memory_space<vmem>>, vector<16xf32>,
              tpu.vector_store %arg14[%swap3A_495, %swap3A_496], %mul3A_494 {strides = array<i32>} : memref<32x1408xf32, #tpu.memory_space<vmem>>, vector<16xf32>,
              %mul3A_498 = arith.mulf %get3A_227, %gather3A_493 : vector<16xf32>
              %swap3A_499 = arith.index_cast %add3A_198 : i32 to index
              %swap3A_500 = arith.constant 912 : index
              %swap3A_501 = tpu.vector_load %arg14[%swap3A_499, %swap3A_500] {strides = array<i32>} : memref<32x1408xf32, #tpu.memory_space<vmem>>, vector<16xf32>,
              tpu.vector_store %arg14[%swap3A_499, %swap3A_500], %mul3A_498 {strides = array<i32>} : memref<32x1408xf32, #tpu.memory_space<vmem>>, vector<16xf32>,
              %mul3A_502 = arith.mulf %get3A_230, %gather3A_493 : vector<16xf32>
              %swap3A_503 = arith.index_cast %add3A_198 : i32 to index
              %swap3A_504 = arith.constant 928 : index
              %swap3A_505 = tpu.vector_load %arg14[%swap3A_503, %swap3A_504] {strides = array<i32>} : memref<32x1408xf32, #tpu.memory_space<vmem>>, vector<16xf32>,
              tpu.vector_store %arg14[%swap3A_503, %swap3A_504], %mul3A_502 {strides = array<i32>} : memref<32x1408xf32, #tpu.memory_space<vmem>>, vector<16xf32>,
              %mul3A_506 = arith.mulf %get3A_233, %gather3A_493 : vector<16xf32>
              %swap3A_507 = arith.index_cast %add3A_198 : i32 to index
              %swap3A_508 = arith.constant 944 : index
              %swap3A_509 = tpu.vector_load %arg14[%swap3A_507, %swap3A_508] {strides = array<i32>} : memref<32x1408xf32, #tpu.memory_space<vmem>>, vector<16xf32>,
              tpu.vector_store %arg14[%swap3A_507, %swap3A_508], %mul3A_506 {strides = array<i32>} : memref<32x1408xf32, #tpu.memory_space<vmem>>, vector<16xf32>,
              %mul3A_510 = arith.mulf %get3A_236, %gather3A_493 : vector<16xf32>
              %swap3A_511 = arith.index_cast %add3A_198 : i32 to index
              %swap3A_512 = arith.constant 960 : index
              %swap3A_513 = tpu.vector_load %arg14[%swap3A_511, %swap3A_512] {strides = array<i32>} : memref<32x1408xf32, #tpu.memory_space<vmem>>, vector<16xf32>,
              tpu.vector_store %arg14[%swap3A_511, %swap3A_512], %mul3A_510 {strides = array<i32>} : memref<32x1408xf32, #tpu.memory_space<vmem>>, vector<16xf32>,
              %mul3A_514 = arith.mulf %get3A_239, %gather3A_493 : vector<16xf32>
              %swap3A_515 = arith.index_cast %add3A_198 : i32 to index
              %swap3A_516 = arith.constant 976 : index
              %swap3A_517 = tpu.vector_load %arg14[%swap3A_515, %swap3A_516] {strides = array<i32>} : memref<32x1408xf32, #tpu.memory_space<vmem>>, vector<16xf32>,
              tpu.vector_store %arg14[%swap3A_515, %swap3A_516], %mul3A_514 {strides = array<i32>} : memref<32x1408xf32, #tpu.memory_space<vmem>>, vector<16xf32>,
              %mul3A_518 = arith.mulf %get3A_242, %gather3A_493 : vector<16xf32>
              %swap3A_519 = arith.index_cast %add3A_198 : i32 to index
              %swap3A_520 = arith.constant 992 : index
              %swap3A_521 = tpu.vector_load %arg14[%swap3A_519, %swap3A_520] {strides = array<i32>} : memref<32x1408xf32, #tpu.memory_space<vmem>>, vector<16xf32>,
              tpu.vector_store %arg14[%swap3A_519, %swap3A_520], %mul3A_518 {strides = array<i32>} : memref<32x1408xf32, #tpu.memory_space<vmem>>, vector<16xf32>,
              %mul3A_522 = arith.mulf %get3A_245, %gather3A_493 : vector<16xf32>
              %swap3A_523 = arith.index_cast %add3A_198 : i32 to index
              %swap3A_524 = arith.constant 1008 : index
              %swap3A_525 = tpu.vector_load %arg14[%swap3A_523, %swap3A_524] {strides = array<i32>} : memref<32x1408xf32, #tpu.memory_space<vmem>>, vector<16xf32>,
              tpu.vector_store %arg14[%swap3A_523, %swap3A_524], %mul3A_522 {strides = array<i32>} : memref<32x1408xf32, #tpu.memory_space<vmem>>, vector<16xf32>,
              %broadcast_in_dim3A_526 = arith.constant 6 : i32
              %broadcast_in_dim3A_527 = vector.broadcast %broadcast_in_dim3A_526 : i32 to vector<16x1xi32>
              %gather3A_528 = vector.shape_cast %broadcast_in_dim3A_527 : vector<16x1xi32> to vector<16xi32>
              %gather3A_529 = tpu.dynamic_gather %mul3A_216[%gather3A_528] in [0] : vector<16xf32>, vector<16xi32> -> vector<16xf32>
              %mul3A_530 = arith.mulf %get3A_224, %gather3A_529 : vector<16xf32>
              %swap3A_531 = arith.index_cast %add3A_198 : i32 to index
              %swap3A_532 = arith.constant 1024 : index
              %swap3A_533 = tpu.vector_load %arg14[%swap3A_531, %swap3A_532] {strides = array<i32>} : memref<32x1408xf32, #tpu.memory_space<vmem>>, vector<16xf32>,
              tpu.vector_store %arg14[%swap3A_531, %swap3A_532], %mul3A_530 {strides = array<i32>} : memref<32x1408xf32, #tpu.memory_space<vmem>>, vector<16xf32>,
              %mul3A_534 = arith.mulf %get3A_227, %gather3A_529 : vector<16xf32>
              %swap3A_535 = arith.index_cast %add3A_198 : i32 to index
              %swap3A_536 = arith.constant 1040 : index
              %swap3A_537 = tpu.vector_load %arg14[%swap3A_535, %swap3A_536] {strides = array<i32>} : memref<32x1408xf32, #tpu.memory_space<vmem>>, vector<16xf32>,
              tpu.vector_store %arg14[%swap3A_535, %swap3A_536], %mul3A_534 {strides = array<i32>} : memref<32x1408xf32, #tpu.memory_space<vmem>>, vector<16xf32>,
              %mul3A_538 = arith.mulf %get3A_230, %gather3A_529 : vector<16xf32>
              %swap3A_539 = arith.index_cast %add3A_198 : i32 to index
              %swap3A_540 = arith.constant 1056 : index
              %swap3A_541 = tpu.vector_load %arg14[%swap3A_539, %swap3A_540] {strides = array<i32>} : memref<32x1408xf32, #tpu.memory_space<vmem>>, vector<16xf32>,
              tpu.vector_store %arg14[%swap3A_539, %swap3A_540], %mul3A_538 {strides = array<i32>} : memref<32x1408xf32, #tpu.memory_space<vmem>>, vector<16xf32>,
              %mul3A_542 = arith.mulf %get3A_233, %gather3A_529 : vector<16xf32>
              %swap3A_543 = arith.index_cast %add3A_198 : i32 to index
              %swap3A_544 = arith.constant 1072 : index
              %swap3A_545 = tpu.vector_load %arg14[%swap3A_543, %swap3A_544] {strides = array<i32>} : memref<32x1408xf32, #tpu.memory_space<vmem>>, vector<16xf32>,
              tpu.vector_store %arg14[%swap3A_543, %swap3A_544], %mul3A_542 {strides = array<i32>} : memref<32x1408xf32, #tpu.memory_space<vmem>>, vector<16xf32>,
              %mul3A_546 = arith.mulf %get3A_236, %gather3A_529 : vector<16xf32>
              %swap3A_547 = arith.index_cast %add3A_198 : i32 to index
              %swap3A_548 = arith.constant 1088 : index
              %swap3A_549 = tpu.vector_load %arg14[%swap3A_547, %swap3A_548] {strides = array<i32>} : memref<32x1408xf32, #tpu.memory_space<vmem>>, vector<16xf32>,
              tpu.vector_store %arg14[%swap3A_547, %swap3A_548], %mul3A_546 {strides = array<i32>} : memref<32x1408xf32, #tpu.memory_space<vmem>>, vector<16xf32>,
              %mul3A_550 = arith.mulf %get3A_239, %gather3A_529 : vector<16xf32>
              %swap3A_551 = arith.index_cast %add3A_198 : i32 to index
              %swap3A_552 = arith.constant 1104 : index
              %swap3A_553 = tpu.vector_load %arg14[%swap3A_551, %swap3A_552] {strides = array<i32>} : memref<32x1408xf32, #tpu.memory_space<vmem>>, vector<16xf32>,
              tpu.vector_store %arg14[%swap3A_551, %swap3A_552], %mul3A_550 {strides = array<i32>} : memref<32x1408xf32, #tpu.memory_space<vmem>>, vector<16xf32>,
              %mul3A_554 = arith.mulf %get3A_242, %gather3A_529 : vector<16xf32>
              %swap3A_555 = arith.index_cast %add3A_198 : i32 to index
              %swap3A_556 = arith.constant 1120 : index
              %swap3A_557 = tpu.vector_load %arg14[%swap3A_555, %swap3A_556] {strides = array<i32>} : memref<32x1408xf32, #tpu.memory_space<vmem>>, vector<16xf32>,
              tpu.vector_store %arg14[%swap3A_555, %swap3A_556], %mul3A_554 {strides = array<i32>} : memref<32x1408xf32, #tpu.memory_space<vmem>>, vector<16xf32>,
              %mul3A_558 = arith.mulf %get3A_245, %gather3A_529 : vector<16xf32>
              %swap3A_559 = arith.index_cast %add3A_198 : i32 to index
              %swap3A_560 = arith.constant 1136 : index
              %swap3A_561 = tpu.vector_load %arg14[%swap3A_559, %swap3A_560] {strides = array<i32>} : memref<32x1408xf32, #tpu.memory_space<vmem>>, vector<16xf32>,
              tpu.vector_store %arg14[%swap3A_559, %swap3A_560], %mul3A_558 {strides = array<i32>} : memref<32x1408xf32, #tpu.memory_space<vmem>>, vector<16xf32>,
              %broadcast_in_dim3A_562 = arith.constant 7 : i32
              %broadcast_in_dim3A_563 = vector.broadcast %broadcast_in_dim3A_562 : i32 to vector<16x1xi32>
              %gather3A_564 = vector.shape_cast %broadcast_in_dim3A_563 : vector<16x1xi32> to vector<16xi32>
              %gather3A_565 = tpu.dynamic_gather %mul3A_216[%gather3A_564] in [0] : vector<16xf32>, vector<16xi32> -> vector<16xf32>
              %mul3A_566 = arith.mulf %get3A_224, %gather3A_565 : vector<16xf32>
              %swap3A_567 = arith.index_cast %add3A_198 : i32 to index
              %swap3A_568 = arith.constant 1152 : index
              %swap3A_569 = tpu.vector_load %arg14[%swap3A_567, %swap3A_568] {strides = array<i32>} : memref<32x1408xf32, #tpu.memory_space<vmem>>, vector<16xf32>,
              tpu.vector_store %arg14[%swap3A_567, %swap3A_568], %mul3A_566 {strides = array<i32>} : memref<32x1408xf32, #tpu.memory_space<vmem>>, vector<16xf32>,
              %mul3A_570 = arith.mulf %get3A_227, %gather3A_565 : vector<16xf32>
              %swap3A_571 = arith.index_cast %add3A_198 : i32 to index
              %swap3A_572 = arith.constant 1168 : index
              %swap3A_573 = tpu.vector_load %arg14[%swap3A_571, %swap3A_572] {strides = array<i32>} : memref<32x1408xf32, #tpu.memory_space<vmem>>, vector<16xf32>,
              tpu.vector_store %arg14[%swap3A_571, %swap3A_572], %mul3A_570 {strides = array<i32>} : memref<32x1408xf32, #tpu.memory_space<vmem>>, vector<16xf32>,
              %mul3A_574 = arith.mulf %get3A_230, %gather3A_565 : vector<16xf32>
              %swap3A_575 = arith.index_cast %add3A_198 : i32 to index
              %swap3A_576 = arith.constant 1184 : index
              %swap3A_577 = tpu.vector_load %arg14[%swap3A_575, %swap3A_576] {strides = array<i32>} : memref<32x1408xf32, #tpu.memory_space<vmem>>, vector<16xf32>,
              tpu.vector_store %arg14[%swap3A_575, %swap3A_576], %mul3A_574 {strides = array<i32>} : memref<32x1408xf32, #tpu.memory_space<vmem>>, vector<16xf32>,
              %mul3A_578 = arith.mulf %get3A_233, %gather3A_565 : vector<16xf32>
              %swap3A_579 = arith.index_cast %add3A_198 : i32 to index
              %swap3A_580 = arith.constant 1200 : index
              %swap3A_581 = tpu.vector_load %arg14[%swap3A_579, %swap3A_580] {strides = array<i32>} : memref<32x1408xf32, #tpu.memory_space<vmem>>, vector<16xf32>,
              tpu.vector_store %arg14[%swap3A_579, %swap3A_580], %mul3A_578 {strides = array<i32>} : memref<32x1408xf32, #tpu.memory_space<vmem>>, vector<16xf32>,
              %mul3A_582 = arith.mulf %get3A_236, %gather3A_565 : vector<16xf32>
              %swap3A_583 = arith.index_cast %add3A_198 : i32 to index
              %swap3A_584 = arith.constant 1216 : index
              %swap3A_585 = tpu.vector_load %arg14[%swap3A_583, %swap3A_584] {strides = array<i32>} : memref<32x1408xf32, #tpu.memory_space<vmem>>, vector<16xf32>,
              tpu.vector_store %arg14[%swap3A_583, %swap3A_584], %mul3A_582 {strides = array<i32>} : memref<32x1408xf32, #tpu.memory_space<vmem>>, vector<16xf32>,
              %mul3A_586 = arith.mulf %get3A_239, %gather3A_565 : vector<16xf32>
              %swap3A_587 = arith.index_cast %add3A_198 : i32 to index
              %swap3A_588 = arith.constant 1232 : index
              %swap3A_589 = tpu.vector_load %arg14[%swap3A_587, %swap3A_588] {strides = array<i32>} : memref<32x1408xf32, #tpu.memory_space<vmem>>, vector<16xf32>,
              tpu.vector_store %arg14[%swap3A_587, %swap3A_588], %mul3A_586 {strides = array<i32>} : memref<32x1408xf32, #tpu.memory_space<vmem>>, vector<16xf32>,
              %mul3A_590 = arith.mulf %get3A_242, %gather3A_565 : vector<16xf32>
              %swap3A_591 = arith.index_cast %add3A_198 : i32 to index
              %swap3A_592 = arith.constant 1248 : index
              %swap3A_593 = tpu.vector_load %arg14[%swap3A_591, %swap3A_592] {strides = array<i32>} : memref<32x1408xf32, #tpu.memory_space<vmem>>, vector<16xf32>,
              tpu.vector_store %arg14[%swap3A_591, %swap3A_592], %mul3A_590 {strides = array<i32>} : memref<32x1408xf32, #tpu.memory_space<vmem>>, vector<16xf32>,
              %mul3A_594 = arith.mulf %get3A_245, %gather3A_565 : vector<16xf32>
              %swap3A_595 = arith.index_cast %add3A_198 : i32 to index
              %swap3A_596 = arith.constant 1264 : index
              %swap3A_597 = tpu.vector_load %arg14[%swap3A_595, %swap3A_596] {strides = array<i32>} : memref<32x1408xf32, #tpu.memory_space<vmem>>, vector<16xf32>,
              tpu.vector_store %arg14[%swap3A_595, %swap3A_596], %mul3A_594 {strides = array<i32>} : memref<32x1408xf32, #tpu.memory_space<vmem>>, vector<16xf32>,
              %lt3A_598 = arith.constant 8 : i32
              %lt3A_599 = vector.broadcast %lt3A_598 : i32 to vector<16xi32>
              %lt3A_600 = arith.cmpi slt, %iota3A, %lt3A_599 : vector<16xi32>
              %jit3A_601 = arith.constant 0.000000e+00 : f32
              %broadcast_in_dim3A_602 = vector.broadcast %jit3A_601 : f32 to vector<16xf32>
              %select_n3A_603 = arith.select %lt3A_600, %mul3A_216, %broadcast_in_dim3A_602 : vector<16xi1>, vector<16xf32>
              %swap3A_604 = arith.index_cast %add3A_198 : i32 to index
              %swap3A_605 = arith.constant 1280 : index
              %swap3A_606 = tpu.vector_load %arg14[%swap3A_604, %swap3A_605] {strides = array<i32>} : memref<32x1408xf32, #tpu.memory_space<vmem>>, vector<16xf32>,
              tpu.vector_store %arg14[%swap3A_604, %swap3A_605], %select_n3A_603 {strides = array<i32>} : memref<32x1408xf32, #tpu.memory_space<vmem>>, vector<16xf32>,
            }
            %scan3A_184 = arith.constant 16 : i32
            %ge3A = arith.constant 1 : i32
            %ge3A_185 = arith.cmpi sge, %scan3A_154, %ge3A : i32
            %convert_element_type3A_186 = arith.extui %ge3A_185 : i1 to i32
            %cond3A_187 = arith.constant 0 : i32
            %cond3A_188 = arith.cmpi ne, %convert_element_type3A_186, %cond3A_187 : i32
            scf.if %cond3A_188 {
              %dma_wait3A_194 = arith.constant 0 : i32
              %dma_wait3A_195 = arith.constant 0 : i32
              %dma_wait3A_196 = tpu.memref_slice %arg16[%dma_wait3A_194, %dma_wait3A_195] : memref<384x1408xf32, #tpu.memory_space<vmem_shared>> -> memref<16x1408xf32, #tpu.memory_space<vmem_shared>>
              tpu.wait_dma2 semaphore(%arg18 : memref<!tpu.dma_semaphore, #tpu.memory_space<semaphore_mem>>) src(%arg6 : memref<16x1408xf32, #tpu.memory_space<hbm>>) dst(%dma_wait3A_196 : memref<16x1408xf32, #tpu.memory_space<vmem_shared>>)
            } else {
            }
            %dma_start3A_189 = arith.constant 0 : i32
            %dma_start3A_190 = tpu.memref_slice %arg14[%mul3A_178, %dma_start3A_189] : memref<32x1408xf32, #tpu.memory_space<vmem>> -> memref<16x1408xf32, #tpu.memory_space<vmem>>
            %dma_start3A_191 = arith.constant 0 : i32
            %dma_start3A_192 = arith.constant 0 : i32
            %dma_start3A_193 = tpu.memref_slice %arg16[%dma_start3A_191, %dma_start3A_192] : memref<384x1408xf32, #tpu.memory_space<vmem_shared>> -> memref<384x1408xf32, #tpu.memory_space<vmem_shared>>
            tpu.enqueue_indirect_dma source(%dma_start3A_190 : memref<16x1408xf32, #tpu.memory_space<vmem>>) target(%dma_start3A_193 : memref<384x1408xf32, #tpu.memory_space<vmem_shared>>) offsets(%select_n3A_166 : vector<16xi32>) semaphore(%arg18 : memref<!tpu.dma_semaphore, #tpu.memory_space<semaphore_mem>>) {add = true}
          }
          %scan3A_150 = arith.constant 8 : i32
          %dma_wait3A_151 = arith.constant 0 : i32
          %dma_wait3A_152 = arith.constant 0 : i32
          %dma_wait3A_153 = tpu.memref_slice %arg16[%dma_wait3A_151, %dma_wait3A_152] : memref<384x1408xf32, #tpu.memory_space<vmem_shared>> -> memref<16x1408xf32, #tpu.memory_space<vmem_shared>>
          tpu.wait_dma2 semaphore(%arg18 : memref<!tpu.dma_semaphore, #tpu.memory_space<semaphore_mem>>) src(%arg6 : memref<16x1408xf32, #tpu.memory_space<hbm>>) dst(%dma_wait3A_153 : memref<16x1408xf32, #tpu.memory_space<vmem_shared>>)
        }
        %mul3A_71 = arith.constant 128 : i32
        %mul3A_72 = arith.muli %select_n3A, %mul3A_71 : i32
        %add3A_73 = arith.constant 0 : i32
        %add3A_74 = arith.addi %mul3A_72, %add3A_73 : i32
        %get3A = arith.index_cast %add3A_74 : i32 to index
        %get3A_75 = tpu.vector_load %arg9[%get3A] {strides = array<i32>} : memref<768xi32, #tpu.memory_space<vmem>>, vector<16xi32>,
        %add3A_76 = arith.constant 16 : i32
        %add3A_77 = arith.addi %mul3A_72, %add3A_76 : i32
        %get3A_78 = arith.index_cast %add3A_77 : i32 to index
        %get3A_79 = tpu.vector_load %arg9[%get3A_78] {strides = array<i32>} : memref<768xi32, #tpu.memory_space<vmem>>, vector<16xi32>,
        %add3A_80 = arith.constant 32 : i32
        %add3A_81 = arith.addi %mul3A_72, %add3A_80 : i32
        %get3A_82 = arith.index_cast %add3A_81 : i32 to index
        %get3A_83 = tpu.vector_load %arg9[%get3A_82] {strides = array<i32>} : memref<768xi32, #tpu.memory_space<vmem>>, vector<16xi32>,
        %add3A_84 = arith.constant 48 : i32
        %add3A_85 = arith.addi %mul3A_72, %add3A_84 : i32
        %get3A_86 = arith.index_cast %add3A_85 : i32 to index
        %get3A_87 = tpu.vector_load %arg9[%get3A_86] {strides = array<i32>} : memref<768xi32, #tpu.memory_space<vmem>>, vector<16xi32>,
        %add3A_88 = arith.constant 64 : i32
        %add3A_89 = arith.addi %mul3A_72, %add3A_88 : i32
        %get3A_90 = arith.index_cast %add3A_89 : i32 to index
        %get3A_91 = tpu.vector_load %arg9[%get3A_90] {strides = array<i32>} : memref<768xi32, #tpu.memory_space<vmem>>, vector<16xi32>,
        %add3A_92 = arith.constant 80 : i32
        %add3A_93 = arith.addi %mul3A_72, %add3A_92 : i32
        %get3A_94 = arith.index_cast %add3A_93 : i32 to index
        %get3A_95 = tpu.vector_load %arg9[%get3A_94] {strides = array<i32>} : memref<768xi32, #tpu.memory_space<vmem>>, vector<16xi32>,
        %add3A_96 = arith.constant 96 : i32
        %add3A_97 = arith.addi %mul3A_72, %add3A_96 : i32
        %get3A_98 = arith.index_cast %add3A_97 : i32 to index
        %get3A_99 = tpu.vector_load %arg9[%get3A_98] {strides = array<i32>} : memref<768xi32, #tpu.memory_space<vmem>>, vector<16xi32>,
        %add3A_100 = arith.constant 112 : i32
        %add3A_101 = arith.addi %mul3A_72, %add3A_100 : i32
        %get3A_102 = arith.index_cast %add3A_101 : i32 to index
        %get3A_103 = tpu.vector_load %arg9[%get3A_102] {strides = array<i32>} : memref<768xi32, #tpu.memory_space<vmem>>, vector<16xi32>,
        %scan3A_104 = arith.constant 0 : i32
        %scan3A_105 = arith.constant 0 : i32
        %scan3A_106 = arith.constant 48 : i32
        %scan3A_107 = arith.addi %scan3A_105, %scan3A_106 : i32
        %scan3A_108 = arith.constant 1 : i32
        scf.for %scan3A_126 = %scan3A_105 to %scan3A_107 step %scan3A_108  : i32 {
          %mul3A_127 = arith.constant 16 : i32
          %mul3A_128 = arith.muli %scan3A_126, %mul3A_127 : i32
          %swap3A_129 = arith.index_cast %mul3A_128 : i32 to index
          %swap3A_130 = tpu.vector_load %arg9[%swap3A_129] {strides = array<i32>} : memref<768xi32, #tpu.memory_space<vmem>>, vector<16xi32>,
          tpu.vector_store %arg9[%swap3A_129], %broadcast_in_dim3A_0 {strides = array<i32>} : memref<768xi32, #tpu.memory_space<vmem>>, vector<16xi32>,
        }
        %scan3A_109 = arith.constant 48 : i32
        %swap3A = arith.constant 0 : index
        %swap3A_110 = tpu.vector_load %arg9[%swap3A] {strides = array<i32>} : memref<768xi32, #tpu.memory_space<vmem>>, vector<16xi32>,
        tpu.vector_store %arg9[%swap3A], %get3A_75 {strides = array<i32>} : memref<768xi32, #tpu.memory_space<vmem>>, vector<16xi32>,
        %swap3A_111 = arith.constant 16 : index
        %swap3A_112 = tpu.vector_load %arg9[%swap3A_111] {strides = array<i32>} : memref<768xi32, #tpu.memory_space<vmem>>, vector<16xi32>,
        tpu.vector_store %arg9[%swap3A_111], %get3A_79 {strides = array<i32>} : memref<768xi32, #tpu.memory_space<vmem>>, vector<16xi32>,
        %swap3A_113 = arith.constant 32 : index
        %swap3A_114 = tpu.vector_load %arg9[%swap3A_113] {strides = array<i32>} : memref<768xi32, #tpu.memory_space<vmem>>, vector<16xi32>,
        tpu.vector_store %arg9[%swap3A_113], %get3A_83 {strides = array<i32>} : memref<768xi32, #tpu.memory_space<vmem>>, vector<16xi32>,
        %swap3A_115 = arith.constant 48 : index
        %swap3A_116 = tpu.vector_load %arg9[%swap3A_115] {strides = array<i32>} : memref<768xi32, #tpu.memory_space<vmem>>, vector<16xi32>,
        tpu.vector_store %arg9[%swap3A_115], %get3A_87 {strides = array<i32>} : memref<768xi32, #tpu.memory_space<vmem>>, vector<16xi32>,
        %swap3A_117 = arith.constant 64 : index
        %swap3A_118 = tpu.vector_load %arg9[%swap3A_117] {strides = array<i32>} : memref<768xi32, #tpu.memory_space<vmem>>, vector<16xi32>,
        tpu.vector_store %arg9[%swap3A_117], %get3A_91 {strides = array<i32>} : memref<768xi32, #tpu.memory_space<vmem>>, vector<16xi32>,
        %swap3A_119 = arith.constant 80 : index
        %swap3A_120 = tpu.vector_load %arg9[%swap3A_119] {strides = array<i32>} : memref<768xi32, #tpu.memory_space<vmem>>, vector<16xi32>,
        tpu.vector_store %arg9[%swap3A_119], %get3A_95 {strides = array<i32>} : memref<768xi32, #tpu.memory_space<vmem>>, vector<16xi32>,
        %swap3A_121 = arith.constant 96 : index
        %swap3A_122 = tpu.vector_load %arg9[%swap3A_121] {strides = array<i32>} : memref<768xi32, #tpu.memory_space<vmem>>, vector<16xi32>,
        tpu.vector_store %arg9[%swap3A_121], %get3A_99 {strides = array<i32>} : memref<768xi32, #tpu.memory_space<vmem>>, vector<16xi32>,
        %swap3A_123 = arith.constant 112 : index
        %swap3A_124 = tpu.vector_load %arg9[%swap3A_123] {strides = array<i32>} : memref<768xi32, #tpu.memory_space<vmem>>, vector<16xi32>,
        tpu.vector_store %arg9[%swap3A_123], %get3A_103 {strides = array<i32>} : memref<768xi32, #tpu.memory_space<vmem>>, vector<16xi32>,
        %sub3A_125 = arith.subi %scan3A_44, %mul3A_72 : i32
        scf.yield %sub3A_125 : i32
      }
      %scan3A_29 = arith.constant 20 : i32
      %gt3A = arith.constant 0 : i32
      %gt3A_30 = arith.cmpi sgt, %scan3A_28, %gt3A : i32
      %convert_element_type3A = arith.extui %gt3A_30 : i1 to i32
      %cond3A = arith.constant 0 : i32
      %cond3A_31 = arith.cmpi ne, %convert_element_type3A, %cond3A : i32
      scf.if %cond3A_31 {
        %scan3A_33 = arith.constant 0 : i32
        %scan3A_34 = arith.constant 0 : i32
        %scan3A_35 = arith.constant 8 : i32
        %scan3A_36 = arith.addi %scan3A_34, %scan3A_35 : i32
        %scan3A_37 = arith.constant 1 : i32
        scf.for %scan3A_58 = %scan3A_34 to %scan3A_36 step %scan3A_37  : i32 {
          %mul3A_59 = arith.constant 16 : i32
          %mul3A_60 = arith.muli %scan3A_58, %mul3A_59 : i32
          %add3A_61 = arith.constant 0 : i32
          %add3A_62 = arith.addi %add3A_61, %mul3A_60 : i32
          %get3A = arith.index_cast %add3A_62 : i32 to index
          %get3A_63 = tpu.vector_load %arg9[%get3A] {strides = array<i32>} : memref<768xi32, #tpu.memory_space<vmem>>, vector<16xi32>,
          %and3A = arith.constant 16383 : i32
          %and3A_64 = vector.broadcast %and3A : i32 to vector<16xi32>
          %and3A_65 = arith.andi %get3A_63, %and3A_64 : vector<16xi32>
          %mul3A_66 = arith.constant 16 : i32
          %mul3A_67 = arith.muli %scan3A_58, %mul3A_66 : i32
          %swap3A = arith.index_cast %mul3A_67 : i32 to index
          %swap3A_68 = tpu.vector_load %arg10[%swap3A] {strides = array<i32>} : memref<128xi32, #tpu.memory_space<vmem>>, vector<16xi32>,
          tpu.vector_store %arg10[%swap3A], %and3A_65 {strides = array<i32>} : memref<128xi32, #tpu.memory_space<vmem>>, vector<16xi32>,
        }
        %scan3A_38 = arith.constant 8 : i32
        %dma_start3A = arith.constant 0 : i32
        %dma_start3A_39 = arith.constant 0 : i32
        %dma_start3A_40 = tpu.memref_slice %arg3[%dma_start3A, %dma_start3A_39] : memref<10752x128xf32, #tpu.memory_space<hbm>> -> memref<10752x128xf32, #tpu.memory_space<hbm>>
        tpu.enqueue_indirect_dma source(%dma_start3A_40 : memref<10752x128xf32, #tpu.memory_space<hbm>>) target(%arg11 : memref<128x128xf32, #tpu.memory_space<vmem>>) offsets(%arg10 : memref<128xi32, #tpu.memory_space<vmem>>) semaphore(%arg17 : memref<!tpu.dma_semaphore, #tpu.memory_space<semaphore_mem>>)
        %dma_start3A_41 = arith.constant 0 : i32
        %dma_start3A_42 = arith.constant 0 : i32
        %dma_start3A_43 = tpu.memref_slice %arg4[%dma_start3A_41, %dma_start3A_42] : memref<10752x16xf32, #tpu.memory_space<hbm>> -> memref<10752x16xf32, #tpu.memory_space<hbm>>
        tpu.enqueue_indirect_dma source(%dma_start3A_43 : memref<10752x16xf32, #tpu.memory_space<hbm>>) target(%arg12 : memref<128x16xf32, #tpu.memory_space<vmem>>) offsets(%arg10 : memref<128xi32, #tpu.memory_space<vmem>>) semaphore(%arg17 : memref<!tpu.dma_semaphore, #tpu.memory_space<semaphore_mem>>)
        %dma_wait3A = arith.constant 0 : i32
        %dma_wait3A_44 = arith.constant 0 : i32
        %dma_wait3A_45 = tpu.memref_slice %arg3[%dma_wait3A, %dma_wait3A_44] : memref<10752x128xf32, #tpu.memory_space<hbm>> -> memref<10752x128xf32, #tpu.memory_space<hbm>>
        tpu.wait_indirect_dma semaphore(%arg17 : memref<!tpu.dma_semaphore, #tpu.memory_space<semaphore_mem>>) src(%dma_wait3A_45 : memref<10752x128xf32, #tpu.memory_space<hbm>>) dst(%arg11 : memref<128x128xf32, #tpu.memory_space<vmem>>)
        %dma_wait3A_46 = arith.constant 0 : i32
        %dma_wait3A_47 = arith.constant 0 : i32
        %dma_wait3A_48 = tpu.memref_slice %arg4[%dma_wait3A_46, %dma_wait3A_47] : memref<10752x16xf32, #tpu.memory_space<hbm>> -> memref<10752x16xf32, #tpu.memory_space<hbm>>
        tpu.wait_indirect_dma semaphore(%arg17 : memref<!tpu.dma_semaphore, #tpu.memory_space<semaphore_mem>>) src(%dma_wait3A_48 : memref<10752x16xf32, #tpu.memory_space<hbm>>) dst(%arg12 : memref<128x16xf32, #tpu.memory_space<vmem>>)
        %scan3A_49 = arith.constant 0 : i32
        %scan3A_50 = arith.constant 0 : i32
        %scan3A_51 = arith.constant 8 : i32
        %scan3A_52 = arith.addi %scan3A_50, %scan3A_51 : i32
        %scan3A_53 = arith.constant 1 : i32
        scf.for %scan3A_58 = %scan3A_50 to %scan3A_52 step %scan3A_53  : i32 {
          %mul3A_59 = arith.constant 16 : i32
          %mul3A_60 = arith.muli %scan3A_58, %mul3A_59 : i32
          %add3A_61 = arith.constant 0 : i32
          %add3A_62 = arith.addi %add3A_61, %mul3A_60 : i32
          %get3A = arith.index_cast %add3A_62 : i32 to index
          %get3A_63 = tpu.vector_load %arg9[%get3A] {strides = array<i32>} : memref<768xi32, #tpu.memory_space<vmem>>, vector<16xi32>,
          %shift_right_arithmetic3A = arith.constant 14 : i32
          %shift_right_arithmetic3A_64 = vector.broadcast %shift_right_arithmetic3A : i32 to vector<16xi32>
          %shift_right_arithmetic3A_65 = arith.shrsi %get3A_63, %shift_right_arithmetic3A_64 : vector<16xi32>
          %lt3A = arith.constant 384 : i32
          %lt3A_66 = vector.broadcast %lt3A : i32 to vector<16xi32>
          %lt3A_67 = arith.cmpi slt, %shift_right_arithmetic3A_65, %lt3A_66 : vector<16xi32>
          %jit3A = arith.constant 0 : i32
          %broadcast_in_dim3A_68 = vector.broadcast %jit3A : i32 to vector<16xi32>
          %select_n3A = arith.select %lt3A_67, %shift_right_arithmetic3A_65, %broadcast_in_dim3A_68 : vector<16xi1>, vector<16xi32>
          %lt3A_69 = arith.constant 384 : i32
          %lt3A_70 = vector.broadcast %lt3A_69 : i32 to vector<16xi32>
          %lt3A_71 = arith.cmpi slt, %shift_right_arithmetic3A_65, %lt3A_70 : vector<16xi32>
          %jit3A_72 = arith.constant 1.000000e+00 : f32
          %jit3A_73 = arith.constant 0.000000e+00 : f32
          %broadcast_in_dim3A_74 = vector.broadcast %jit3A_72 : f32 to vector<16xf32>
          %broadcast_in_dim3A_75 = vector.broadcast %jit3A_73 : f32 to vector<16xf32>
          %select_n3A_76 = arith.select %lt3A_71, %broadcast_in_dim3A_74, %broadcast_in_dim3A_75 : vector<16xi1>, vector<16xf32>
          %and3A = arith.constant 1 : i32
          %and3A_77 = arith.andi %scan3A_58, %and3A : i32
          %mul3A_78 = arith.constant 16 : i32
          %mul3A_79 = arith.muli %and3A_77, %mul3A_78 : i32
          %scan3A_80 = arith.constant 0 : i32
          %scan3A_81 = arith.constant 0 : i32
          %scan3A_82 = arith.constant 16 : i32
          %scan3A_83 = arith.addi %scan3A_81, %scan3A_82 : i32
          %scan3A_84 = arith.constant 1 : i32
          scf.for %scan3A_95 = %scan3A_81 to %scan3A_83 step %scan3A_84  : i32 {
            %mul3A_96 = arith.constant 16 : i32
            %mul3A_97 = arith.muli %scan3A_58, %mul3A_96 : i32
            %add3A_98 = arith.addi %mul3A_97, %scan3A_95 : i32
            %add3A_99 = arith.addi %mul3A_79, %scan3A_95 : i32
            %broadcast_in_dim3A_100 = vector.broadcast %scan3A_95 : i32 to vector<16x1xi32>
            %gather3A = vector.shape_cast %broadcast_in_dim3A_100 : vector<16x1xi32> to vector<16xi32>
            %gather3A_101 = tpu.dynamic_gather %select_n3A[%gather3A] in [0] : vector<16xi32>, vector<16xi32> -> vector<16xi32>
            %broadcast_in_dim3A_102 = vector.broadcast %scan3A_95 : i32 to vector<16x1xi32>
            %gather3A_103 = vector.shape_cast %broadcast_in_dim3A_102 : vector<16x1xi32> to vector<16xi32>
            %gather3A_104 = tpu.dynamic_gather %select_n3A_76[%gather3A_103] in [0] : vector<16xf32>, vector<16xi32> -> vector<16xf32>
            %get3A_105 = arith.index_cast %add3A_98 : i32 to index
            %get3A_106 = arith.constant 0 : index
            %get3A_107 = tpu.vector_load %arg12[%get3A_105, %get3A_106] {strides = array<i32>} : memref<128x16xf32, #tpu.memory_space<vmem>>, vector<16xf32>,
            %gather3A_108 = tpu.vector_load_idx %arg13[%gather3A_101, %iota3A] : memref<384x16xf32, #tpu.memory_space<vmem>>[vector<16xi32>, vector<16xi32>], vector<16xf32>,
            %add3A_109 = arith.addf %get3A_107, %gather3A_108 : vector<16xf32>
            %ge3A_110 = arith.constant 0.000000e+00 : f32
            %ge3A_111 = vector.broadcast %ge3A_110 : f32 to vector<16xf32>
            %ge3A_112 = arith.cmpf oge, %add3A_109, %ge3A_111 : vector<16xf32>
            %mul3A_113 = arith.constant 2.000000e-01 : f32
            %mul3A_114 = vector.broadcast %mul3A_113 : f32 to vector<16xf32>
            %mul3A_115 = arith.mulf %mul3A_114, %add3A_109 : vector<16xf32>
            %select_n3A_116 = arith.select %ge3A_112, %add3A_109, %mul3A_115 : vector<16xi1>, vector<16xf32>
            %exp3A = math.exp %select_n3A_116 : vector<16xf32>
            %mul3A_117 = arith.mulf %exp3A, %gather3A_104 : vector<16xf32>
            %broadcast_in_dim3A_118 = arith.constant 8 : i32
            %broadcast_in_dim3A_119 = vector.broadcast %broadcast_in_dim3A_118 : i32 to vector<16x1xi32>
            %gather3A_120 = vector.shape_cast %broadcast_in_dim3A_119 : vector<16x1xi32> to vector<16xi32>
            %gather3A_121 = tpu.dynamic_gather %get3A_107[%gather3A_120] in [0] : vector<16xf32>, vector<16xi32> -> vector<16xf32>
            %mul3A_122 = arith.mulf %gather3A_121, %gather3A_104 : vector<16xf32>
            %get3A_123 = arith.index_cast %add3A_98 : i32 to index
            %get3A_124 = arith.constant 0 : index
            %get3A_125 = tpu.vector_load %arg11[%get3A_123, %get3A_124] {strides = array<i32>} : memref<128x128xf32, #tpu.memory_space<vmem>>, vector<16xf32>,
            %get3A_126 = arith.index_cast %add3A_98 : i32 to index
            %get3A_127 = arith.constant 16 : index
            %get3A_128 = tpu.vector_load %arg11[%get3A_126, %get3A_127] {strides = array<i32>} : memref<128x128xf32, #tpu.memory_space<vmem>>, vector<16xf32>,
            %get3A_129 = arith.index_cast %add3A_98 : i32 to index
            %get3A_130 = arith.constant 32 : index
            %get3A_131 = tpu.vector_load %arg11[%get3A_129, %get3A_130] {strides = array<i32>} : memref<128x128xf32, #tpu.memory_space<vmem>>, vector<16xf32>,
            %get3A_132 = arith.index_cast %add3A_98 : i32 to index
            %get3A_133 = arith.constant 48 : index
            %get3A_134 = tpu.vector_load %arg11[%get3A_132, %get3A_133] {strides = array<i32>} : memref<128x128xf32, #tpu.memory_space<vmem>>, vector<16xf32>,
            %get3A_135 = arith.index_cast %add3A_98 : i32 to index
            %get3A_136 = arith.constant 64 : index
            %get3A_137 = tpu.vector_load %arg11[%get3A_135, %get3A_136] {strides = array<i32>} : memref<128x128xf32, #tpu.memory_space<vmem>>, vector<16xf32>,
            %get3A_138 = arith.index_cast %add3A_98 : i32 to index
            %get3A_139 = arith.constant 80 : index
            %get3A_140 = tpu.vector_load %arg11[%get3A_138, %get3A_139] {strides = array<i32>} : memref<128x128xf32, #tpu.memory_space<vmem>>, vector<16xf32>,
            %get3A_141 = arith.index_cast %add3A_98 : i32 to index
            %get3A_142 = arith.constant 96 : index
            %get3A_143 = tpu.vector_load %arg11[%get3A_141, %get3A_142] {strides = array<i32>} : memref<128x128xf32, #tpu.memory_space<vmem>>, vector<16xf32>,
            %get3A_144 = arith.index_cast %add3A_98 : i32 to index
            %get3A_145 = arith.constant 112 : index
            %get3A_146 = tpu.vector_load %arg11[%get3A_144, %get3A_145] {strides = array<i32>} : memref<128x128xf32, #tpu.memory_space<vmem>>, vector<16xf32>,
            %mul3A_147 = arith.mulf %get3A_125, %gather3A_104 : vector<16xf32>
            %swap3A = arith.index_cast %add3A_99 : i32 to index
            %swap3A_148 = arith.constant 0 : index
            %swap3A_149 = tpu.vector_load %arg14[%swap3A, %swap3A_148] {strides = array<i32>} : memref<32x1408xf32, #tpu.memory_space<vmem>>, vector<16xf32>,
            tpu.vector_store %arg14[%swap3A, %swap3A_148], %mul3A_147 {strides = array<i32>} : memref<32x1408xf32, #tpu.memory_space<vmem>>, vector<16xf32>,
            %mul3A_150 = arith.mulf %get3A_125, %mul3A_122 : vector<16xf32>
            %swap3A_151 = arith.index_cast %add3A_99 : i32 to index
            %swap3A_152 = arith.constant 128 : index
            %swap3A_153 = tpu.vector_load %arg14[%swap3A_151, %swap3A_152] {strides = array<i32>} : memref<32x1408xf32, #tpu.memory_space<vmem>>, vector<16xf32>,
            tpu.vector_store %arg14[%swap3A_151, %swap3A_152], %mul3A_150 {strides = array<i32>} : memref<32x1408xf32, #tpu.memory_space<vmem>>, vector<16xf32>,
            %mul3A_154 = arith.mulf %get3A_128, %gather3A_104 : vector<16xf32>
            %swap3A_155 = arith.index_cast %add3A_99 : i32 to index
            %swap3A_156 = arith.constant 16 : index
            %swap3A_157 = tpu.vector_load %arg14[%swap3A_155, %swap3A_156] {strides = array<i32>} : memref<32x1408xf32, #tpu.memory_space<vmem>>, vector<16xf32>,
            tpu.vector_store %arg14[%swap3A_155, %swap3A_156], %mul3A_154 {strides = array<i32>} : memref<32x1408xf32, #tpu.memory_space<vmem>>, vector<16xf32>,
            %mul3A_158 = arith.mulf %get3A_128, %mul3A_122 : vector<16xf32>
            %swap3A_159 = arith.index_cast %add3A_99 : i32 to index
            %swap3A_160 = arith.constant 144 : index
            %swap3A_161 = tpu.vector_load %arg14[%swap3A_159, %swap3A_160] {strides = array<i32>} : memref<32x1408xf32, #tpu.memory_space<vmem>>, vector<16xf32>,
            tpu.vector_store %arg14[%swap3A_159, %swap3A_160], %mul3A_158 {strides = array<i32>} : memref<32x1408xf32, #tpu.memory_space<vmem>>, vector<16xf32>,
            %mul3A_162 = arith.mulf %get3A_131, %gather3A_104 : vector<16xf32>
            %swap3A_163 = arith.index_cast %add3A_99 : i32 to index
            %swap3A_164 = arith.constant 32 : index
            %swap3A_165 = tpu.vector_load %arg14[%swap3A_163, %swap3A_164] {strides = array<i32>} : memref<32x1408xf32, #tpu.memory_space<vmem>>, vector<16xf32>,
            tpu.vector_store %arg14[%swap3A_163, %swap3A_164], %mul3A_162 {strides = array<i32>} : memref<32x1408xf32, #tpu.memory_space<vmem>>, vector<16xf32>,
            %mul3A_166 = arith.mulf %get3A_131, %mul3A_122 : vector<16xf32>
            %swap3A_167 = arith.index_cast %add3A_99 : i32 to index
            %swap3A_168 = arith.constant 160 : index
            %swap3A_169 = tpu.vector_load %arg14[%swap3A_167, %swap3A_168] {strides = array<i32>} : memref<32x1408xf32, #tpu.memory_space<vmem>>, vector<16xf32>,
            tpu.vector_store %arg14[%swap3A_167, %swap3A_168], %mul3A_166 {strides = array<i32>} : memref<32x1408xf32, #tpu.memory_space<vmem>>, vector<16xf32>,
            %mul3A_170 = arith.mulf %get3A_134, %gather3A_104 : vector<16xf32>
            %swap3A_171 = arith.index_cast %add3A_99 : i32 to index
            %swap3A_172 = arith.constant 48 : index
            %swap3A_173 = tpu.vector_load %arg14[%swap3A_171, %swap3A_172] {strides = array<i32>} : memref<32x1408xf32, #tpu.memory_space<vmem>>, vector<16xf32>,
            tpu.vector_store %arg14[%swap3A_171, %swap3A_172], %mul3A_170 {strides = array<i32>} : memref<32x1408xf32, #tpu.memory_space<vmem>>, vector<16xf32>,
            %mul3A_174 = arith.mulf %get3A_134, %mul3A_122 : vector<16xf32>
            %swap3A_175 = arith.index_cast %add3A_99 : i32 to index
            %swap3A_176 = arith.constant 176 : index
            %swap3A_177 = tpu.vector_load %arg14[%swap3A_175, %swap3A_176] {strides = array<i32>} : memref<32x1408xf32, #tpu.memory_space<vmem>>, vector<16xf32>,
            tpu.vector_store %arg14[%swap3A_175, %swap3A_176], %mul3A_174 {strides = array<i32>} : memref<32x1408xf32, #tpu.memory_space<vmem>>, vector<16xf32>,
            %mul3A_178 = arith.mulf %get3A_137, %gather3A_104 : vector<16xf32>
            %swap3A_179 = arith.index_cast %add3A_99 : i32 to index
            %swap3A_180 = arith.constant 64 : index
            %swap3A_181 = tpu.vector_load %arg14[%swap3A_179, %swap3A_180] {strides = array<i32>} : memref<32x1408xf32, #tpu.memory_space<vmem>>, vector<16xf32>,
            tpu.vector_store %arg14[%swap3A_179, %swap3A_180], %mul3A_178 {strides = array<i32>} : memref<32x1408xf32, #tpu.memory_space<vmem>>, vector<16xf32>,
            %mul3A_182 = arith.mulf %get3A_137, %mul3A_122 : vector<16xf32>
            %swap3A_183 = arith.index_cast %add3A_99 : i32 to index
            %swap3A_184 = arith.constant 192 : index
            %swap3A_185 = tpu.vector_load %arg14[%swap3A_183, %swap3A_184] {strides = array<i32>} : memref<32x1408xf32, #tpu.memory_space<vmem>>, vector<16xf32>,
            tpu.vector_store %arg14[%swap3A_183, %swap3A_184], %mul3A_182 {strides = array<i32>} : memref<32x1408xf32, #tpu.memory_space<vmem>>, vector<16xf32>,
            %mul3A_186 = arith.mulf %get3A_140, %gather3A_104 : vector<16xf32>
            %swap3A_187 = arith.index_cast %add3A_99 : i32 to index
            %swap3A_188 = arith.constant 80 : index
            %swap3A_189 = tpu.vector_load %arg14[%swap3A_187, %swap3A_188] {strides = array<i32>} : memref<32x1408xf32, #tpu.memory_space<vmem>>, vector<16xf32>,
            tpu.vector_store %arg14[%swap3A_187, %swap3A_188], %mul3A_186 {strides = array<i32>} : memref<32x1408xf32, #tpu.memory_space<vmem>>, vector<16xf32>,
            %mul3A_190 = arith.mulf %get3A_140, %mul3A_122 : vector<16xf32>
            %swap3A_191 = arith.index_cast %add3A_99 : i32 to index
            %swap3A_192 = arith.constant 208 : index
            %swap3A_193 = tpu.vector_load %arg14[%swap3A_191, %swap3A_192] {strides = array<i32>} : memref<32x1408xf32, #tpu.memory_space<vmem>>, vector<16xf32>,
            tpu.vector_store %arg14[%swap3A_191, %swap3A_192], %mul3A_190 {strides = array<i32>} : memref<32x1408xf32, #tpu.memory_space<vmem>>, vector<16xf32>,
            %mul3A_194 = arith.mulf %get3A_143, %gather3A_104 : vector<16xf32>
            %swap3A_195 = arith.index_cast %add3A_99 : i32 to index
            %swap3A_196 = arith.constant 96 : index
            %swap3A_197 = tpu.vector_load %arg14[%swap3A_195, %swap3A_196] {strides = array<i32>} : memref<32x1408xf32, #tpu.memory_space<vmem>>, vector<16xf32>,
            tpu.vector_store %arg14[%swap3A_195, %swap3A_196], %mul3A_194 {strides = array<i32>} : memref<32x1408xf32, #tpu.memory_space<vmem>>, vector<16xf32>,
            %mul3A_198 = arith.mulf %get3A_143, %mul3A_122 : vector<16xf32>
            %swap3A_199 = arith.index_cast %add3A_99 : i32 to index
            %swap3A_200 = arith.constant 224 : index
            %swap3A_201 = tpu.vector_load %arg14[%swap3A_199, %swap3A_200] {strides = array<i32>} : memref<32x1408xf32, #tpu.memory_space<vmem>>, vector<16xf32>,
            tpu.vector_store %arg14[%swap3A_199, %swap3A_200], %mul3A_198 {strides = array<i32>} : memref<32x1408xf32, #tpu.memory_space<vmem>>, vector<16xf32>,
            %mul3A_202 = arith.mulf %get3A_146, %gather3A_104 : vector<16xf32>
            %swap3A_203 = arith.index_cast %add3A_99 : i32 to index
            %swap3A_204 = arith.constant 112 : index
            %swap3A_205 = tpu.vector_load %arg14[%swap3A_203, %swap3A_204] {strides = array<i32>} : memref<32x1408xf32, #tpu.memory_space<vmem>>, vector<16xf32>,
            tpu.vector_store %arg14[%swap3A_203, %swap3A_204], %mul3A_202 {strides = array<i32>} : memref<32x1408xf32, #tpu.memory_space<vmem>>, vector<16xf32>,
            %mul3A_206 = arith.mulf %get3A_146, %mul3A_122 : vector<16xf32>
            %swap3A_207 = arith.index_cast %add3A_99 : i32 to index
            %swap3A_208 = arith.constant 240 : index
            %swap3A_209 = tpu.vector_load %arg14[%swap3A_207, %swap3A_208] {strides = array<i32>} : memref<32x1408xf32, #tpu.memory_space<vmem>>, vector<16xf32>,
            tpu.vector_store %arg14[%swap3A_207, %swap3A_208], %mul3A_206 {strides = array<i32>} : memref<32x1408xf32, #tpu.memory_space<vmem>>, vector<16xf32>,
            %broadcast_in_dim3A_210 = arith.constant 0 : i32
            %broadcast_in_dim3A_211 = vector.broadcast %broadcast_in_dim3A_210 : i32 to vector<16x1xi32>
            %gather3A_212 = vector.shape_cast %broadcast_in_dim3A_211 : vector<16x1xi32> to vector<16xi32>
            %gather3A_213 = tpu.dynamic_gather %mul3A_117[%gather3A_212] in [0] : vector<16xf32>, vector<16xi32> -> vector<16xf32>
            %mul3A_214 = arith.mulf %get3A_125, %gather3A_213 : vector<16xf32>
            %swap3A_215 = arith.index_cast %add3A_99 : i32 to index
            %swap3A_216 = arith.constant 256 : index
            %swap3A_217 = tpu.vector_load %arg14[%swap3A_215, %swap3A_216] {strides = array<i32>} : memref<32x1408xf32, #tpu.memory_space<vmem>>, vector<16xf32>,
            tpu.vector_store %arg14[%swap3A_215, %swap3A_216], %mul3A_214 {strides = array<i32>} : memref<32x1408xf32, #tpu.memory_space<vmem>>, vector<16xf32>,
            %mul3A_218 = arith.mulf %get3A_128, %gather3A_213 : vector<16xf32>
            %swap3A_219 = arith.index_cast %add3A_99 : i32 to index
            %swap3A_220 = arith.constant 272 : index
            %swap3A_221 = tpu.vector_load %arg14[%swap3A_219, %swap3A_220] {strides = array<i32>} : memref<32x1408xf32, #tpu.memory_space<vmem>>, vector<16xf32>,
            tpu.vector_store %arg14[%swap3A_219, %swap3A_220], %mul3A_218 {strides = array<i32>} : memref<32x1408xf32, #tpu.memory_space<vmem>>, vector<16xf32>,
            %mul3A_222 = arith.mulf %get3A_131, %gather3A_213 : vector<16xf32>
            %swap3A_223 = arith.index_cast %add3A_99 : i32 to index
            %swap3A_224 = arith.constant 288 : index
            %swap3A_225 = tpu.vector_load %arg14[%swap3A_223, %swap3A_224] {strides = array<i32>} : memref<32x1408xf32, #tpu.memory_space<vmem>>, vector<16xf32>,
            tpu.vector_store %arg14[%swap3A_223, %swap3A_224], %mul3A_222 {strides = array<i32>} : memref<32x1408xf32, #tpu.memory_space<vmem>>, vector<16xf32>,
            %mul3A_226 = arith.mulf %get3A_134, %gather3A_213 : vector<16xf32>
            %swap3A_227 = arith.index_cast %add3A_99 : i32 to index
            %swap3A_228 = arith.constant 304 : index
            %swap3A_229 = tpu.vector_load %arg14[%swap3A_227, %swap3A_228] {strides = array<i32>} : memref<32x1408xf32, #tpu.memory_space<vmem>>, vector<16xf32>,
            tpu.vector_store %arg14[%swap3A_227, %swap3A_228], %mul3A_226 {strides = array<i32>} : memref<32x1408xf32, #tpu.memory_space<vmem>>, vector<16xf32>,
            %mul3A_230 = arith.mulf %get3A_137, %gather3A_213 : vector<16xf32>
            %swap3A_231 = arith.index_cast %add3A_99 : i32 to index
            %swap3A_232 = arith.constant 320 : index
            %swap3A_233 = tpu.vector_load %arg14[%swap3A_231, %swap3A_232] {strides = array<i32>} : memref<32x1408xf32, #tpu.memory_space<vmem>>, vector<16xf32>,
            tpu.vector_store %arg14[%swap3A_231, %swap3A_232], %mul3A_230 {strides = array<i32>} : memref<32x1408xf32, #tpu.memory_space<vmem>>, vector<16xf32>,
            %mul3A_234 = arith.mulf %get3A_140, %gather3A_213 : vector<16xf32>
            %swap3A_235 = arith.index_cast %add3A_99 : i32 to index
            %swap3A_236 = arith.constant 336 : index
            %swap3A_237 = tpu.vector_load %arg14[%swap3A_235, %swap3A_236] {strides = array<i32>} : memref<32x1408xf32, #tpu.memory_space<vmem>>, vector<16xf32>,
            tpu.vector_store %arg14[%swap3A_235, %swap3A_236], %mul3A_234 {strides = array<i32>} : memref<32x1408xf32, #tpu.memory_space<vmem>>, vector<16xf32>,
            %mul3A_238 = arith.mulf %get3A_143, %gather3A_213 : vector<16xf32>
            %swap3A_239 = arith.index_cast %add3A_99 : i32 to index
            %swap3A_240 = arith.constant 352 : index
            %swap3A_241 = tpu.vector_load %arg14[%swap3A_239, %swap3A_240] {strides = array<i32>} : memref<32x1408xf32, #tpu.memory_space<vmem>>, vector<16xf32>,
            tpu.vector_store %arg14[%swap3A_239, %swap3A_240], %mul3A_238 {strides = array<i32>} : memref<32x1408xf32, #tpu.memory_space<vmem>>, vector<16xf32>,
            %mul3A_242 = arith.mulf %get3A_146, %gather3A_213 : vector<16xf32>
            %swap3A_243 = arith.index_cast %add3A_99 : i32 to index
            %swap3A_244 = arith.constant 368 : index
            %swap3A_245 = tpu.vector_load %arg14[%swap3A_243, %swap3A_244] {strides = array<i32>} : memref<32x1408xf32, #tpu.memory_space<vmem>>, vector<16xf32>,
            tpu.vector_store %arg14[%swap3A_243, %swap3A_244], %mul3A_242 {strides = array<i32>} : memref<32x1408xf32, #tpu.memory_space<vmem>>, vector<16xf32>,
            %broadcast_in_dim3A_246 = arith.constant 1 : i32
            %broadcast_in_dim3A_247 = vector.broadcast %broadcast_in_dim3A_246 : i32 to vector<16x1xi32>
            %gather3A_248 = vector.shape_cast %broadcast_in_dim3A_247 : vector<16x1xi32> to vector<16xi32>
            %gather3A_249 = tpu.dynamic_gather %mul3A_117[%gather3A_248] in [0] : vector<16xf32>, vector<16xi32> -> vector<16xf32>
            %mul3A_250 = arith.mulf %get3A_125, %gather3A_249 : vector<16xf32>
            %swap3A_251 = arith.index_cast %add3A_99 : i32 to index
            %swap3A_252 = arith.constant 384 : index
            %swap3A_253 = tpu.vector_load %arg14[%swap3A_251, %swap3A_252] {strides = array<i32>} : memref<32x1408xf32, #tpu.memory_space<vmem>>, vector<16xf32>,
            tpu.vector_store %arg14[%swap3A_251, %swap3A_252], %mul3A_250 {strides = array<i32>} : memref<32x1408xf32, #tpu.memory_space<vmem>>, vector<16xf32>,
            %mul3A_254 = arith.mulf %get3A_128, %gather3A_249 : vector<16xf32>
            %swap3A_255 = arith.index_cast %add3A_99 : i32 to index
            %swap3A_256 = arith.constant 400 : index
            %swap3A_257 = tpu.vector_load %arg14[%swap3A_255, %swap3A_256] {strides = array<i32>} : memref<32x1408xf32, #tpu.memory_space<vmem>>, vector<16xf32>,
            tpu.vector_store %arg14[%swap3A_255, %swap3A_256], %mul3A_254 {strides = array<i32>} : memref<32x1408xf32, #tpu.memory_space<vmem>>, vector<16xf32>,
            %mul3A_258 = arith.mulf %get3A_131, %gather3A_249 : vector<16xf32>
            %swap3A_259 = arith.index_cast %add3A_99 : i32 to index
            %swap3A_260 = arith.constant 416 : index
            %swap3A_261 = tpu.vector_load %arg14[%swap3A_259, %swap3A_260] {strides = array<i32>} : memref<32x1408xf32, #tpu.memory_space<vmem>>, vector<16xf32>,
            tpu.vector_store %arg14[%swap3A_259, %swap3A_260], %mul3A_258 {strides = array<i32>} : memref<32x1408xf32, #tpu.memory_space<vmem>>, vector<16xf32>,
            %mul3A_262 = arith.mulf %get3A_134, %gather3A_249 : vector<16xf32>
            %swap3A_263 = arith.index_cast %add3A_99 : i32 to index
            %swap3A_264 = arith.constant 432 : index
            %swap3A_265 = tpu.vector_load %arg14[%swap3A_263, %swap3A_264] {strides = array<i32>} : memref<32x1408xf32, #tpu.memory_space<vmem>>, vector<16xf32>,
            tpu.vector_store %arg14[%swap3A_263, %swap3A_264], %mul3A_262 {strides = array<i32>} : memref<32x1408xf32, #tpu.memory_space<vmem>>, vector<16xf32>,
            %mul3A_266 = arith.mulf %get3A_137, %gather3A_249 : vector<16xf32>
            %swap3A_267 = arith.index_cast %add3A_99 : i32 to index
            %swap3A_268 = arith.constant 448 : index
            %swap3A_269 = tpu.vector_load %arg14[%swap3A_267, %swap3A_268] {strides = array<i32>} : memref<32x1408xf32, #tpu.memory_space<vmem>>, vector<16xf32>,
            tpu.vector_store %arg14[%swap3A_267, %swap3A_268], %mul3A_266 {strides = array<i32>} : memref<32x1408xf32, #tpu.memory_space<vmem>>, vector<16xf32>,
            %mul3A_270 = arith.mulf %get3A_140, %gather3A_249 : vector<16xf32>
            %swap3A_271 = arith.index_cast %add3A_99 : i32 to index
            %swap3A_272 = arith.constant 464 : index
            %swap3A_273 = tpu.vector_load %arg14[%swap3A_271, %swap3A_272] {strides = array<i32>} : memref<32x1408xf32, #tpu.memory_space<vmem>>, vector<16xf32>,
            tpu.vector_store %arg14[%swap3A_271, %swap3A_272], %mul3A_270 {strides = array<i32>} : memref<32x1408xf32, #tpu.memory_space<vmem>>, vector<16xf32>,
            %mul3A_274 = arith.mulf %get3A_143, %gather3A_249 : vector<16xf32>
            %swap3A_275 = arith.index_cast %add3A_99 : i32 to index
            %swap3A_276 = arith.constant 480 : index
            %swap3A_277 = tpu.vector_load %arg14[%swap3A_275, %swap3A_276] {strides = array<i32>} : memref<32x1408xf32, #tpu.memory_space<vmem>>, vector<16xf32>,
            tpu.vector_store %arg14[%swap3A_275, %swap3A_276], %mul3A_274 {strides = array<i32>} : memref<32x1408xf32, #tpu.memory_space<vmem>>, vector<16xf32>,
            %mul3A_278 = arith.mulf %get3A_146, %gather3A_249 : vector<16xf32>
            %swap3A_279 = arith.index_cast %add3A_99 : i32 to index
            %swap3A_280 = arith.constant 496 : index
            %swap3A_281 = tpu.vector_load %arg14[%swap3A_279, %swap3A_280] {strides = array<i32>} : memref<32x1408xf32, #tpu.memory_space<vmem>>, vector<16xf32>,
            tpu.vector_store %arg14[%swap3A_279, %swap3A_280], %mul3A_278 {strides = array<i32>} : memref<32x1408xf32, #tpu.memory_space<vmem>>, vector<16xf32>,
            %broadcast_in_dim3A_282 = arith.constant 2 : i32
            %broadcast_in_dim3A_283 = vector.broadcast %broadcast_in_dim3A_282 : i32 to vector<16x1xi32>
            %gather3A_284 = vector.shape_cast %broadcast_in_dim3A_283 : vector<16x1xi32> to vector<16xi32>
            %gather3A_285 = tpu.dynamic_gather %mul3A_117[%gather3A_284] in [0] : vector<16xf32>, vector<16xi32> -> vector<16xf32>
            %mul3A_286 = arith.mulf %get3A_125, %gather3A_285 : vector<16xf32>
            %swap3A_287 = arith.index_cast %add3A_99 : i32 to index
            %swap3A_288 = arith.constant 512 : index
            %swap3A_289 = tpu.vector_load %arg14[%swap3A_287, %swap3A_288] {strides = array<i32>} : memref<32x1408xf32, #tpu.memory_space<vmem>>, vector<16xf32>,
            tpu.vector_store %arg14[%swap3A_287, %swap3A_288], %mul3A_286 {strides = array<i32>} : memref<32x1408xf32, #tpu.memory_space<vmem>>, vector<16xf32>,
            %mul3A_290 = arith.mulf %get3A_128, %gather3A_285 : vector<16xf32>
            %swap3A_291 = arith.index_cast %add3A_99 : i32 to index
            %swap3A_292 = arith.constant 528 : index
            %swap3A_293 = tpu.vector_load %arg14[%swap3A_291, %swap3A_292] {strides = array<i32>} : memref<32x1408xf32, #tpu.memory_space<vmem>>, vector<16xf32>,
            tpu.vector_store %arg14[%swap3A_291, %swap3A_292], %mul3A_290 {strides = array<i32>} : memref<32x1408xf32, #tpu.memory_space<vmem>>, vector<16xf32>,
            %mul3A_294 = arith.mulf %get3A_131, %gather3A_285 : vector<16xf32>
            %swap3A_295 = arith.index_cast %add3A_99 : i32 to index
            %swap3A_296 = arith.constant 544 : index
            %swap3A_297 = tpu.vector_load %arg14[%swap3A_295, %swap3A_296] {strides = array<i32>} : memref<32x1408xf32, #tpu.memory_space<vmem>>, vector<16xf32>,
            tpu.vector_store %arg14[%swap3A_295, %swap3A_296], %mul3A_294 {strides = array<i32>} : memref<32x1408xf32, #tpu.memory_space<vmem>>, vector<16xf32>,
            %mul3A_298 = arith.mulf %get3A_134, %gather3A_285 : vector<16xf32>
            %swap3A_299 = arith.index_cast %add3A_99 : i32 to index
            %swap3A_300 = arith.constant 560 : index
            %swap3A_301 = tpu.vector_load %arg14[%swap3A_299, %swap3A_300] {strides = array<i32>} : memref<32x1408xf32, #tpu.memory_space<vmem>>, vector<16xf32>,
            tpu.vector_store %arg14[%swap3A_299, %swap3A_300], %mul3A_298 {strides = array<i32>} : memref<32x1408xf32, #tpu.memory_space<vmem>>, vector<16xf32>,
            %mul3A_302 = arith.mulf %get3A_137, %gather3A_285 : vector<16xf32>
            %swap3A_303 = arith.index_cast %add3A_99 : i32 to index
            %swap3A_304 = arith.constant 576 : index
            %swap3A_305 = tpu.vector_load %arg14[%swap3A_303, %swap3A_304] {strides = array<i32>} : memref<32x1408xf32, #tpu.memory_space<vmem>>, vector<16xf32>,
            tpu.vector_store %arg14[%swap3A_303, %swap3A_304], %mul3A_302 {strides = array<i32>} : memref<32x1408xf32, #tpu.memory_space<vmem>>, vector<16xf32>,
            %mul3A_306 = arith.mulf %get3A_140, %gather3A_285 : vector<16xf32>
            %swap3A_307 = arith.index_cast %add3A_99 : i32 to index
            %swap3A_308 = arith.constant 592 : index
            %swap3A_309 = tpu.vector_load %arg14[%swap3A_307, %swap3A_308] {strides = array<i32>} : memref<32x1408xf32, #tpu.memory_space<vmem>>, vector<16xf32>,
            tpu.vector_store %arg14[%swap3A_307, %swap3A_308], %mul3A_306 {strides = array<i32>} : memref<32x1408xf32, #tpu.memory_space<vmem>>, vector<16xf32>,
            %mul3A_310 = arith.mulf %get3A_143, %gather3A_285 : vector<16xf32>
            %swap3A_311 = arith.index_cast %add3A_99 : i32 to index
            %swap3A_312 = arith.constant 608 : index
            %swap3A_313 = tpu.vector_load %arg14[%swap3A_311, %swap3A_312] {strides = array<i32>} : memref<32x1408xf32, #tpu.memory_space<vmem>>, vector<16xf32>,
            tpu.vector_store %arg14[%swap3A_311, %swap3A_312], %mul3A_310 {strides = array<i32>} : memref<32x1408xf32, #tpu.memory_space<vmem>>, vector<16xf32>,
            %mul3A_314 = arith.mulf %get3A_146, %gather3A_285 : vector<16xf32>
            %swap3A_315 = arith.index_cast %add3A_99 : i32 to index
            %swap3A_316 = arith.constant 624 : index
            %swap3A_317 = tpu.vector_load %arg14[%swap3A_315, %swap3A_316] {strides = array<i32>} : memref<32x1408xf32, #tpu.memory_space<vmem>>, vector<16xf32>,
            tpu.vector_store %arg14[%swap3A_315, %swap3A_316], %mul3A_314 {strides = array<i32>} : memref<32x1408xf32, #tpu.memory_space<vmem>>, vector<16xf32>,
            %broadcast_in_dim3A_318 = arith.constant 3 : i32
            %broadcast_in_dim3A_319 = vector.broadcast %broadcast_in_dim3A_318 : i32 to vector<16x1xi32>
            %gather3A_320 = vector.shape_cast %broadcast_in_dim3A_319 : vector<16x1xi32> to vector<16xi32>
            %gather3A_321 = tpu.dynamic_gather %mul3A_117[%gather3A_320] in [0] : vector<16xf32>, vector<16xi32> -> vector<16xf32>
            %mul3A_322 = arith.mulf %get3A_125, %gather3A_321 : vector<16xf32>
            %swap3A_323 = arith.index_cast %add3A_99 : i32 to index
            %swap3A_324 = arith.constant 640 : index
            %swap3A_325 = tpu.vector_load %arg14[%swap3A_323, %swap3A_324] {strides = array<i32>} : memref<32x1408xf32, #tpu.memory_space<vmem>>, vector<16xf32>,
            tpu.vector_store %arg14[%swap3A_323, %swap3A_324], %mul3A_322 {strides = array<i32>} : memref<32x1408xf32, #tpu.memory_space<vmem>>, vector<16xf32>,
            %mul3A_326 = arith.mulf %get3A_128, %gather3A_321 : vector<16xf32>
            %swap3A_327 = arith.index_cast %add3A_99 : i32 to index
            %swap3A_328 = arith.constant 656 : index
            %swap3A_329 = tpu.vector_load %arg14[%swap3A_327, %swap3A_328] {strides = array<i32>} : memref<32x1408xf32, #tpu.memory_space<vmem>>, vector<16xf32>,
            tpu.vector_store %arg14[%swap3A_327, %swap3A_328], %mul3A_326 {strides = array<i32>} : memref<32x1408xf32, #tpu.memory_space<vmem>>, vector<16xf32>,
            %mul3A_330 = arith.mulf %get3A_131, %gather3A_321 : vector<16xf32>
            %swap3A_331 = arith.index_cast %add3A_99 : i32 to index
            %swap3A_332 = arith.constant 672 : index
            %swap3A_333 = tpu.vector_load %arg14[%swap3A_331, %swap3A_332] {strides = array<i32>} : memref<32x1408xf32, #tpu.memory_space<vmem>>, vector<16xf32>,
            tpu.vector_store %arg14[%swap3A_331, %swap3A_332], %mul3A_330 {strides = array<i32>} : memref<32x1408xf32, #tpu.memory_space<vmem>>, vector<16xf32>,
            %mul3A_334 = arith.mulf %get3A_134, %gather3A_321 : vector<16xf32>
            %swap3A_335 = arith.index_cast %add3A_99 : i32 to index
            %swap3A_336 = arith.constant 688 : index
            %swap3A_337 = tpu.vector_load %arg14[%swap3A_335, %swap3A_336] {strides = array<i32>} : memref<32x1408xf32, #tpu.memory_space<vmem>>, vector<16xf32>,
            tpu.vector_store %arg14[%swap3A_335, %swap3A_336], %mul3A_334 {strides = array<i32>} : memref<32x1408xf32, #tpu.memory_space<vmem>>, vector<16xf32>,
            %mul3A_338 = arith.mulf %get3A_137, %gather3A_321 : vector<16xf32>
            %swap3A_339 = arith.index_cast %add3A_99 : i32 to index
            %swap3A_340 = arith.constant 704 : index
            %swap3A_341 = tpu.vector_load %arg14[%swap3A_339, %swap3A_340] {strides = array<i32>} : memref<32x1408xf32, #tpu.memory_space<vmem>>, vector<16xf32>,
            tpu.vector_store %arg14[%swap3A_339, %swap3A_340], %mul3A_338 {strides = array<i32>} : memref<32x1408xf32, #tpu.memory_space<vmem>>, vector<16xf32>,
            %mul3A_342 = arith.mulf %get3A_140, %gather3A_321 : vector<16xf32>
            %swap3A_343 = arith.index_cast %add3A_99 : i32 to index
            %swap3A_344 = arith.constant 720 : index
            %swap3A_345 = tpu.vector_load %arg14[%swap3A_343, %swap3A_344] {strides = array<i32>} : memref<32x1408xf32, #tpu.memory_space<vmem>>, vector<16xf32>,
            tpu.vector_store %arg14[%swap3A_343, %swap3A_344], %mul3A_342 {strides = array<i32>} : memref<32x1408xf32, #tpu.memory_space<vmem>>, vector<16xf32>,
            %mul3A_346 = arith.mulf %get3A_143, %gather3A_321 : vector<16xf32>
            %swap3A_347 = arith.index_cast %add3A_99 : i32 to index
            %swap3A_348 = arith.constant 736 : index
            %swap3A_349 = tpu.vector_load %arg14[%swap3A_347, %swap3A_348] {strides = array<i32>} : memref<32x1408xf32, #tpu.memory_space<vmem>>, vector<16xf32>,
            tpu.vector_store %arg14[%swap3A_347, %swap3A_348], %mul3A_346 {strides = array<i32>} : memref<32x1408xf32, #tpu.memory_space<vmem>>, vector<16xf32>,
            %mul3A_350 = arith.mulf %get3A_146, %gather3A_321 : vector<16xf32>
            %swap3A_351 = arith.index_cast %add3A_99 : i32 to index
            %swap3A_352 = arith.constant 752 : index
            %swap3A_353 = tpu.vector_load %arg14[%swap3A_351, %swap3A_352] {strides = array<i32>} : memref<32x1408xf32, #tpu.memory_space<vmem>>, vector<16xf32>,
            tpu.vector_store %arg14[%swap3A_351, %swap3A_352], %mul3A_350 {strides = array<i32>} : memref<32x1408xf32, #tpu.memory_space<vmem>>, vector<16xf32>,
            %broadcast_in_dim3A_354 = arith.constant 4 : i32
            %broadcast_in_dim3A_355 = vector.broadcast %broadcast_in_dim3A_354 : i32 to vector<16x1xi32>
            %gather3A_356 = vector.shape_cast %broadcast_in_dim3A_355 : vector<16x1xi32> to vector<16xi32>
            %gather3A_357 = tpu.dynamic_gather %mul3A_117[%gather3A_356] in [0] : vector<16xf32>, vector<16xi32> -> vector<16xf32>
            %mul3A_358 = arith.mulf %get3A_125, %gather3A_357 : vector<16xf32>
            %swap3A_359 = arith.index_cast %add3A_99 : i32 to index
            %swap3A_360 = arith.constant 768 : index
            %swap3A_361 = tpu.vector_load %arg14[%swap3A_359, %swap3A_360] {strides = array<i32>} : memref<32x1408xf32, #tpu.memory_space<vmem>>, vector<16xf32>,
            tpu.vector_store %arg14[%swap3A_359, %swap3A_360], %mul3A_358 {strides = array<i32>} : memref<32x1408xf32, #tpu.memory_space<vmem>>, vector<16xf32>,
            %mul3A_362 = arith.mulf %get3A_128, %gather3A_357 : vector<16xf32>
            %swap3A_363 = arith.index_cast %add3A_99 : i32 to index
            %swap3A_364 = arith.constant 784 : index
            %swap3A_365 = tpu.vector_load %arg14[%swap3A_363, %swap3A_364] {strides = array<i32>} : memref<32x1408xf32, #tpu.memory_space<vmem>>, vector<16xf32>,
            tpu.vector_store %arg14[%swap3A_363, %swap3A_364], %mul3A_362 {strides = array<i32>} : memref<32x1408xf32, #tpu.memory_space<vmem>>, vector<16xf32>,
            %mul3A_366 = arith.mulf %get3A_131, %gather3A_357 : vector<16xf32>
            %swap3A_367 = arith.index_cast %add3A_99 : i32 to index
            %swap3A_368 = arith.constant 800 : index
            %swap3A_369 = tpu.vector_load %arg14[%swap3A_367, %swap3A_368] {strides = array<i32>} : memref<32x1408xf32, #tpu.memory_space<vmem>>, vector<16xf32>,
            tpu.vector_store %arg14[%swap3A_367, %swap3A_368], %mul3A_366 {strides = array<i32>} : memref<32x1408xf32, #tpu.memory_space<vmem>>, vector<16xf32>,
            %mul3A_370 = arith.mulf %get3A_134, %gather3A_357 : vector<16xf32>
            %swap3A_371 = arith.index_cast %add3A_99 : i32 to index
            %swap3A_372 = arith.constant 816 : index
            %swap3A_373 = tpu.vector_load %arg14[%swap3A_371, %swap3A_372] {strides = array<i32>} : memref<32x1408xf32, #tpu.memory_space<vmem>>, vector<16xf32>,
            tpu.vector_store %arg14[%swap3A_371, %swap3A_372], %mul3A_370 {strides = array<i32>} : memref<32x1408xf32, #tpu.memory_space<vmem>>, vector<16xf32>,
            %mul3A_374 = arith.mulf %get3A_137, %gather3A_357 : vector<16xf32>
            %swap3A_375 = arith.index_cast %add3A_99 : i32 to index
            %swap3A_376 = arith.constant 832 : index
            %swap3A_377 = tpu.vector_load %arg14[%swap3A_375, %swap3A_376] {strides = array<i32>} : memref<32x1408xf32, #tpu.memory_space<vmem>>, vector<16xf32>,
            tpu.vector_store %arg14[%swap3A_375, %swap3A_376], %mul3A_374 {strides = array<i32>} : memref<32x1408xf32, #tpu.memory_space<vmem>>, vector<16xf32>,
            %mul3A_378 = arith.mulf %get3A_140, %gather3A_357 : vector<16xf32>
            %swap3A_379 = arith.index_cast %add3A_99 : i32 to index
            %swap3A_380 = arith.constant 848 : index
            %swap3A_381 = tpu.vector_load %arg14[%swap3A_379, %swap3A_380] {strides = array<i32>} : memref<32x1408xf32, #tpu.memory_space<vmem>>, vector<16xf32>,
            tpu.vector_store %arg14[%swap3A_379, %swap3A_380], %mul3A_378 {strides = array<i32>} : memref<32x1408xf32, #tpu.memory_space<vmem>>, vector<16xf32>,
            %mul3A_382 = arith.mulf %get3A_143, %gather3A_357 : vector<16xf32>
            %swap3A_383 = arith.index_cast %add3A_99 : i32 to index
            %swap3A_384 = arith.constant 864 : index
            %swap3A_385 = tpu.vector_load %arg14[%swap3A_383, %swap3A_384] {strides = array<i32>} : memref<32x1408xf32, #tpu.memory_space<vmem>>, vector<16xf32>,
            tpu.vector_store %arg14[%swap3A_383, %swap3A_384], %mul3A_382 {strides = array<i32>} : memref<32x1408xf32, #tpu.memory_space<vmem>>, vector<16xf32>,
            %mul3A_386 = arith.mulf %get3A_146, %gather3A_357 : vector<16xf32>
            %swap3A_387 = arith.index_cast %add3A_99 : i32 to index
            %swap3A_388 = arith.constant 880 : index
            %swap3A_389 = tpu.vector_load %arg14[%swap3A_387, %swap3A_388] {strides = array<i32>} : memref<32x1408xf32, #tpu.memory_space<vmem>>, vector<16xf32>,
            tpu.vector_store %arg14[%swap3A_387, %swap3A_388], %mul3A_386 {strides = array<i32>} : memref<32x1408xf32, #tpu.memory_space<vmem>>, vector<16xf32>,
            %broadcast_in_dim3A_390 = arith.constant 5 : i32
            %broadcast_in_dim3A_391 = vector.broadcast %broadcast_in_dim3A_390 : i32 to vector<16x1xi32>
            %gather3A_392 = vector.shape_cast %broadcast_in_dim3A_391 : vector<16x1xi32> to vector<16xi32>
            %gather3A_393 = tpu.dynamic_gather %mul3A_117[%gather3A_392] in [0] : vector<16xf32>, vector<16xi32> -> vector<16xf32>
            %mul3A_394 = arith.mulf %get3A_125, %gather3A_393 : vector<16xf32>
            %swap3A_395 = arith.index_cast %add3A_99 : i32 to index
            %swap3A_396 = arith.constant 896 : index
            %swap3A_397 = tpu.vector_load %arg14[%swap3A_395, %swap3A_396] {strides = array<i32>} : memref<32x1408xf32, #tpu.memory_space<vmem>>, vector<16xf32>,
            tpu.vector_store %arg14[%swap3A_395, %swap3A_396], %mul3A_394 {strides = array<i32>} : memref<32x1408xf32, #tpu.memory_space<vmem>>, vector<16xf32>,
            %mul3A_398 = arith.mulf %get3A_128, %gather3A_393 : vector<16xf32>
            %swap3A_399 = arith.index_cast %add3A_99 : i32 to index
            %swap3A_400 = arith.constant 912 : index
            %swap3A_401 = tpu.vector_load %arg14[%swap3A_399, %swap3A_400] {strides = array<i32>} : memref<32x1408xf32, #tpu.memory_space<vmem>>, vector<16xf32>,
            tpu.vector_store %arg14[%swap3A_399, %swap3A_400], %mul3A_398 {strides = array<i32>} : memref<32x1408xf32, #tpu.memory_space<vmem>>, vector<16xf32>,
            %mul3A_402 = arith.mulf %get3A_131, %gather3A_393 : vector<16xf32>
            %swap3A_403 = arith.index_cast %add3A_99 : i32 to index
            %swap3A_404 = arith.constant 928 : index
            %swap3A_405 = tpu.vector_load %arg14[%swap3A_403, %swap3A_404] {strides = array<i32>} : memref<32x1408xf32, #tpu.memory_space<vmem>>, vector<16xf32>,
            tpu.vector_store %arg14[%swap3A_403, %swap3A_404], %mul3A_402 {strides = array<i32>} : memref<32x1408xf32, #tpu.memory_space<vmem>>, vector<16xf32>,
            %mul3A_406 = arith.mulf %get3A_134, %gather3A_393 : vector<16xf32>
            %swap3A_407 = arith.index_cast %add3A_99 : i32 to index
            %swap3A_408 = arith.constant 944 : index
            %swap3A_409 = tpu.vector_load %arg14[%swap3A_407, %swap3A_408] {strides = array<i32>} : memref<32x1408xf32, #tpu.memory_space<vmem>>, vector<16xf32>,
            tpu.vector_store %arg14[%swap3A_407, %swap3A_408], %mul3A_406 {strides = array<i32>} : memref<32x1408xf32, #tpu.memory_space<vmem>>, vector<16xf32>,
            %mul3A_410 = arith.mulf %get3A_137, %gather3A_393 : vector<16xf32>
            %swap3A_411 = arith.index_cast %add3A_99 : i32 to index
            %swap3A_412 = arith.constant 960 : index
            %swap3A_413 = tpu.vector_load %arg14[%swap3A_411, %swap3A_412] {strides = array<i32>} : memref<32x1408xf32, #tpu.memory_space<vmem>>, vector<16xf32>,
            tpu.vector_store %arg14[%swap3A_411, %swap3A_412], %mul3A_410 {strides = array<i32>} : memref<32x1408xf32, #tpu.memory_space<vmem>>, vector<16xf32>,
            %mul3A_414 = arith.mulf %get3A_140, %gather3A_393 : vector<16xf32>
            %swap3A_415 = arith.index_cast %add3A_99 : i32 to index
            %swap3A_416 = arith.constant 976 : index
            %swap3A_417 = tpu.vector_load %arg14[%swap3A_415, %swap3A_416] {strides = array<i32>} : memref<32x1408xf32, #tpu.memory_space<vmem>>, vector<16xf32>,
            tpu.vector_store %arg14[%swap3A_415, %swap3A_416], %mul3A_414 {strides = array<i32>} : memref<32x1408xf32, #tpu.memory_space<vmem>>, vector<16xf32>,
            %mul3A_418 = arith.mulf %get3A_143, %gather3A_393 : vector<16xf32>
            %swap3A_419 = arith.index_cast %add3A_99 : i32 to index
            %swap3A_420 = arith.constant 992 : index
            %swap3A_421 = tpu.vector_load %arg14[%swap3A_419, %swap3A_420] {strides = array<i32>} : memref<32x1408xf32, #tpu.memory_space<vmem>>, vector<16xf32>,
            tpu.vector_store %arg14[%swap3A_419, %swap3A_420], %mul3A_418 {strides = array<i32>} : memref<32x1408xf32, #tpu.memory_space<vmem>>, vector<16xf32>,
            %mul3A_422 = arith.mulf %get3A_146, %gather3A_393 : vector<16xf32>
            %swap3A_423 = arith.index_cast %add3A_99 : i32 to index
            %swap3A_424 = arith.constant 1008 : index
            %swap3A_425 = tpu.vector_load %arg14[%swap3A_423, %swap3A_424] {strides = array<i32>} : memref<32x1408xf32, #tpu.memory_space<vmem>>, vector<16xf32>,
            tpu.vector_store %arg14[%swap3A_423, %swap3A_424], %mul3A_422 {strides = array<i32>} : memref<32x1408xf32, #tpu.memory_space<vmem>>, vector<16xf32>,
            %broadcast_in_dim3A_426 = arith.constant 6 : i32
            %broadcast_in_dim3A_427 = vector.broadcast %broadcast_in_dim3A_426 : i32 to vector<16x1xi32>
            %gather3A_428 = vector.shape_cast %broadcast_in_dim3A_427 : vector<16x1xi32> to vector<16xi32>
            %gather3A_429 = tpu.dynamic_gather %mul3A_117[%gather3A_428] in [0] : vector<16xf32>, vector<16xi32> -> vector<16xf32>
            %mul3A_430 = arith.mulf %get3A_125, %gather3A_429 : vector<16xf32>
            %swap3A_431 = arith.index_cast %add3A_99 : i32 to index
            %swap3A_432 = arith.constant 1024 : index
            %swap3A_433 = tpu.vector_load %arg14[%swap3A_431, %swap3A_432] {strides = array<i32>} : memref<32x1408xf32, #tpu.memory_space<vmem>>, vector<16xf32>,
            tpu.vector_store %arg14[%swap3A_431, %swap3A_432], %mul3A_430 {strides = array<i32>} : memref<32x1408xf32, #tpu.memory_space<vmem>>, vector<16xf32>,
            %mul3A_434 = arith.mulf %get3A_128, %gather3A_429 : vector<16xf32>
            %swap3A_435 = arith.index_cast %add3A_99 : i32 to index
            %swap3A_436 = arith.constant 1040 : index
            %swap3A_437 = tpu.vector_load %arg14[%swap3A_435, %swap3A_436] {strides = array<i32>} : memref<32x1408xf32, #tpu.memory_space<vmem>>, vector<16xf32>,
            tpu.vector_store %arg14[%swap3A_435, %swap3A_436], %mul3A_434 {strides = array<i32>} : memref<32x1408xf32, #tpu.memory_space<vmem>>, vector<16xf32>,
            %mul3A_438 = arith.mulf %get3A_131, %gather3A_429 : vector<16xf32>
            %swap3A_439 = arith.index_cast %add3A_99 : i32 to index
            %swap3A_440 = arith.constant 1056 : index
            %swap3A_441 = tpu.vector_load %arg14[%swap3A_439, %swap3A_440] {strides = array<i32>} : memref<32x1408xf32, #tpu.memory_space<vmem>>, vector<16xf32>,
            tpu.vector_store %arg14[%swap3A_439, %swap3A_440], %mul3A_438 {strides = array<i32>} : memref<32x1408xf32, #tpu.memory_space<vmem>>, vector<16xf32>,
            %mul3A_442 = arith.mulf %get3A_134, %gather3A_429 : vector<16xf32>
            %swap3A_443 = arith.index_cast %add3A_99 : i32 to index
            %swap3A_444 = arith.constant 1072 : index
            %swap3A_445 = tpu.vector_load %arg14[%swap3A_443, %swap3A_444] {strides = array<i32>} : memref<32x1408xf32, #tpu.memory_space<vmem>>, vector<16xf32>,
            tpu.vector_store %arg14[%swap3A_443, %swap3A_444], %mul3A_442 {strides = array<i32>} : memref<32x1408xf32, #tpu.memory_space<vmem>>, vector<16xf32>,
            %mul3A_446 = arith.mulf %get3A_137, %gather3A_429 : vector<16xf32>
            %swap3A_447 = arith.index_cast %add3A_99 : i32 to index
            %swap3A_448 = arith.constant 1088 : index
            %swap3A_449 = tpu.vector_load %arg14[%swap3A_447, %swap3A_448] {strides = array<i32>} : memref<32x1408xf32, #tpu.memory_space<vmem>>, vector<16xf32>,
            tpu.vector_store %arg14[%swap3A_447, %swap3A_448], %mul3A_446 {strides = array<i32>} : memref<32x1408xf32, #tpu.memory_space<vmem>>, vector<16xf32>,
            %mul3A_450 = arith.mulf %get3A_140, %gather3A_429 : vector<16xf32>
            %swap3A_451 = arith.index_cast %add3A_99 : i32 to index
            %swap3A_452 = arith.constant 1104 : index
            %swap3A_453 = tpu.vector_load %arg14[%swap3A_451, %swap3A_452] {strides = array<i32>} : memref<32x1408xf32, #tpu.memory_space<vmem>>, vector<16xf32>,
            tpu.vector_store %arg14[%swap3A_451, %swap3A_452], %mul3A_450 {strides = array<i32>} : memref<32x1408xf32, #tpu.memory_space<vmem>>, vector<16xf32>,
            %mul3A_454 = arith.mulf %get3A_143, %gather3A_429 : vector<16xf32>
            %swap3A_455 = arith.index_cast %add3A_99 : i32 to index
            %swap3A_456 = arith.constant 1120 : index
            %swap3A_457 = tpu.vector_load %arg14[%swap3A_455, %swap3A_456] {strides = array<i32>} : memref<32x1408xf32, #tpu.memory_space<vmem>>, vector<16xf32>,
            tpu.vector_store %arg14[%swap3A_455, %swap3A_456], %mul3A_454 {strides = array<i32>} : memref<32x1408xf32, #tpu.memory_space<vmem>>, vector<16xf32>,
            %mul3A_458 = arith.mulf %get3A_146, %gather3A_429 : vector<16xf32>
            %swap3A_459 = arith.index_cast %add3A_99 : i32 to index
            %swap3A_460 = arith.constant 1136 : index
            %swap3A_461 = tpu.vector_load %arg14[%swap3A_459, %swap3A_460] {strides = array<i32>} : memref<32x1408xf32, #tpu.memory_space<vmem>>, vector<16xf32>,
            tpu.vector_store %arg14[%swap3A_459, %swap3A_460], %mul3A_458 {strides = array<i32>} : memref<32x1408xf32, #tpu.memory_space<vmem>>, vector<16xf32>,
            %broadcast_in_dim3A_462 = arith.constant 7 : i32
            %broadcast_in_dim3A_463 = vector.broadcast %broadcast_in_dim3A_462 : i32 to vector<16x1xi32>
            %gather3A_464 = vector.shape_cast %broadcast_in_dim3A_463 : vector<16x1xi32> to vector<16xi32>
            %gather3A_465 = tpu.dynamic_gather %mul3A_117[%gather3A_464] in [0] : vector<16xf32>, vector<16xi32> -> vector<16xf32>
            %mul3A_466 = arith.mulf %get3A_125, %gather3A_465 : vector<16xf32>
            %swap3A_467 = arith.index_cast %add3A_99 : i32 to index
            %swap3A_468 = arith.constant 1152 : index
            %swap3A_469 = tpu.vector_load %arg14[%swap3A_467, %swap3A_468] {strides = array<i32>} : memref<32x1408xf32, #tpu.memory_space<vmem>>, vector<16xf32>,
            tpu.vector_store %arg14[%swap3A_467, %swap3A_468], %mul3A_466 {strides = array<i32>} : memref<32x1408xf32, #tpu.memory_space<vmem>>, vector<16xf32>,
            %mul3A_470 = arith.mulf %get3A_128, %gather3A_465 : vector<16xf32>
            %swap3A_471 = arith.index_cast %add3A_99 : i32 to index
            %swap3A_472 = arith.constant 1168 : index
            %swap3A_473 = tpu.vector_load %arg14[%swap3A_471, %swap3A_472] {strides = array<i32>} : memref<32x1408xf32, #tpu.memory_space<vmem>>, vector<16xf32>,
            tpu.vector_store %arg14[%swap3A_471, %swap3A_472], %mul3A_470 {strides = array<i32>} : memref<32x1408xf32, #tpu.memory_space<vmem>>, vector<16xf32>,
            %mul3A_474 = arith.mulf %get3A_131, %gather3A_465 : vector<16xf32>
            %swap3A_475 = arith.index_cast %add3A_99 : i32 to index
            %swap3A_476 = arith.constant 1184 : index
            %swap3A_477 = tpu.vector_load %arg14[%swap3A_475, %swap3A_476] {strides = array<i32>} : memref<32x1408xf32, #tpu.memory_space<vmem>>, vector<16xf32>,
            tpu.vector_store %arg14[%swap3A_475, %swap3A_476], %mul3A_474 {strides = array<i32>} : memref<32x1408xf32, #tpu.memory_space<vmem>>, vector<16xf32>,
            %mul3A_478 = arith.mulf %get3A_134, %gather3A_465 : vector<16xf32>
            %swap3A_479 = arith.index_cast %add3A_99 : i32 to index
            %swap3A_480 = arith.constant 1200 : index
            %swap3A_481 = tpu.vector_load %arg14[%swap3A_479, %swap3A_480] {strides = array<i32>} : memref<32x1408xf32, #tpu.memory_space<vmem>>, vector<16xf32>,
            tpu.vector_store %arg14[%swap3A_479, %swap3A_480], %mul3A_478 {strides = array<i32>} : memref<32x1408xf32, #tpu.memory_space<vmem>>, vector<16xf32>,
            %mul3A_482 = arith.mulf %get3A_137, %gather3A_465 : vector<16xf32>
            %swap3A_483 = arith.index_cast %add3A_99 : i32 to index
            %swap3A_484 = arith.constant 1216 : index
            %swap3A_485 = tpu.vector_load %arg14[%swap3A_483, %swap3A_484] {strides = array<i32>} : memref<32x1408xf32, #tpu.memory_space<vmem>>, vector<16xf32>,
            tpu.vector_store %arg14[%swap3A_483, %swap3A_484], %mul3A_482 {strides = array<i32>} : memref<32x1408xf32, #tpu.memory_space<vmem>>, vector<16xf32>,
            %mul3A_486 = arith.mulf %get3A_140, %gather3A_465 : vector<16xf32>
            %swap3A_487 = arith.index_cast %add3A_99 : i32 to index
            %swap3A_488 = arith.constant 1232 : index
            %swap3A_489 = tpu.vector_load %arg14[%swap3A_487, %swap3A_488] {strides = array<i32>} : memref<32x1408xf32, #tpu.memory_space<vmem>>, vector<16xf32>,
            tpu.vector_store %arg14[%swap3A_487, %swap3A_488], %mul3A_486 {strides = array<i32>} : memref<32x1408xf32, #tpu.memory_space<vmem>>, vector<16xf32>,
            %mul3A_490 = arith.mulf %get3A_143, %gather3A_465 : vector<16xf32>
            %swap3A_491 = arith.index_cast %add3A_99 : i32 to index
            %swap3A_492 = arith.constant 1248 : index
            %swap3A_493 = tpu.vector_load %arg14[%swap3A_491, %swap3A_492] {strides = array<i32>} : memref<32x1408xf32, #tpu.memory_space<vmem>>, vector<16xf32>,
            tpu.vector_store %arg14[%swap3A_491, %swap3A_492], %mul3A_490 {strides = array<i32>} : memref<32x1408xf32, #tpu.memory_space<vmem>>, vector<16xf32>,
            %mul3A_494 = arith.mulf %get3A_146, %gather3A_465 : vector<16xf32>
            %swap3A_495 = arith.index_cast %add3A_99 : i32 to index
            %swap3A_496 = arith.constant 1264 : index
            %swap3A_497 = tpu.vector_load %arg14[%swap3A_495, %swap3A_496] {strides = array<i32>} : memref<32x1408xf32, #tpu.memory_space<vmem>>, vector<16xf32>,
            tpu.vector_store %arg14[%swap3A_495, %swap3A_496], %mul3A_494 {strides = array<i32>} : memref<32x1408xf32, #tpu.memory_space<vmem>>, vector<16xf32>,
            %lt3A_498 = arith.constant 8 : i32
            %lt3A_499 = vector.broadcast %lt3A_498 : i32 to vector<16xi32>
            %lt3A_500 = arith.cmpi slt, %iota3A, %lt3A_499 : vector<16xi32>
            %jit3A_501 = arith.constant 0.000000e+00 : f32
            %broadcast_in_dim3A_502 = vector.broadcast %jit3A_501 : f32 to vector<16xf32>
            %select_n3A_503 = arith.select %lt3A_500, %mul3A_117, %broadcast_in_dim3A_502 : vector<16xi1>, vector<16xf32>
            %swap3A_504 = arith.index_cast %add3A_99 : i32 to index
            %swap3A_505 = arith.constant 1280 : index
            %swap3A_506 = tpu.vector_load %arg14[%swap3A_504, %swap3A_505] {strides = array<i32>} : memref<32x1408xf32, #tpu.memory_space<vmem>>, vector<16xf32>,
            tpu.vector_store %arg14[%swap3A_504, %swap3A_505], %select_n3A_503 {strides = array<i32>} : memref<32x1408xf32, #tpu.memory_space<vmem>>, vector<16xf32>,
          }
          %scan3A_85 = arith.constant 16 : i32
          %ge3A = arith.constant 1 : i32
          %ge3A_86 = arith.cmpi sge, %scan3A_58, %ge3A : i32
          %convert_element_type3A_87 = arith.extui %ge3A_86 : i1 to i32
          %cond3A_88 = arith.constant 0 : i32
          %cond3A_89 = arith.cmpi ne, %convert_element_type3A_87, %cond3A_88 : i32
          scf.if %cond3A_89 {
            %dma_wait3A_95 = arith.constant 0 : i32
            %dma_wait3A_96 = arith.constant 0 : i32
            %dma_wait3A_97 = tpu.memref_slice %arg16[%dma_wait3A_95, %dma_wait3A_96] : memref<384x1408xf32, #tpu.memory_space<vmem_shared>> -> memref<16x1408xf32, #tpu.memory_space<vmem_shared>>
            tpu.wait_dma2 semaphore(%arg18 : memref<!tpu.dma_semaphore, #tpu.memory_space<semaphore_mem>>) src(%arg6 : memref<16x1408xf32, #tpu.memory_space<hbm>>) dst(%dma_wait3A_97 : memref<16x1408xf32, #tpu.memory_space<vmem_shared>>)
          } else {
          }
          %dma_start3A_90 = arith.constant 0 : i32
          %dma_start3A_91 = tpu.memref_slice %arg14[%mul3A_79, %dma_start3A_90] : memref<32x1408xf32, #tpu.memory_space<vmem>> -> memref<16x1408xf32, #tpu.memory_space<vmem>>
          %dma_start3A_92 = arith.constant 0 : i32
          %dma_start3A_93 = arith.constant 0 : i32
          %dma_start3A_94 = tpu.memref_slice %arg16[%dma_start3A_92, %dma_start3A_93] : memref<384x1408xf32, #tpu.memory_space<vmem_shared>> -> memref<384x1408xf32, #tpu.memory_space<vmem_shared>>
          tpu.enqueue_indirect_dma source(%dma_start3A_91 : memref<16x1408xf32, #tpu.memory_space<vmem>>) target(%dma_start3A_94 : memref<384x1408xf32, #tpu.memory_space<vmem_shared>>) offsets(%select_n3A : vector<16xi32>) semaphore(%arg18 : memref<!tpu.dma_semaphore, #tpu.memory_space<semaphore_mem>>) {add = true}
        }
        %scan3A_54 = arith.constant 8 : i32
        %dma_wait3A_55 = arith.constant 0 : i32
        %dma_wait3A_56 = arith.constant 0 : i32
        %dma_wait3A_57 = tpu.memref_slice %arg16[%dma_wait3A_55, %dma_wait3A_56] : memref<384x1408xf32, #tpu.memory_space<vmem_shared>> -> memref<16x1408xf32, #tpu.memory_space<vmem_shared>>
        tpu.wait_dma2 semaphore(%arg18 : memref<!tpu.dma_semaphore, #tpu.memory_space<semaphore_mem>>) src(%arg6 : memref<16x1408xf32, #tpu.memory_space<hbm>>) dst(%dma_wait3A_57 : memref<16x1408xf32, #tpu.memory_space<vmem_shared>>)
      } else {
      }
      %barrier3A_32 = arith.constant 0 : index
      tpu.barrier barrier_id(%barrier3A_32)
      "tpu.region"() ({
        %run_scoped3A = tpu.sem_alloc : memref<!tpu.dma_semaphore, #tpu.memory_space<semaphore_mem>>
        %dma_start3A = arith.constant 0 : i32
        %dma_start3A_33 = tpu.memref_slice %arg7[%add3A_14, %mul3A_1, %dma_start3A] : memref<28x384x1408xf32, #tpu.memory_space<hbm>> -> memref<1x24x1408xf32, #tpu.memory_space<hbm>>
        %dma_start3A_34 = tpu.memref_squeeze %dma_start3A_33 : memref<1x24x1408xf32, #tpu.memory_space<hbm>> -> memref<24x1408xf32, #tpu.memory_space<hbm>>
        %dma_start3A_35 = arith.constant 0 : i32
        %dma_start3A_36 = tpu.memref_slice %arg16[%mul3A_1, %dma_start3A_35] : memref<384x1408xf32, #tpu.memory_space<vmem_shared>> -> memref<24x1408xf32, #tpu.memory_space<vmem_shared>>
        tpu.enqueue_dma source(%dma_start3A_36 : memref<24x1408xf32, #tpu.memory_space<vmem_shared>>) target(%dma_start3A_34 : memref<24x1408xf32, #tpu.memory_space<hbm>>) target_semaphore(%run_scoped3A : memref<!tpu.dma_semaphore, #tpu.memory_space<semaphore_mem>>)
        %dma_wait3A = arith.constant 0 : i32
        %dma_wait3A_37 = tpu.memref_slice %arg7[%add3A_14, %mul3A_1, %dma_wait3A] : memref<28x384x1408xf32, #tpu.memory_space<hbm>> -> memref<1x24x1408xf32, #tpu.memory_space<hbm>>
        %dma_wait3A_38 = tpu.memref_squeeze %dma_wait3A_37 : memref<1x24x1408xf32, #tpu.memory_space<hbm>> -> memref<24x1408xf32, #tpu.memory_space<hbm>>
        %dma_wait3A_39 = arith.constant 0 : i32
        %dma_wait3A_40 = tpu.memref_slice %arg16[%mul3A_1, %dma_wait3A_39] : memref<384x1408xf32, #tpu.memory_space<vmem_shared>> -> memref<24x1408xf32, #tpu.memory_space<vmem_shared>>
        tpu.wait_dma2 semaphore(%run_scoped3A : memref<!tpu.dma_semaphore, #tpu.memory_space<semaphore_mem>>) src(%dma_wait3A_40 : memref<24x1408xf32, #tpu.memory_space<vmem_shared>>) dst(%dma_wait3A_38 : memref<24x1408xf32, #tpu.memory_space<hbm>>)
        tpu.yield
      }) : () -> ()
    }
    %scan3A_6 = arith.constant 14 : i32
    return
  }
}

#map = affine_map<(d0, d1) -> (0)>
#map1 = affine_map<(d0, d1) -> (0, 0)>
module attributes {stable_mosaic.version = 14 : i64} {
  func.func @_cnt_body(%arg0: i32, %arg1: i32, %arg2: memref<163840xi32, #tpu.memory_space<hbm>>, %arg3: memref<1024xf32, #tpu.memory_space<hbm>>, %arg4: memref<2x10752xf32, #tpu.memory_space<hbm>>, %arg5: memref<128xi32, #tpu.memory_space<vmem>>, %arg6: memref<128xf32, #tpu.memory_space<vmem>>, %arg7: memref<128xi32, #tpu.memory_space<vmem>>, %arg8: memref<16384xf32, #tpu.memory_space<vmem_shared>>) attributes {dimension_semantics = [#tpu.dimension_semantics<core_parallel>, #tpu.dimension_semantics<subcore_parallel>], iteration_bounds = array<i64: 2, 16>, scalar_prefetch = 0 : i64, scratch_operands = 4 : i64, tpu.core_type = #tpu.core_type<sc_vector_subcore>, window_params = [{transform_indices = #map}, {transform_indices = #map}, {transform_indices = #map1}]} {
    %mul3A = arith.constant 1024 : i32
    %mul3A_0 = arith.muli %arg1, %mul3A : i32
    "tpu.region"() ({
      %run_scoped3A = tpu.sem_alloc : memref<!tpu.dma_semaphore, #tpu.memory_space<semaphore_mem>>
      %dma_start3A = tpu.memref_slice %arg8[%mul3A_0] : memref<16384xf32, #tpu.memory_space<vmem_shared>> -> memref<1024xf32, #tpu.memory_space<vmem_shared>>
      tpu.enqueue_dma source(%arg3 : memref<1024xf32, #tpu.memory_space<hbm>>) target(%dma_start3A : memref<1024xf32, #tpu.memory_space<vmem_shared>>) target_semaphore(%run_scoped3A : memref<!tpu.dma_semaphore, #tpu.memory_space<semaphore_mem>>)
      %dma_wait3A = tpu.memref_slice %arg8[%mul3A_0] : memref<16384xf32, #tpu.memory_space<vmem_shared>> -> memref<1024xf32, #tpu.memory_space<vmem_shared>>
      tpu.wait_dma2 semaphore(%run_scoped3A : memref<!tpu.dma_semaphore, #tpu.memory_space<semaphore_mem>>) src(%arg3 : memref<1024xf32, #tpu.memory_space<hbm>>) dst(%dma_wait3A : memref<1024xf32, #tpu.memory_space<vmem_shared>>)
      tpu.yield
    }) : () -> ()
    %broadcast_in_dim3A = arith.constant 1.000000e+00 : f32
    %broadcast_in_dim3A_1 = vector.broadcast %broadcast_in_dim3A : f32 to vector<16xf32>
    %swap3A = arith.constant 0 : index
    %swap3A_2 = tpu.vector_load %arg6[%swap3A] {strides = array<i32>} : memref<128xf32, #tpu.memory_space<vmem>>, vector<16xf32>,
    tpu.vector_store %arg6[%swap3A], %broadcast_in_dim3A_1 {strides = array<i32>} : memref<128xf32, #tpu.memory_space<vmem>>, vector<16xf32>,
    %swap3A_3 = arith.constant 16 : index
    %swap3A_4 = tpu.vector_load %arg6[%swap3A_3] {strides = array<i32>} : memref<128xf32, #tpu.memory_space<vmem>>, vector<16xf32>,
    tpu.vector_store %arg6[%swap3A_3], %broadcast_in_dim3A_1 {strides = array<i32>} : memref<128xf32, #tpu.memory_space<vmem>>, vector<16xf32>,
    %swap3A_5 = arith.constant 32 : index
    %swap3A_6 = tpu.vector_load %arg6[%swap3A_5] {strides = array<i32>} : memref<128xf32, #tpu.memory_space<vmem>>, vector<16xf32>,
    tpu.vector_store %arg6[%swap3A_5], %broadcast_in_dim3A_1 {strides = array<i32>} : memref<128xf32, #tpu.memory_space<vmem>>, vector<16xf32>,
    %swap3A_7 = arith.constant 48 : index
    %swap3A_8 = tpu.vector_load %arg6[%swap3A_7] {strides = array<i32>} : memref<128xf32, #tpu.memory_space<vmem>>, vector<16xf32>,
    tpu.vector_store %arg6[%swap3A_7], %broadcast_in_dim3A_1 {strides = array<i32>} : memref<128xf32, #tpu.memory_space<vmem>>, vector<16xf32>,
    %swap3A_9 = arith.constant 64 : index
    %swap3A_10 = tpu.vector_load %arg6[%swap3A_9] {strides = array<i32>} : memref<128xf32, #tpu.memory_space<vmem>>, vector<16xf32>,
    tpu.vector_store %arg6[%swap3A_9], %broadcast_in_dim3A_1 {strides = array<i32>} : memref<128xf32, #tpu.memory_space<vmem>>, vector<16xf32>,
    %swap3A_11 = arith.constant 80 : index
    %swap3A_12 = tpu.vector_load %arg6[%swap3A_11] {strides = array<i32>} : memref<128xf32, #tpu.memory_space<vmem>>, vector<16xf32>,
    tpu.vector_store %arg6[%swap3A_11], %broadcast_in_dim3A_1 {strides = array<i32>} : memref<128xf32, #tpu.memory_space<vmem>>, vector<16xf32>,
    %swap3A_13 = arith.constant 96 : index
    %swap3A_14 = tpu.vector_load %arg6[%swap3A_13] {strides = array<i32>} : memref<128xf32, #tpu.memory_space<vmem>>, vector<16xf32>,
    tpu.vector_store %arg6[%swap3A_13], %broadcast_in_dim3A_1 {strides = array<i32>} : memref<128xf32, #tpu.memory_space<vmem>>, vector<16xf32>,
    %swap3A_15 = arith.constant 112 : index
    %swap3A_16 = tpu.vector_load %arg6[%swap3A_15] {strides = array<i32>} : memref<128xf32, #tpu.memory_space<vmem>>, vector<16xf32>,
    tpu.vector_store %arg6[%swap3A_15], %broadcast_in_dim3A_1 {strides = array<i32>} : memref<128xf32, #tpu.memory_space<vmem>>, vector<16xf32>,
    %barrier3A = arith.constant 0 : index
    tpu.barrier barrier_id(%barrier3A)
    %mul3A_17 = arith.constant 2 : i32
    %mul3A_18 = arith.muli %arg1, %mul3A_17 : i32
    %add3A = arith.addi %mul3A_18, %arg0 : i32
    %scan3A = arith.constant 0 : i32
    %scan3A_19 = arith.constant 0 : i32
    %scan3A_20 = arith.constant 40 : i32
    %scan3A_21 = arith.addi %scan3A_19, %scan3A_20 : i32
    %scan3A_22 = arith.constant 1 : i32
    scf.for %scan3A_29 = %scan3A_19 to %scan3A_21 step %scan3A_22  : i32 {
      %mul3A_30 = arith.constant 5120 : i32
      %mul3A_31 = arith.muli %add3A, %mul3A_30 : i32
      %mul3A_32 = arith.constant 128 : i32
      %mul3A_33 = arith.muli %scan3A_29, %mul3A_32 : i32
      %add3A_34 = arith.addi %mul3A_31, %mul3A_33 : i32
      "tpu.region"() ({
        %run_scoped3A = tpu.sem_alloc : memref<!tpu.dma_semaphore, #tpu.memory_space<semaphore_mem>>
        %dma_start3A = tpu.memref_slice %arg2[%add3A_34] : memref<163840xi32, #tpu.memory_space<hbm>> -> memref<128xi32, #tpu.memory_space<hbm>>
        %dma_start3A_89 = tpu.memref_slice %arg2[%add3A_34] : memref<163840xi32, #tpu.memory_space<hbm>> -> memref<128xi32, #tpu.memory_space<hbm>>
        tpu.enqueue_dma source(%dma_start3A_89 : memref<128xi32, #tpu.memory_space<hbm>>) target(%arg7 : memref<128xi32, #tpu.memory_space<vmem>>) target_semaphore(%run_scoped3A : memref<!tpu.dma_semaphore, #tpu.memory_space<semaphore_mem>>)
        %dma_wait3A = tpu.memref_slice %arg2[%add3A_34] : memref<163840xi32, #tpu.memory_space<hbm>> -> memref<128xi32, #tpu.memory_space<hbm>>
        %dma_wait3A_90 = tpu.memref_slice %arg2[%add3A_34] : memref<163840xi32, #tpu.memory_space<hbm>> -> memref<128xi32, #tpu.memory_space<hbm>>
        tpu.wait_dma2 semaphore(%run_scoped3A : memref<!tpu.dma_semaphore, #tpu.memory_space<semaphore_mem>>) src(%dma_wait3A_90 : memref<128xi32, #tpu.memory_space<hbm>>) dst(%arg7 : memref<128xi32, #tpu.memory_space<vmem>>)
        tpu.yield
      }) : () -> ()
      %get3A = arith.constant 0 : index
      %get3A_35 = tpu.vector_load %arg7[%get3A] {strides = array<i32>} : memref<128xi32, #tpu.memory_space<vmem>>, vector<16xi32>,
      %shift_right_arithmetic3A = arith.constant 14 : i32
      %shift_right_arithmetic3A_36 = vector.broadcast %shift_right_arithmetic3A : i32 to vector<16xi32>
      %shift_right_arithmetic3A_37 = arith.shrsi %get3A_35, %shift_right_arithmetic3A_36 : vector<16xi32>
      %swap3A_38 = arith.constant 0 : index
      %swap3A_39 = tpu.vector_load %arg5[%swap3A_38] {strides = array<i32>} : memref<128xi32, #tpu.memory_space<vmem>>, vector<16xi32>,
      tpu.vector_store %arg5[%swap3A_38], %shift_right_arithmetic3A_37 {strides = array<i32>} : memref<128xi32, #tpu.memory_space<vmem>>, vector<16xi32>,
      %get3A_40 = arith.constant 16 : index
      %get3A_41 = tpu.vector_load %arg7[%get3A_40] {strides = array<i32>} : memref<128xi32, #tpu.memory_space<vmem>>, vector<16xi32>,
      %shift_right_arithmetic3A_42 = arith.constant 14 : i32
      %shift_right_arithmetic3A_43 = vector.broadcast %shift_right_arithmetic3A_42 : i32 to vector<16xi32>
      %shift_right_arithmetic3A_44 = arith.shrsi %get3A_41, %shift_right_arithmetic3A_43 : vector<16xi32>
      %swap3A_45 = arith.constant 16 : index
      %swap3A_46 = tpu.vector_load %arg5[%swap3A_45] {strides = array<i32>} : memref<128xi32, #tpu.memory_space<vmem>>, vector<16xi32>,
      tpu.vector_store %arg5[%swap3A_45], %shift_right_arithmetic3A_44 {strides = array<i32>} : memref<128xi32, #tpu.memory_space<vmem>>, vector<16xi32>,
      %get3A_47 = arith.constant 32 : index
      %get3A_48 = tpu.vector_load %arg7[%get3A_47] {strides = array<i32>} : memref<128xi32, #tpu.memory_space<vmem>>, vector<16xi32>,
      %shift_right_arithmetic3A_49 = arith.constant 14 : i32
      %shift_right_arithmetic3A_50 = vector.broadcast %shift_right_arithmetic3A_49 : i32 to vector<16xi32>
      %shift_right_arithmetic3A_51 = arith.shrsi %get3A_48, %shift_right_arithmetic3A_50 : vector<16xi32>
      %swap3A_52 = arith.constant 32 : index
      %swap3A_53 = tpu.vector_load %arg5[%swap3A_52] {strides = array<i32>} : memref<128xi32, #tpu.memory_space<vmem>>, vector<16xi32>,
      tpu.vector_store %arg5[%swap3A_52], %shift_right_arithmetic3A_51 {strides = array<i32>} : memref<128xi32, #tpu.memory_space<vmem>>, vector<16xi32>,
      %get3A_54 = arith.constant 48 : index
      %get3A_55 = tpu.vector_load %arg7[%get3A_54] {strides = array<i32>} : memref<128xi32, #tpu.memory_space<vmem>>, vector<16xi32>,
      %shift_right_arithmetic3A_56 = arith.constant 14 : i32
      %shift_right_arithmetic3A_57 = vector.broadcast %shift_right_arithmetic3A_56 : i32 to vector<16xi32>
      %shift_right_arithmetic3A_58 = arith.shrsi %get3A_55, %shift_right_arithmetic3A_57 : vector<16xi32>
      %swap3A_59 = arith.constant 48 : index
      %swap3A_60 = tpu.vector_load %arg5[%swap3A_59] {strides = array<i32>} : memref<128xi32, #tpu.memory_space<vmem>>, vector<16xi32>,
      tpu.vector_store %arg5[%swap3A_59], %shift_right_arithmetic3A_58 {strides = array<i32>} : memref<128xi32, #tpu.memory_space<vmem>>, vector<16xi32>,
      %get3A_61 = arith.constant 64 : index
      %get3A_62 = tpu.vector_load %arg7[%get3A_61] {strides = array<i32>} : memref<128xi32, #tpu.memory_space<vmem>>, vector<16xi32>,
      %shift_right_arithmetic3A_63 = arith.constant 14 : i32
      %shift_right_arithmetic3A_64 = vector.broadcast %shift_right_arithmetic3A_63 : i32 to vector<16xi32>
      %shift_right_arithmetic3A_65 = arith.shrsi %get3A_62, %shift_right_arithmetic3A_64 : vector<16xi32>
      %swap3A_66 = arith.constant 64 : index
      %swap3A_67 = tpu.vector_load %arg5[%swap3A_66] {strides = array<i32>} : memref<128xi32, #tpu.memory_space<vmem>>, vector<16xi32>,
      tpu.vector_store %arg5[%swap3A_66], %shift_right_arithmetic3A_65 {strides = array<i32>} : memref<128xi32, #tpu.memory_space<vmem>>, vector<16xi32>,
      %get3A_68 = arith.constant 80 : index
      %get3A_69 = tpu.vector_load %arg7[%get3A_68] {strides = array<i32>} : memref<128xi32, #tpu.memory_space<vmem>>, vector<16xi32>,
      %shift_right_arithmetic3A_70 = arith.constant 14 : i32
      %shift_right_arithmetic3A_71 = vector.broadcast %shift_right_arithmetic3A_70 : i32 to vector<16xi32>
      %shift_right_arithmetic3A_72 = arith.shrsi %get3A_69, %shift_right_arithmetic3A_71 : vector<16xi32>
      %swap3A_73 = arith.constant 80 : index
      %swap3A_74 = tpu.vector_load %arg5[%swap3A_73] {strides = array<i32>} : memref<128xi32, #tpu.memory_space<vmem>>, vector<16xi32>,
      tpu.vector_store %arg5[%swap3A_73], %shift_right_arithmetic3A_72 {strides = array<i32>} : memref<128xi32, #tpu.memory_space<vmem>>, vector<16xi32>,
      %get3A_75 = arith.constant 96 : index
      %get3A_76 = tpu.vector_load %arg7[%get3A_75] {strides = array<i32>} : memref<128xi32, #tpu.memory_space<vmem>>, vector<16xi32>,
      %shift_right_arithmetic3A_77 = arith.constant 14 : i32
      %shift_right_arithmetic3A_78 = vector.broadcast %shift_right_arithmetic3A_77 : i32 to vector<16xi32>
      %shift_right_arithmetic3A_79 = arith.shrsi %get3A_76, %shift_right_arithmetic3A_78 : vector<16xi32>
      %swap3A_80 = arith.constant 96 : index
      %swap3A_81 = tpu.vector_load %arg5[%swap3A_80] {strides = array<i32>} : memref<128xi32, #tpu.memory_space<vmem>>, vector<16xi32>,
      tpu.vector_store %arg5[%swap3A_80], %shift_right_arithmetic3A_79 {strides = array<i32>} : memref<128xi32, #tpu.memory_space<vmem>>, vector<16xi32>,
      %get3A_82 = arith.constant 112 : index
      %get3A_83 = tpu.vector_load %arg7[%get3A_82] {strides = array<i32>} : memref<128xi32, #tpu.memory_space<vmem>>, vector<16xi32>,
      %shift_right_arithmetic3A_84 = arith.constant 14 : i32
      %shift_right_arithmetic3A_85 = vector.broadcast %shift_right_arithmetic3A_84 : i32 to vector<16xi32>
      %shift_right_arithmetic3A_86 = arith.shrsi %get3A_83, %shift_right_arithmetic3A_85 : vector<16xi32>
      %swap3A_87 = arith.constant 112 : index
      %swap3A_88 = tpu.vector_load %arg5[%swap3A_87] {strides = array<i32>} : memref<128xi32, #tpu.memory_space<vmem>>, vector<16xi32>,
      tpu.vector_store %arg5[%swap3A_87], %shift_right_arithmetic3A_86 {strides = array<i32>} : memref<128xi32, #tpu.memory_space<vmem>>, vector<16xi32>,
      "tpu.region"() ({
        %run_scoped3A = tpu.sem_alloc : memref<!tpu.dma_semaphore, #tpu.memory_space<semaphore_mem>>
        %dma_start3A = arith.constant 0 : i32
        %dma_start3A_89 = tpu.memref_slice %arg8[%dma_start3A] : memref<16384xf32, #tpu.memory_space<vmem_shared>> -> memref<16384xf32, #tpu.memory_space<vmem_shared>>
        tpu.enqueue_indirect_dma source(%arg6 : memref<128xf32, #tpu.memory_space<vmem>>) target(%dma_start3A_89 : memref<16384xf32, #tpu.memory_space<vmem_shared>>) offsets(%arg5 : memref<128xi32, #tpu.memory_space<vmem>>) semaphore(%run_scoped3A : memref<!tpu.dma_semaphore, #tpu.memory_space<semaphore_mem>>) {add = true}
        %dma_wait3A = arith.constant 0 : i32
        %dma_wait3A_90 = tpu.memref_slice %arg8[%dma_wait3A] : memref<16384xf32, #tpu.memory_space<vmem_shared>> -> memref<16384xf32, #tpu.memory_space<vmem_shared>>
        tpu.wait_indirect_dma semaphore(%run_scoped3A : memref<!tpu.dma_semaphore, #tpu.memory_space<semaphore_mem>>) src(%arg6 : memref<128xf32, #tpu.memory_space<vmem>>) dst(%dma_wait3A_90 : memref<16384xf32, #tpu.memory_space<vmem_shared>>)
        tpu.yield
      }) : () -> ()
    }
    %scan3A_23 = arith.constant 40 : i32
    %barrier3A_24 = arith.constant 0 : index
    tpu.barrier barrier_id(%barrier3A_24)
    %mul3A_25 = arith.constant 672 : i32
    %mul3A_26 = arith.muli %arg1, %mul3A_25 : i32
    %mul3A_27 = arith.constant 672 : i32
    %mul3A_28 = arith.muli %arg1, %mul3A_27 : i32
    "tpu.region"() ({
      %run_scoped3A = tpu.sem_alloc : memref<!tpu.dma_semaphore, #tpu.memory_space<semaphore_mem>>
      %dma_start3A = tpu.memref_slice %arg4[%arg0, %mul3A_28] : memref<2x10752xf32, #tpu.memory_space<hbm>> -> memref<1x672xf32, #tpu.memory_space<hbm>>
      %dma_start3A_29 = tpu.memref_squeeze %dma_start3A : memref<1x672xf32, #tpu.memory_space<hbm>> -> memref<672xf32, #tpu.memory_space<hbm>>
      %dma_start3A_30 = tpu.memref_slice %arg8[%mul3A_26] : memref<16384xf32, #tpu.memory_space<vmem_shared>> -> memref<672xf32, #tpu.memory_space<vmem_shared>>
      tpu.enqueue_dma source(%dma_start3A_30 : memref<672xf32, #tpu.memory_space<vmem_shared>>) target(%dma_start3A_29 : memref<672xf32, #tpu.memory_space<hbm>>) target_semaphore(%run_scoped3A : memref<!tpu.dma_semaphore, #tpu.memory_space<semaphore_mem>>)
      %dma_wait3A = tpu.memref_slice %arg4[%arg0, %mul3A_28] : memref<2x10752xf32, #tpu.memory_space<hbm>> -> memref<1x672xf32, #tpu.memory_space<hbm>>
      %dma_wait3A_31 = tpu.memref_squeeze %dma_wait3A : memref<1x672xf32, #tpu.memory_space<hbm>> -> memref<672xf32, #tpu.memory_space<hbm>>
      %dma_wait3A_32 = tpu.memref_slice %arg8[%mul3A_26] : memref<16384xf32, #tpu.memory_space<vmem_shared>> -> memref<672xf32, #tpu.memory_space<vmem_shared>>
      tpu.wait_dma2 semaphore(%run_scoped3A : memref<!tpu.dma_semaphore, #tpu.memory_space<semaphore_mem>>) src(%dma_wait3A_32 : memref<672xf32, #tpu.memory_space<vmem_shared>>) dst(%dma_wait3A_31 : memref<672xf32, #tpu.memory_space<hbm>>)
      tpu.yield
    }) : () -> ()
    return
  }
}

module attributes {stable_mosaic.version = 14 : i64} {
  func.func @_attn_logits_body(%arg0: i32, %arg1: memref<512x128xf32, #tpu.memory_space<vmem>>, %arg2: memref<128x128xf32, #tpu.memory_space<vmem>>, %arg3: memref<512x128xf32, #tpu.memory_space<vmem>>) attributes {dimension_semantics = [#tpu.dimension_semantics<arbitrary>], iteration_bounds = array<i64: 21>, scalar_prefetch = 0 : i64, scratch_operands = 0 : i64, tpu.core_type = #tpu.core_type<tc>, window_params = [{transform_indices = @transform_0, window_bounds = array<i64: 512, 128>}, {pipeline_mode = #tpu.pipeline_mode<synchronous>, transform_indices = @transform_1, window_bounds = array<i64: 128, 128>}, {transform_indices = @transform_2, window_bounds = array<i64: 512, 128>}]} {
    %get3A = arith.constant 0 : index
    %get3A_0 = arith.constant 0 : index
    %get3A_1 = vector.load %arg1[%get3A, %get3A_0] : memref<512x128xf32, #tpu.memory_space<vmem>>, vector<512x128xf32>
    %get3A_2 = arith.constant 0 : index
    %get3A_3 = arith.constant 0 : index
    %get3A_4 = vector.load %arg2[%get3A_2, %get3A_3] : memref<128x128xf32, #tpu.memory_space<vmem>>, vector<128x128xf32>
    %dot_general3A = arith.constant dense<0.000000e+00> : vector<512x128xf32>
    %dot_general3A_5 = tpu.matmul %get3A_1, %get3A_4, %dot_general3A {dimension_numbers = #tpu.dot_dimension_numbers<[1], [0], [0], [1], [0, 0, 1, 1], [], []>, transpose_lhs_hint = false} : vector<512x128xf32>, vector<128x128xf32>, vector<512x128xf32> -> vector<512x128xf32>
    %swap3A = arith.constant 0 : index
    %swap3A_6 = arith.constant 0 : index
    %swap3A_7 = vector.load %arg3[%swap3A, %swap3A_6] : memref<512x128xf32, #tpu.memory_space<vmem>>, vector<512x128xf32>
    tpu.vector_store %arg3[%swap3A, %swap3A_6], %dot_general3A_5 {strides = array<i32>} : memref<512x128xf32, #tpu.memory_space<vmem>>, vector<512x128xf32>,
    return
  }
  func.func @transform_0(%arg0: i32) -> (i32, i32) {
    %c0_i32 = arith.constant 0 : i32
    %c0_i32_0 = arith.constant 0 : i32
    return %arg0, %c0_i32 : i32, i32
  }
  func.func @transform_1(%arg0: i32) -> (i32, i32) {
    %c0_i32 = arith.constant 0 : i32
    %c0_i32_0 = arith.constant 0 : i32
    %c0_i32_1 = arith.constant 0 : i32
    return %c0_i32, %c0_i32_0 : i32, i32
  }
  func.func @transform_2(%arg0: i32) -> (i32, i32) {
    %c0_i32 = arith.constant 0 : i32
    %c0_i32_0 = arith.constant 0 : i32
    return %arg0, %c0_i32 : i32, i32
  }
}

module attributes {stable_mosaic.version = 14 : i64} {
  func.func @_post_body(%arg0: i32, %arg1: memref<512x128xf32, #tpu.memory_space<vmem>>, %arg2: memref<512x32xf32, #tpu.memory_space<vmem>>, %arg3: memref<512x1408xf32, #tpu.memory_space<vmem>>, %arg4: memref<128x128xf32, #tpu.memory_space<vmem>>, %arg5: memref<128x1024xf32, #tpu.memory_space<vmem>>, %arg6: memref<1024x128xf32, #tpu.memory_space<vmem>>, %arg7: memref<128x128xf32, #tpu.memory_space<vmem>>, %arg8: memref<128x128xf32, #tpu.memory_space<vmem>>, %arg9: memref<256x128xf32, #tpu.memory_space<vmem>>, %arg10: memref<8x128xf32, #tpu.memory_space<vmem>>, %arg11: memref<8x128xf32, #tpu.memory_space<vmem>>, %arg12: memref<512x128xf32, #tpu.memory_space<vmem>>) attributes {dimension_semantics = [#tpu.dimension_semantics<arbitrary>], iteration_bounds = array<i64: 21>, scalar_prefetch = 0 : i64, scratch_operands = 0 : i64, tpu.core_type = #tpu.core_type<tc>, window_params = [{transform_indices = @transform_0, window_bounds = array<i64: 512, 128>}, {transform_indices = @transform_1, window_bounds = array<i64: 512, 32>}, {transform_indices = @transform_2, window_bounds = array<i64: 512, 1408>}, {pipeline_mode = #tpu.pipeline_mode<synchronous>, transform_indices = @transform_3, window_bounds = array<i64: 128, 128>}, {pipeline_mode = #tpu.pipeline_mode<synchronous>, transform_indices = @transform_4, window_bounds = array<i64: 128, 1024>}, {pipeline_mode = #tpu.pipeline_mode<synchronous>, transform_indices = @transform_5, window_bounds = array<i64: 1024, 128>}, {pipeline_mode = #tpu.pipeline_mode<synchronous>, transform_indices = @transform_6, window_bounds = array<i64: 128, 128>}, {pipeline_mode = #tpu.pipeline_mode<synchronous>, transform_indices = @transform_7, window_bounds = array<i64: 128, 128>}, {pipeline_mode = #tpu.pipeline_mode<synchronous>, transform_indices = @transform_8, window_bounds = array<i64: 256, 128>}, {pipeline_mode = #tpu.pipeline_mode<synchronous>, transform_indices = @transform_9, window_bounds = array<i64: 8, 128>}, {pipeline_mode = #tpu.pipeline_mode<synchronous>, transform_indices = @transform_10, window_bounds = array<i64: 8, 128>}, {transform_indices = @transform_11, window_bounds = array<i64: 512, 128>}]} {
    %get3A = arith.constant 0 : index
    %get3A_0 = arith.constant 0 : index
    %get3A_1 = vector.load %arg1[%get3A, %get3A_0] : memref<512x128xf32, #tpu.memory_space<vmem>>, vector<512x128xf32>
    %get3A_2 = arith.constant 0 : index
    %get3A_3 = arith.constant 0 : index
    %get3A_4 = vector.load %arg2[%get3A_2, %get3A_3] : memref<512x32xf32, #tpu.memory_space<vmem>>, vector<512x32xf32>
    %slice3A = vector.extract_strided_slice %get3A_4 {offsets = [0, 0], sizes = [512, 1], strides = [1, 1]} : vector<512x32xf32> to vector<512x1xf32>
    %slice3A_5 = vector.extract_strided_slice %get3A_4 {offsets = [0, 1], sizes = [512, 8], strides = [1, 1]} : vector<512x32xf32> to vector<512x8xf32>
    %slice3A_6 = vector.extract_strided_slice %get3A_4 {offsets = [0, 9], sizes = [512, 8], strides = [1, 1]} : vector<512x32xf32> to vector<512x8xf32>
    %get3A_7 = arith.constant 0 : index
    %get3A_8 = arith.constant 1280 : index
    %get3A_9 = vector.load %arg3[%get3A_7, %get3A_8] : memref<512x1408xf32, #tpu.memory_space<vmem>>, vector<512x128xf32>
    %slice3A_10 = vector.extract_strided_slice %get3A_9 {offsets = [0, 0], sizes = [512, 8], strides = [1, 1]} : vector<512x128xf32> to vector<512x8xf32>
    %add3A = arith.constant 1.000000e+00 : f32
    %add3A_11 = vector.broadcast %add3A : f32 to vector<512x1xf32>
    %add3A_12 = arith.addf %slice3A, %add3A_11 : vector<512x1xf32>
    %rsqrt3A = math.rsqrt %add3A_12 : vector<512x1xf32>
    %get3A_13 = arith.constant 0 : index
    %get3A_14 = arith.constant 128 : index
    %get3A_15 = vector.load %arg3[%get3A_13, %get3A_14] : memref<512x1408xf32, #tpu.memory_space<vmem>>, vector<512x128xf32>
    %mul3A = vector.broadcast %rsqrt3A : vector<512x1xf32> to vector<512x128xf32>
    %mul3A_16 = arith.mulf %mul3A, %get3A_1 : vector<512x128xf32>
    %add3A_17 = arith.addf %get3A_15, %mul3A_16 : vector<512x128xf32>
    %mul3A_18 = vector.broadcast %rsqrt3A : vector<512x1xf32> to vector<512x128xf32>
    %mul3A_19 = arith.mulf %mul3A_18, %add3A_17 : vector<512x128xf32>
    %get3A_20 = arith.constant 0 : index
    %get3A_21 = arith.constant 0 : index
    %get3A_22 = vector.load %arg11[%get3A_20, %get3A_21] : memref<8x128xf32, #tpu.memory_space<vmem>>, vector<1x128xf32>
    %get3A_23 = arith.constant 0 : index
    %get3A_24 = arith.constant 0 : index
    %get3A_25 = vector.load %arg4[%get3A_23, %get3A_24] : memref<128x128xf32, #tpu.memory_space<vmem>>, vector<128x128xf32>
    %dot_general3A = arith.constant dense<0.000000e+00> : vector<512x128xf32>
    %dot_general3A_26 = tpu.matmul %mul3A_19, %get3A_25, %dot_general3A {dimension_numbers = #tpu.dot_dimension_numbers<[1], [0], [0], [1], [0, 0, 1, 1], [], []>, transpose_lhs_hint = false} : vector<512x128xf32>, vector<128x128xf32>, vector<512x128xf32> -> vector<512x128xf32>
    %add3A_27 = vector.broadcast %get3A_22 : vector<1x128xf32> to vector<512x128xf32>
    %add3A_28 = arith.addf %dot_general3A_26, %add3A_27 : vector<512x128xf32>
    %max3A = arith.constant 0.000000e+00 : f32
    %max3A_29 = vector.broadcast %max3A : f32 to vector<512x128xf32>
    %max3A_30 = arith.maximumf %add3A_28, %max3A_29 : vector<512x128xf32>
    %add3A_31 = arith.addf %slice3A_5, %slice3A_6 : vector<512x8xf32>
    %ge3A = arith.constant 0.000000e+00 : f32
    %ge3A_32 = vector.broadcast %ge3A : f32 to vector<512x8xf32>
    %ge3A_33 = arith.cmpf oge, %add3A_31, %ge3A_32 : vector<512x8xf32>
    %mul3A_34 = arith.constant 2.000000e-01 : f32
    %mul3A_35 = vector.broadcast %mul3A_34 : f32 to vector<512x8xf32>
    %mul3A_36 = arith.mulf %mul3A_35, %add3A_31 : vector<512x8xf32>
    %select_n3A = arith.select %ge3A_33, %add3A_31, %mul3A_36 : vector<512x8xi1>, vector<512x8xf32>
    %exp3A = math.exp %select_n3A : vector<512x8xf32>
    %add3A_37 = arith.addf %slice3A_10, %exp3A : vector<512x8xf32>
    %add3A_38 = arith.constant 1.000000e-16 : f32
    %add3A_39 = vector.broadcast %add3A_38 : f32 to vector<512x8xf32>
    %add3A_40 = arith.addf %add3A_37, %add3A_39 : vector<512x8xf32>
    %get3A_41 = arith.constant 0 : index
    %get3A_42 = arith.constant 256 : index
    %get3A_43 = vector.load %arg3[%get3A_41, %get3A_42] : memref<512x1408xf32, #tpu.memory_space<vmem>>, vector<512x128xf32>
    %slice3A_44 = vector.extract_strided_slice %exp3A {offsets = [0, 0], sizes = [512, 1], strides = [1, 1]} : vector<512x8xf32> to vector<512x1xf32>
    %mul3A_45 = vector.broadcast %slice3A_44 : vector<512x1xf32> to vector<512x128xf32>
    %mul3A_46 = arith.mulf %mul3A_45, %get3A_1 : vector<512x128xf32>
    %add3A_47 = arith.addf %get3A_43, %mul3A_46 : vector<512x128xf32>
    %slice3A_48 = vector.extract_strided_slice %add3A_40 {offsets = [0, 0], sizes = [512, 1], strides = [1, 1]} : vector<512x8xf32> to vector<512x1xf32>
    %div3A = vector.broadcast %slice3A_48 : vector<512x1xf32> to vector<512x128xf32>
    %div3A_49 = arith.divf %add3A_47, %div3A : vector<512x128xf32>
    %get3A_50 = arith.constant 0 : index
    %get3A_51 = arith.constant 0 : index
    %get3A_52 = vector.load %arg5[%get3A_50, %get3A_51] : memref<128x1024xf32, #tpu.memory_space<vmem>>, vector<128x128xf32>
    %dot_general3A_53 = arith.constant dense<0.000000e+00> : vector<512x128xf32>
    %dot_general3A_54 = tpu.matmul %div3A_49, %get3A_52, %dot_general3A_53 {dimension_numbers = #tpu.dot_dimension_numbers<[1], [0], [0], [1], [0, 0, 1, 1], [], []>, transpose_lhs_hint = false} : vector<512x128xf32>, vector<128x128xf32>, vector<512x128xf32> -> vector<512x128xf32>
    %get3A_55 = arith.constant 0 : index
    %get3A_56 = arith.constant 384 : index
    %get3A_57 = vector.load %arg3[%get3A_55, %get3A_56] : memref<512x1408xf32, #tpu.memory_space<vmem>>, vector<512x128xf32>
    %slice3A_58 = vector.extract_strided_slice %exp3A {offsets = [0, 1], sizes = [512, 1], strides = [1, 1]} : vector<512x8xf32> to vector<512x1xf32>
    %mul3A_59 = vector.broadcast %slice3A_58 : vector<512x1xf32> to vector<512x128xf32>
    %mul3A_60 = arith.mulf %mul3A_59, %get3A_1 : vector<512x128xf32>
    %add3A_61 = arith.addf %get3A_57, %mul3A_60 : vector<512x128xf32>
    %slice3A_62 = vector.extract_strided_slice %add3A_40 {offsets = [0, 1], sizes = [512, 1], strides = [1, 1]} : vector<512x8xf32> to vector<512x1xf32>
    %div3A_63 = vector.broadcast %slice3A_62 : vector<512x1xf32> to vector<512x128xf32>
    %div3A_64 = arith.divf %add3A_61, %div3A_63 : vector<512x128xf32>
    %get3A_65 = arith.constant 0 : index
    %get3A_66 = arith.constant 128 : index
    %get3A_67 = vector.load %arg5[%get3A_65, %get3A_66] : memref<128x1024xf32, #tpu.memory_space<vmem>>, vector<128x128xf32>
    %dot_general3A_68 = arith.constant dense<0.000000e+00> : vector<512x128xf32>
    %dot_general3A_69 = tpu.matmul %div3A_64, %get3A_67, %dot_general3A_68 {dimension_numbers = #tpu.dot_dimension_numbers<[1], [0], [0], [1], [0, 0, 1, 1], [], []>, transpose_lhs_hint = false} : vector<512x128xf32>, vector<128x128xf32>, vector<512x128xf32> -> vector<512x128xf32>
    %get3A_70 = arith.constant 0 : index
    %get3A_71 = arith.constant 512 : index
    %get3A_72 = vector.load %arg3[%get3A_70, %get3A_71] : memref<512x1408xf32, #tpu.memory_space<vmem>>, vector<512x128xf32>
    %slice3A_73 = vector.extract_strided_slice %exp3A {offsets = [0, 2], sizes = [512, 1], strides = [1, 1]} : vector<512x8xf32> to vector<512x1xf32>
    %mul3A_74 = vector.broadcast %slice3A_73 : vector<512x1xf32> to vector<512x128xf32>
    %mul3A_75 = arith.mulf %mul3A_74, %get3A_1 : vector<512x128xf32>
    %add3A_76 = arith.addf %get3A_72, %mul3A_75 : vector<512x128xf32>
    %slice3A_77 = vector.extract_strided_slice %add3A_40 {offsets = [0, 2], sizes = [512, 1], strides = [1, 1]} : vector<512x8xf32> to vector<512x1xf32>
    %div3A_78 = vector.broadcast %slice3A_77 : vector<512x1xf32> to vector<512x128xf32>
    %div3A_79 = arith.divf %add3A_76, %div3A_78 : vector<512x128xf32>
    %get3A_80 = arith.constant 0 : index
    %get3A_81 = arith.constant 256 : index
    %get3A_82 = vector.load %arg5[%get3A_80, %get3A_81] : memref<128x1024xf32, #tpu.memory_space<vmem>>, vector<128x128xf32>
    %dot_general3A_83 = arith.constant dense<0.000000e+00> : vector<512x128xf32>
    %dot_general3A_84 = tpu.matmul %div3A_79, %get3A_82, %dot_general3A_83 {dimension_numbers = #tpu.dot_dimension_numbers<[1], [0], [0], [1], [0, 0, 1, 1], [], []>, transpose_lhs_hint = false} : vector<512x128xf32>, vector<128x128xf32>, vector<512x128xf32> -> vector<512x128xf32>
    %get3A_85 = arith.constant 0 : index
    %get3A_86 = arith.constant 640 : index
    %get3A_87 = vector.load %arg3[%get3A_85, %get3A_86] : memref<512x1408xf32, #tpu.memory_space<vmem>>, vector<512x128xf32>
    %slice3A_88 = vector.extract_strided_slice %exp3A {offsets = [0, 3], sizes = [512, 1], strides = [1, 1]} : vector<512x8xf32> to vector<512x1xf32>
    %mul3A_89 = vector.broadcast %slice3A_88 : vector<512x1xf32> to vector<512x128xf32>
    %mul3A_90 = arith.mulf %mul3A_89, %get3A_1 : vector<512x128xf32>
    %add3A_91 = arith.addf %get3A_87, %mul3A_90 : vector<512x128xf32>
    %slice3A_92 = vector.extract_strided_slice %add3A_40 {offsets = [0, 3], sizes = [512, 1], strides = [1, 1]} : vector<512x8xf32> to vector<512x1xf32>
    %div3A_93 = vector.broadcast %slice3A_92 : vector<512x1xf32> to vector<512x128xf32>
    %div3A_94 = arith.divf %add3A_91, %div3A_93 : vector<512x128xf32>
    %get3A_95 = arith.constant 0 : index
    %get3A_96 = arith.constant 384 : index
    %get3A_97 = vector.load %arg5[%get3A_95, %get3A_96] : memref<128x1024xf32, #tpu.memory_space<vmem>>, vector<128x128xf32>
    %dot_general3A_98 = arith.constant dense<0.000000e+00> : vector<512x128xf32>
    %dot_general3A_99 = tpu.matmul %div3A_94, %get3A_97, %dot_general3A_98 {dimension_numbers = #tpu.dot_dimension_numbers<[1], [0], [0], [1], [0, 0, 1, 1], [], []>, transpose_lhs_hint = false} : vector<512x128xf32>, vector<128x128xf32>, vector<512x128xf32> -> vector<512x128xf32>
    %get3A_100 = arith.constant 0 : index
    %get3A_101 = arith.constant 768 : index
    %get3A_102 = vector.load %arg3[%get3A_100, %get3A_101] : memref<512x1408xf32, #tpu.memory_space<vmem>>, vector<512x128xf32>
    %slice3A_103 = vector.extract_strided_slice %exp3A {offsets = [0, 4], sizes = [512, 1], strides = [1, 1]} : vector<512x8xf32> to vector<512x1xf32>
    %mul3A_104 = vector.broadcast %slice3A_103 : vector<512x1xf32> to vector<512x128xf32>
    %mul3A_105 = arith.mulf %mul3A_104, %get3A_1 : vector<512x128xf32>
    %add3A_106 = arith.addf %get3A_102, %mul3A_105 : vector<512x128xf32>
    %slice3A_107 = vector.extract_strided_slice %add3A_40 {offsets = [0, 4], sizes = [512, 1], strides = [1, 1]} : vector<512x8xf32> to vector<512x1xf32>
    %div3A_108 = vector.broadcast %slice3A_107 : vector<512x1xf32> to vector<512x128xf32>
    %div3A_109 = arith.divf %add3A_106, %div3A_108 : vector<512x128xf32>
    %get3A_110 = arith.constant 0 : index
    %get3A_111 = arith.constant 512 : index
    %get3A_112 = vector.load %arg5[%get3A_110, %get3A_111] : memref<128x1024xf32, #tpu.memory_space<vmem>>, vector<128x128xf32>
    %dot_general3A_113 = arith.constant dense<0.000000e+00> : vector<512x128xf32>
    %dot_general3A_114 = tpu.matmul %div3A_109, %get3A_112, %dot_general3A_113 {dimension_numbers = #tpu.dot_dimension_numbers<[1], [0], [0], [1], [0, 0, 1, 1], [], []>, transpose_lhs_hint = false} : vector<512x128xf32>, vector<128x128xf32>, vector<512x128xf32> -> vector<512x128xf32>
    %get3A_115 = arith.constant 0 : index
    %get3A_116 = arith.constant 896 : index
    %get3A_117 = vector.load %arg3[%get3A_115, %get3A_116] : memref<512x1408xf32, #tpu.memory_space<vmem>>, vector<512x128xf32>
    %slice3A_118 = vector.extract_strided_slice %exp3A {offsets = [0, 5], sizes = [512, 1], strides = [1, 1]} : vector<512x8xf32> to vector<512x1xf32>
    %mul3A_119 = vector.broadcast %slice3A_118 : vector<512x1xf32> to vector<512x128xf32>
    %mul3A_120 = arith.mulf %mul3A_119, %get3A_1 : vector<512x128xf32>
    %add3A_121 = arith.addf %get3A_117, %mul3A_120 : vector<512x128xf32>
    %slice3A_122 = vector.extract_strided_slice %add3A_40 {offsets = [0, 5], sizes = [512, 1], strides = [1, 1]} : vector<512x8xf32> to vector<512x1xf32>
    %div3A_123 = vector.broadcast %slice3A_122 : vector<512x1xf32> to vector<512x128xf32>
    %div3A_124 = arith.divf %add3A_121, %div3A_123 : vector<512x128xf32>
    %get3A_125 = arith.constant 0 : index
    %get3A_126 = arith.constant 640 : index
    %get3A_127 = vector.load %arg5[%get3A_125, %get3A_126] : memref<128x1024xf32, #tpu.memory_space<vmem>>, vector<128x128xf32>
    %dot_general3A_128 = arith.constant dense<0.000000e+00> : vector<512x128xf32>
    %dot_general3A_129 = tpu.matmul %div3A_124, %get3A_127, %dot_general3A_128 {dimension_numbers = #tpu.dot_dimension_numbers<[1], [0], [0], [1], [0, 0, 1, 1], [], []>, transpose_lhs_hint = false} : vector<512x128xf32>, vector<128x128xf32>, vector<512x128xf32> -> vector<512x128xf32>
    %get3A_130 = arith.constant 0 : index
    %get3A_131 = arith.constant 1024 : index
    %get3A_132 = vector.load %arg3[%get3A_130, %get3A_131] : memref<512x1408xf32, #tpu.memory_space<vmem>>, vector<512x128xf32>
    %slice3A_133 = vector.extract_strided_slice %exp3A {offsets = [0, 6], sizes = [512, 1], strides = [1, 1]} : vector<512x8xf32> to vector<512x1xf32>
    %mul3A_134 = vector.broadcast %slice3A_133 : vector<512x1xf32> to vector<512x128xf32>
    %mul3A_135 = arith.mulf %mul3A_134, %get3A_1 : vector<512x128xf32>
    %add3A_136 = arith.addf %get3A_132, %mul3A_135 : vector<512x128xf32>
    %slice3A_137 = vector.extract_strided_slice %add3A_40 {offsets = [0, 6], sizes = [512, 1], strides = [1, 1]} : vector<512x8xf32> to vector<512x1xf32>
    %div3A_138 = vector.broadcast %slice3A_137 : vector<512x1xf32> to vector<512x128xf32>
    %div3A_139 = arith.divf %add3A_136, %div3A_138 : vector<512x128xf32>
    %get3A_140 = arith.constant 0 : index
    %get3A_141 = arith.constant 768 : index
    %get3A_142 = vector.load %arg5[%get3A_140, %get3A_141] : memref<128x1024xf32, #tpu.memory_space<vmem>>, vector<128x128xf32>
    %dot_general3A_143 = arith.constant dense<0.000000e+00> : vector<512x128xf32>
    %dot_general3A_144 = tpu.matmul %div3A_139, %get3A_142, %dot_general3A_143 {dimension_numbers = #tpu.dot_dimension_numbers<[1], [0], [0], [1], [0, 0, 1, 1], [], []>, transpose_lhs_hint = false} : vector<512x128xf32>, vector<128x128xf32>, vector<512x128xf32> -> vector<512x128xf32>
    %get3A_145 = arith.constant 0 : index
    %get3A_146 = arith.constant 1152 : index
    %get3A_147 = vector.load %arg3[%get3A_145, %get3A_146] : memref<512x1408xf32, #tpu.memory_space<vmem>>, vector<512x128xf32>
    %slice3A_148 = vector.extract_strided_slice %exp3A {offsets = [0, 7], sizes = [512, 1], strides = [1, 1]} : vector<512x8xf32> to vector<512x1xf32>
    %mul3A_149 = vector.broadcast %slice3A_148 : vector<512x1xf32> to vector<512x128xf32>
    %mul3A_150 = arith.mulf %mul3A_149, %get3A_1 : vector<512x128xf32>
    %add3A_151 = arith.addf %get3A_147, %mul3A_150 : vector<512x128xf32>
    %slice3A_152 = vector.extract_strided_slice %add3A_40 {offsets = [0, 7], sizes = [512, 1], strides = [1, 1]} : vector<512x8xf32> to vector<512x1xf32>
    %div3A_153 = vector.broadcast %slice3A_152 : vector<512x1xf32> to vector<512x128xf32>
    %div3A_154 = arith.divf %add3A_151, %div3A_153 : vector<512x128xf32>
    %get3A_155 = arith.constant 0 : index
    %get3A_156 = arith.constant 896 : index
    %get3A_157 = vector.load %arg5[%get3A_155, %get3A_156] : memref<128x1024xf32, #tpu.memory_space<vmem>>, vector<128x128xf32>
    %dot_general3A_158 = arith.constant dense<0.000000e+00> : vector<512x128xf32>
    %dot_general3A_159 = tpu.matmul %div3A_154, %get3A_157, %dot_general3A_158 {dimension_numbers = #tpu.dot_dimension_numbers<[1], [0], [0], [1], [0, 0, 1, 1], [], []>, transpose_lhs_hint = false} : vector<512x128xf32>, vector<128x128xf32>, vector<512x128xf32> -> vector<512x128xf32>
    %concatenate3A = tpu.concatenate %dot_general3A_54, %dot_general3A_69, %dot_general3A_84, %dot_general3A_99, %dot_general3A_114, %dot_general3A_129, %dot_general3A_144, %dot_general3A_159 in 1 : vector<512x128xf32>, vector<512x128xf32>, vector<512x128xf32>, vector<512x128xf32>, vector<512x128xf32>, vector<512x128xf32>, vector<512x128xf32>, vector<512x128xf32> -> vector<512x1024xf32>
    %get3A_160 = arith.constant 0 : index
    %get3A_161 = arith.constant 0 : index
    %get3A_162 = vector.load %arg10[%get3A_160, %get3A_161] : memref<8x128xf32, #tpu.memory_space<vmem>>, vector<8x128xf32>
    %reshape3A = vector.shape_cast %get3A_162 : vector<8x128xf32> to vector<1x1024xf32>
    %add3A_163 = vector.broadcast %reshape3A : vector<1x1024xf32> to vector<512x1024xf32>
    %add3A_164 = arith.addf %concatenate3A, %add3A_163 : vector<512x1024xf32>
    %max3A_165 = arith.constant 0.000000e+00 : f32
    %max3A_166 = vector.broadcast %max3A_165 : f32 to vector<512x1024xf32>
    %max3A_167 = arith.maximumf %add3A_164, %max3A_166 : vector<512x1024xf32>
    %get3A_168 = arith.constant 1 : index
    %get3A_169 = arith.constant 0 : index
    %get3A_170 = vector.load %arg11[%get3A_168, %get3A_169] : memref<8x128xf32, #tpu.memory_space<vmem>>, vector<1x128xf32>
    %get3A_171 = arith.constant 0 : index
    %get3A_172 = arith.constant 0 : index
    %get3A_173 = vector.load %arg6[%get3A_171, %get3A_172] : memref<1024x128xf32, #tpu.memory_space<vmem>>, vector<1024x128xf32>
    %dot_general3A_174 = arith.constant dense<0.000000e+00> : vector<512x128xf32>
    %dot_general3A_175 = tpu.matmul %max3A_167, %get3A_173, %dot_general3A_174 {dimension_numbers = #tpu.dot_dimension_numbers<[1], [0], [0], [1], [0, 0, 1, 1], [], []>, transpose_lhs_hint = false} : vector<512x1024xf32>, vector<1024x128xf32>, vector<512x128xf32> -> vector<512x128xf32>
    %add3A_176 = vector.broadcast %get3A_170 : vector<1x128xf32> to vector<512x128xf32>
    %add3A_177 = arith.addf %dot_general3A_175, %add3A_176 : vector<512x128xf32>
    %get3A_178 = arith.constant 0 : index
    %get3A_179 = arith.constant 0 : index
    %get3A_180 = vector.load %arg3[%get3A_178, %get3A_179] : memref<512x1408xf32, #tpu.memory_space<vmem>>, vector<512x128xf32>
    %max3A_181 = arith.constant 1.000000e+00 : f32
    %max3A_182 = vector.broadcast %max3A_181 : f32 to vector<512x1xf32>
    %max3A_183 = arith.maximumf %slice3A, %max3A_182 : vector<512x1xf32>
    %div3A_184 = vector.broadcast %max3A_183 : vector<512x1xf32> to vector<512x128xf32>
    %div3A_185 = arith.divf %get3A_180, %div3A_184 : vector<512x128xf32>
    %get3A_186 = arith.constant 2 : index
    %get3A_187 = arith.constant 0 : index
    %get3A_188 = vector.load %arg11[%get3A_186, %get3A_187] : memref<8x128xf32, #tpu.memory_space<vmem>>, vector<1x128xf32>
    %get3A_189 = arith.constant 0 : index
    %get3A_190 = arith.constant 0 : index
    %get3A_191 = vector.load %arg7[%get3A_189, %get3A_190] : memref<128x128xf32, #tpu.memory_space<vmem>>, vector<128x128xf32>
    %dot_general3A_192 = arith.constant dense<0.000000e+00> : vector<512x128xf32>
    %dot_general3A_193 = tpu.matmul %div3A_185, %get3A_191, %dot_general3A_192 {dimension_numbers = #tpu.dot_dimension_numbers<[1], [0], [0], [1], [0, 0, 1, 1], [], []>, transpose_lhs_hint = false} : vector<512x128xf32>, vector<128x128xf32>, vector<512x128xf32> -> vector<512x128xf32>
    %add3A_194 = vector.broadcast %get3A_188 : vector<1x128xf32> to vector<512x128xf32>
    %add3A_195 = arith.addf %dot_general3A_193, %add3A_194 : vector<512x128xf32>
    %get3A_196 = arith.constant 0 : index
    %get3A_197 = arith.constant 0 : index
    %get3A_198 = vector.load %arg8[%get3A_196, %get3A_197] : memref<128x128xf32, #tpu.memory_space<vmem>>, vector<128x128xf32>
    %dot_general3A_199 = arith.constant dense<0.000000e+00> : vector<512x128xf32>
    %dot_general3A_200 = tpu.matmul %get3A_1, %get3A_198, %dot_general3A_199 {dimension_numbers = #tpu.dot_dimension_numbers<[1], [0], [0], [1], [0, 0, 1, 1], [], []>, transpose_lhs_hint = false} : vector<512x128xf32>, vector<128x128xf32>, vector<512x128xf32> -> vector<512x128xf32>
    %add3A_201 = arith.addf %add3A_195, %dot_general3A_200 : vector<512x128xf32>
    %max3A_202 = arith.constant 0.000000e+00 : f32
    %max3A_203 = vector.broadcast %max3A_202 : f32 to vector<512x128xf32>
    %max3A_204 = arith.maximumf %add3A_201, %max3A_203 : vector<512x128xf32>
    %get3A_205 = arith.constant 6 : index
    %get3A_206 = arith.constant 0 : index
    %get3A_207 = vector.load %arg11[%get3A_205, %get3A_206] : memref<8x128xf32, #tpu.memory_space<vmem>>, vector<1x1xf32>
    %get3A_208 = vector.extract %get3A_207[0, 0] : f32 from vector<1x1xf32>
    %get3A_209 = arith.constant 6 : index
    %get3A_210 = arith.constant 1 : index
    %get3A_211 = vector.load %arg11[%get3A_209, %get3A_210] : memref<8x128xf32, #tpu.memory_space<vmem>>, vector<1x1xf32>
    %get3A_212 = vector.extract %get3A_211[0, 0] : f32 from vector<1x1xf32>
    %get3A_213 = arith.constant 6 : index
    %get3A_214 = arith.constant 2 : index
    %get3A_215 = vector.load %arg11[%get3A_213, %get3A_214] : memref<8x128xf32, #tpu.memory_space<vmem>>, vector<1x1xf32>
    %get3A_216 = vector.extract %get3A_215[0, 0] : f32 from vector<1x1xf32>
    %mul3A_217 = vector.broadcast %get3A_208 : f32 to vector<512x128xf32>
    %mul3A_218 = arith.mulf %mul3A_217, %max3A_30 : vector<512x128xf32>
    %mul3A_219 = vector.broadcast %get3A_212 : f32 to vector<512x128xf32>
    %mul3A_220 = arith.mulf %mul3A_219, %add3A_177 : vector<512x128xf32>
    %add3A_221 = arith.addf %mul3A_218, %mul3A_220 : vector<512x128xf32>
    %mul3A_222 = vector.broadcast %get3A_216 : f32 to vector<512x128xf32>
    %mul3A_223 = arith.mulf %mul3A_222, %max3A_204 : vector<512x128xf32>
    %add3A_224 = arith.addf %add3A_221, %mul3A_223 : vector<512x128xf32>
    %reduce_sum3A = arith.constant dense<0.000000e+00> : vector<512xf32>
    %reduce_sum3A_225 = vector.multi_reduction <add>, %add3A_224, %reduce_sum3A [1] : vector<512x128xf32> to vector<512xf32>
    %broadcast_in_dim3A = vector.shape_cast %reduce_sum3A_225 : vector<512xf32> to vector<512x1xf32>
    %div3A_226 = arith.constant 1.280000e+02 : f32
    %div3A_227 = vector.broadcast %div3A_226 : f32 to vector<512x1xf32>
    %div3A_228 = arith.divf %broadcast_in_dim3A, %div3A_227 : vector<512x1xf32>
    %sub3A = vector.broadcast %div3A_228 : vector<512x1xf32> to vector<512x128xf32>
    %sub3A_229 = arith.subf %add3A_224, %sub3A : vector<512x128xf32>
    %integer_pow3A = arith.mulf %sub3A_229, %sub3A_229 : vector<512x128xf32>
    %reduce_sum3A_230 = arith.constant dense<0.000000e+00> : vector<512xf32>
    %reduce_sum3A_231 = vector.multi_reduction <add>, %integer_pow3A, %reduce_sum3A_230 [1] : vector<512x128xf32> to vector<512xf32>
    %broadcast_in_dim3A_232 = vector.shape_cast %reduce_sum3A_231 : vector<512xf32> to vector<512x1xf32>
    %div3A_233 = arith.constant 1.280000e+02 : f32
    %div3A_234 = vector.broadcast %div3A_233 : f32 to vector<512x1xf32>
    %div3A_235 = arith.divf %broadcast_in_dim3A_232, %div3A_234 : vector<512x1xf32>
    %get3A_236 = arith.constant 3 : index
    %get3A_237 = arith.constant 0 : index
    %get3A_238 = vector.load %arg11[%get3A_236, %get3A_237] : memref<8x128xf32, #tpu.memory_space<vmem>>, vector<1x128xf32>
    %get3A_239 = arith.constant 4 : index
    %get3A_240 = arith.constant 0 : index
    %get3A_241 = vector.load %arg11[%get3A_239, %get3A_240] : memref<8x128xf32, #tpu.memory_space<vmem>>, vector<1x128xf32>
    %sub3A_242 = vector.broadcast %div3A_228 : vector<512x1xf32> to vector<512x128xf32>
    %sub3A_243 = arith.subf %add3A_224, %sub3A_242 : vector<512x128xf32>
    %add3A_244 = arith.constant 9.99999974E-6 : f32
    %add3A_245 = vector.broadcast %add3A_244 : f32 to vector<512x1xf32>
    %add3A_246 = arith.addf %div3A_235, %add3A_245 : vector<512x1xf32>
    %rsqrt3A_247 = math.rsqrt %add3A_246 : vector<512x1xf32>
    %mul3A_248 = vector.broadcast %rsqrt3A_247 : vector<512x1xf32> to vector<512x128xf32>
    %mul3A_249 = arith.mulf %sub3A_243, %mul3A_248 : vector<512x128xf32>
    %mul3A_250 = vector.broadcast %get3A_238 : vector<1x128xf32> to vector<512x128xf32>
    %mul3A_251 = arith.mulf %mul3A_249, %mul3A_250 : vector<512x128xf32>
    %add3A_252 = vector.broadcast %get3A_241 : vector<1x128xf32> to vector<512x128xf32>
    %add3A_253 = arith.addf %mul3A_251, %add3A_252 : vector<512x128xf32>
    %get3A_254 = arith.constant 5 : index
    %get3A_255 = arith.constant 0 : index
    %get3A_256 = vector.load %arg11[%get3A_254, %get3A_255] : memref<8x128xf32, #tpu.memory_space<vmem>>, vector<1x128xf32>
    %get3A_257 = arith.constant 0 : index
    %get3A_258 = arith.constant 0 : index
    %get3A_259 = vector.load %arg9[%get3A_257, %get3A_258] : memref<256x128xf32, #tpu.memory_space<vmem>>, vector<128x128xf32>
    %dot_general3A_260 = arith.constant dense<0.000000e+00> : vector<512x128xf32>
    %dot_general3A_261 = tpu.matmul %add3A_253, %get3A_259, %dot_general3A_260 {dimension_numbers = #tpu.dot_dimension_numbers<[1], [0], [0], [1], [0, 0, 1, 1], [], []>, transpose_lhs_hint = false} : vector<512x128xf32>, vector<128x128xf32>, vector<512x128xf32> -> vector<512x128xf32>
    %get3A_262 = arith.constant 128 : index
    %get3A_263 = arith.constant 0 : index
    %get3A_264 = vector.load %arg9[%get3A_262, %get3A_263] : memref<256x128xf32, #tpu.memory_space<vmem>>, vector<128x128xf32>
    %dot_general3A_265 = arith.constant dense<0.000000e+00> : vector<512x128xf32>
    %dot_general3A_266 = tpu.matmul %get3A_1, %get3A_264, %dot_general3A_265 {dimension_numbers = #tpu.dot_dimension_numbers<[1], [0], [0], [1], [0, 0, 1, 1], [], []>, transpose_lhs_hint = false} : vector<512x128xf32>, vector<128x128xf32>, vector<512x128xf32> -> vector<512x128xf32>
    %add3A_267 = arith.addf %dot_general3A_261, %dot_general3A_266 : vector<512x128xf32>
    %add3A_268 = vector.broadcast %get3A_256 : vector<1x128xf32> to vector<512x128xf32>
    %add3A_269 = arith.addf %add3A_267, %add3A_268 : vector<512x128xf32>
    %add3A_270 = arith.addf %add3A_269, %get3A_1 : vector<512x128xf32>
    %max3A_271 = arith.constant 0.000000e+00 : f32
    %max3A_272 = vector.broadcast %max3A_271 : f32 to vector<512x128xf32>
    %max3A_273 = arith.maximumf %add3A_270, %max3A_272 : vector<512x128xf32>
    %swap3A = arith.constant 0 : index
    %swap3A_274 = arith.constant 0 : index
    %swap3A_275 = vector.load %arg12[%swap3A, %swap3A_274] : memref<512x128xf32, #tpu.memory_space<vmem>>, vector<512x128xf32>
    tpu.vector_store %arg12[%swap3A, %swap3A_274], %max3A_273 {strides = array<i32>} : memref<512x128xf32, #tpu.memory_space<vmem>>, vector<512x128xf32>,
    return
  }
  func.func @transform_0(%arg0: i32) -> (i32, i32) {
    %c0_i32 = arith.constant 0 : i32
    %c0_i32_0 = arith.constant 0 : i32
    return %arg0, %c0_i32 : i32, i32
  }
  func.func @transform_1(%arg0: i32) -> (i32, i32) {
    %c0_i32 = arith.constant 0 : i32
    %c0_i32_0 = arith.constant 0 : i32
    return %arg0, %c0_i32 : i32, i32
  }
  func.func @transform_2(%arg0: i32) -> (i32, i32) {
    %c0_i32 = arith.constant 0 : i32
    %c0_i32_0 = arith.constant 0 : i32
    return %arg0, %c0_i32 : i32, i32
  }
  func.func @transform_3(%arg0: i32) -> (i32, i32) {
    %c0_i32 = arith.constant 0 : i32
    %c0_i32_0 = arith.constant 0 : i32
    %c0_i32_1 = arith.constant 0 : i32
    return %c0_i32, %c0_i32_0 : i32, i32
  }
  func.func @transform_4(%arg0: i32) -> (i32, i32) {
    %c0_i32 = arith.constant 0 : i32
    %c0_i32_0 = arith.constant 0 : i32
    %c0_i32_1 = arith.constant 0 : i32
    return %c0_i32, %c0_i32_0 : i32, i32
  }
  func.func @transform_5(%arg0: i32) -> (i32, i32) {
    %c0_i32 = arith.constant 0 : i32
    %c0_i32_0 = arith.constant 0 : i32
    %c0_i32_1 = arith.constant 0 : i32
    return %c0_i32, %c0_i32_0 : i32, i32
  }
  func.func @transform_6(%arg0: i32) -> (i32, i32) {
    %c0_i32 = arith.constant 0 : i32
    %c0_i32_0 = arith.constant 0 : i32
    %c0_i32_1 = arith.constant 0 : i32
    return %c0_i32, %c0_i32_0 : i32, i32
  }
  func.func @transform_7(%arg0: i32) -> (i32, i32) {
    %c0_i32 = arith.constant 0 : i32
    %c0_i32_0 = arith.constant 0 : i32
    %c0_i32_1 = arith.constant 0 : i32
    return %c0_i32, %c0_i32_0 : i32, i32
  }
  func.func @transform_8(%arg0: i32) -> (i32, i32) {
    %c0_i32 = arith.constant 0 : i32
    %c0_i32_0 = arith.constant 0 : i32
    %c0_i32_1 = arith.constant 0 : i32
    return %c0_i32, %c0_i32_0 : i32, i32
  }
  func.func @transform_9(%arg0: i32) -> (i32, i32) {
    %c0_i32 = arith.constant 0 : i32
    %c0_i32_0 = arith.constant 0 : i32
    %c0_i32_1 = arith.constant 0 : i32
    return %c0_i32, %c0_i32_0 : i32, i32
  }
  func.func @transform_10(%arg0: i32) -> (i32, i32) {
    %c0_i32 = arith.constant 0 : i32
    %c0_i32_0 = arith.constant 0 : i32
    %c0_i32_1 = arith.constant 0 : i32
    return %c0_i32, %c0_i32_0 : i32, i32
  }
  func.func @transform_11(%arg0: i32) -> (i32, i32) {
    %c0_i32 = arith.constant 0 : i32
    %c0_i32_0 = arith.constant 0 : i32
    return %arg0, %c0_i32 : i32, i32
  }
}

</mosaic_0001>

<sc_bundles>
// kernel: kernel.6.cloned.1.call-start
scs
__scs_entry_jumppad:
0x0: {  	(pc) =	sbr.rel $0x88, $3  }
0x1: {  	(tag) =	ssettag $0x0;
	lr =	simm.s32 $0x1  }
0x2: {  	[smem:$0x3F8F] =	sst lr;
	_ =	strace $0xD0000000  }
0x3: {  	_ = 	snop  }
0x4: {  	_ = 	snop  }
0x5: {  	_ = 	snop  }
0x6: {  	_ = 	snop  }
0x7: {  	_ = 	snop  }
__scs_overlays_trampoline_lowered:
0x8: {  	[smem:$0x3F9E] =	sst s0  }
0x9: {  	[smem:$0x3F9F] =	sst s1  }
0xa: {  	[smem:$0x3FA0] =	sst s2  }
0xb: {  	[smem:$0x3FA1] =	sst s3  }
0xc: {  	[smem:$0x3FA2] =	sst s4  }
0xd: {  	[smem:$0x3FA3] =	sst s5  }
0xe: {  	[smem:$0x3FA4] =	sst s6  }
0xf: {  	[smem:$0x3FA5] =	sst s7  }
0x10: {  	[smem:$0x3FA6] =	sst s8  }
0x11: {  	[smem:$0x3FA7] =	sst s9;
	s0 =	simm.s32 @!p0 $0x0  }
0x12: {  	s1 =	sld [smem:$0x3F8D];
	s0 =	simm.s32 @p0 $0x1  }
0x13: {  	[smem:$0x3FA8] =	sst s0;
	s0 =	simm.s32 @!p1 $0x0  }
0x14: {  	s2 =	sld [smem:$0x3F8C];
	s0 =	simm.s32 @p1 $0x1  }
0x15: {  	[smem:$0x3FA9] =	sst s0;
	s0 =	simm.s32 @!p2 $0x0  }
0x16: {  	s3 =	sld [smem:$0x3FDB];
	s0 =	simm.s32 @p2 $0x1  }
0x17: {  	s4 =	simm.s32 $0x1BF5;
	[smem:$0x3FAB] =	sst s0  }
0x18: {  	s0 =	sld [smem:$0x3F8E];
	_ =	swait.ge [sflag:s4], $0x0  }
0x19: {  	s7 =	sld [smem:$0x3F8F]  }
0x1a: {  	s8 =	sadd.s32 $0xFFFFE003, lr  }
0x1b: {  	s9 =	sadd.s32 $0xFFFFFEF7, lr;
	s5 =	simm.s32 $0xFFFFFFFF;
	p2 =	slt.u32 s8, $0xFFFFF086  }
0x1c: {  	p1 =	slt.u32 s9, $0xF7A;
	s5 =	simm.s32 @!p2 $0x0  }
0x1d: {  	s5 =	simm.s32 @p1 $0x1;
	p0 =	seq.s32 s7, s2  }
0x1e: {  	s7 =	smul.u32 @!p0 $0xF7A, s2;
	p2 =	seq.s32 @!p0 s5, $0x0  }
0x1f: {  	s9 =	smul.u32 $0xF7A, s1;
	s8 =	simm.s32 @!p0 $0x1BF5;
	p2 =	por !p2, p0  }
0x20: {  	[sflag:s8] =	ssyncset.s32 @!p0 $0xFFFFF086;
	s6 =	sadd.s32 @!p0 s3, s7;
	s7 =	simm.s32 @!p0 $0x108  }
0x21: {  	s3 =	sadd.s32 s3, s9;
	s6 =	sadd.s32 @!p0 $0x88, s6;
	s7 =	simm.s32 @p2 $0x1082  }
0x22: {  	[simem:s7], [sflag:s8] =	dma.local @!p0 [hbm:s6], $0xF7A  }
0x23: {  	s9 =	sor.u32 $0xD0000000, s2;
	s6 =	simm.s32 $0x108;
	_ =	swait.ge @!p0 [sflag:s8], $0x0  }
0x24: {  	s3 =	sadd.s32 $0x88, s3;
	s6 =	simm.s32 @!p1 $0x1082;
	[sflag:s4] =	ssyncset.s32 $0xFFFFF086  }
0x25: {  	[simem:s6], [sflag:s4] =	dma.local [hbm:s3], $0xF7A  }
0x26: {  	[smem:$0x3F8F] =	sst s1;
	(tag) =	ssettag s2;
	_ =	strace s9  }
0x27: {  	s1 =	sld [smem:$0x3F9F]  }
0x28: {  	s2 =	sld [smem:$0x3FA0]  }
0x29: {  	s4 =	sld [smem:$0x3FA2]  }
0x2a: {  	p0 =	seq.s32 s5, $0x0;
	s5 =	sld [smem:$0x3FA3]  }
0x2b: {  	s6 =	sld [smem:$0x3FA4]  }
0x2c: {  	s7 =	sld [smem:$0x3FA5]  }
0x2d: {  	s3 =	simm.s32 $0x108;
	s8 =	sld [smem:$0x3FA6]  }
0x2e: {  	s3 =	simm.s32 @!p0 $0x1082;
	s9 =	sld [smem:$0x3FA7]  }
0x2f: {  	lr =	sadd.s32 s0, s3;
	s0 =	sld [smem:$0x3F9E]  }
0x30: {  	s3 =	sld [smem:$0x3FA1]  }
0x31: {  	[smem:$0x3FAA] =	sst s10  }
0x32: {  	s10 =	sld [smem:$0x3FA8];
	_ =	sdelay $0x3  }
0x33: {  	p0 =	seq.s32 s10, $0x1;
	s10 =	sld [smem:$0x3FAA];
	_ =	sdelay $0x3  }
0x34: {  	[smem:$0x3FAA] =	sst s10  }
0x35: {  	s10 =	sld [smem:$0x3FA9];
	_ =	sdelay $0x3  }
0x36: {  	p1 =	seq.s32 s10, $0x1;
	s10 =	sld [smem:$0x3FAA];
	_ =	sdelay $0x3  }
0x37: {  	[smem:$0x3FAA] =	sst s10  }
0x38: {  	s10 =	sld [smem:$0x3FAB]  }
0x39: {  	_ = 	snop;
	(pc) =	sbr.ind lr, $3  }
0x3a: {  	_ = 	snop  }
0x3b: {  	_ = 	snop  }
0x3c: {  	p2 =	seq.s32 s10, $0x1;
	s10 =	sld [smem:$0x3FAA]  }
0x3d: {  	_ =	shalt  }
0x3e: {  	_ =	shalt  }
0x3f: {  	_ =	shalt  }
0x40: {  	_ =	shalt  }
0x41: {  	_ =	shalt  }
0x42: {  	_ =	shalt  }
0x43: {  	_ =	shalt  }
0x44: {  	_ =	shalt  }
0x45: {  	_ =	shalt  }
0x46: {  	_ =	shalt  }
0x47: {  	_ =	shalt  }
0x48: {  	_ =	shalt  }
0x49: {  	_ =	shalt  }
0x4a: {  	_ =	shalt  }
0x4b: {  	_ =	shalt  }
0x4c: {  	_ =	shalt  }
0x4d: {  	_ =	shalt  }
0x4e: {  	_ =	shalt  }
0x4f: {  	_ =	shalt  }
0x50: {  	_ =	shalt  }
0x51: {  	_ =	shalt  }
0x52: {  	_ =	shalt  }
0x53: {  	_ =	shalt  }
0x54: {  	_ =	shalt  }
0x55: {  	_ =	shalt  }
0x56: {  	_ =	shalt  }
0x57: {  	_ =	shalt  }
0x58: {  	_ =	shalt  }
0x59: {  	_ =	shalt  }
0x5a: {  	_ =	shalt  }
0x5b: {  	_ =	shalt  }
0x5c: {  	_ =	shalt  }
0x5d: {  	_ =	shalt  }
0x5e: {  	_ =	shalt  }
0x5f: {  	_ =	shalt  }
0x60: {  	_ =	shalt  }
0x61: {  	_ =	shalt  }
0x62: {  	_ =	shalt  }
0x63: {  	_ =	shalt  }
0x64: {  	_ =	shalt  }
0x65: {  	_ =	shalt  }
0x66: {  	_ =	shalt  }
0x67: {  	_ =	shalt  }
0x68: {  	_ =	shalt  }
0x69: {  	_ =	shalt  }
0x6a: {  	_ =	shalt  }
0x6b: {  	_ =	shalt  }
0x6c: {  	_ =	shalt  }
0x6d: {  	_ =	shalt  }
0x6e: {  	_ =	shalt  }
0x6f: {  	_ =	shalt  }
0x70: {  	_ =	shalt  }
0x71: {  	_ =	shalt  }
0x72: {  	_ =	shalt  }
0x73: {  	_ =	shalt  }
0x74: {  	_ =	shalt  }
0x75: {  	_ =	shalt  }
0x76: {  	_ =	shalt  }
0x77: {  	_ =	shalt  }
0x78: {  	_ =	shalt  }
0x79: {  	_ =	shalt  }
0x7a: {  	_ =	shalt  }
0x7b: {  	_ =	shalt  }
0x7c: {  	_ =	shalt  }
0x7d: {  	_ =	shalt  }
0x7e: {  	_ =	shalt  }
0x7f: {  	_ =	shalt  }
0x80: {  	_ =	shalt  }
0x81: {  	_ =	shalt  }
0x82: {  	_ =	shalt  }
0x83: {  	_ =	shalt  }
0x84: {  	_ =	shalt  }
0x85: {  	_ =	shalt  }
0x86: {  	_ =	shalt  }
0x87: {  	_ =	shalt  }
.Lfunc_end0:
.L_simem_size_0:
called_computation_lowered:
.L_overlay_start_0:
0x88: {  	s2 =	sld [smem:$0x3FD9]  }
0x89: {  	s3 =	sld [smem:$0x3FFE];
	_ =	sdelay $0x1  }
0x8a: {  	s1 =	srdreg.scid  }
0x8b: {  	s0 =	sand.u32 $0x1, s1  }
0x8c: {  	s17 =	sshll.u32 s0, $0xA;
	s2 =	sadd.s32 s3, s2  }
0x8d: {  	s2 =	sadd.s32 s2, s17  }
0x8e: {  	[smem:$0x3FB6] =	sst s2  }
0x8f: {  	_ = 	snop  }
0x90: {  	s2 =	sld [smem:$0x3FD0];
	(tm) =	ssettm $0x1  }
0x91: {  	s18 =	sld [smem:$0x3FFB];
	_ =	sdelay $0x3  }
0x92: {  	_ =	strace s18  }
0x93: {  	s3 =	sld [smem:$0x3FFC];
	_ =	sdelay $0x3  }
0x94: {  	_ =	strace s3  }
0x95: {  	s3 =	sld [smem:$0x3FFD];
	_ =	sdelay $0x3  }
0x96: {  	_ =	strace s3  }
0x97: {  	_ =	strace $0x8FFFFFFF  }
0x98: {  	s19 =	sld [smem:$0x3FDB];
	_ =	sdelay $0x1  }
0x99: {  	s4 =	simm.s32 $_scs_section_size  }
0x9a: {  	s5 =	simm.s32 $_size__tile_overlayer_lowered;
	s6 =	simm.s32 $_tile_overlayer_lowered  }
0x9b: {  	s22 =	simm.s32 $0x1BFF;
	s21 =	sshll.u32 s6, $0x1;
	s3 =	sadd.s32 s4, s19  }
0x9c: {  	s7 =	simm.s32 $0x0;
	s20 =	sshll.u32 s5, $0x1;
	s5 =	sadd.s32 s21, s3  }
0x9d: {  	[timem:s7], [sflag:s22] =	dma.local [hbm:s5], s20  }
0x9e: {  	_ =	swait.ge [sflag:s22], s20  }
0x9f: {  	s4 =	ssub.s32 $0x0, s20;
	[sflag:s22] =	ssyncset.done $0x0  }
0xa0: {  	[sflag:s22] =	ssyncadd.s32 s4;
	_ =	sdelay $0x1  }
0xa1: {  	s23 =	simm.s32 $0x1B8B  }
0xa2: {  	_ =	swait.ge [sflag:s23], $0x1  }
0xa3: {  	[sflag:s23] =	ssyncset.done $0x0  }
0xa4: {  	s25 =	simm.s32 $0x1B8E;
	s24 =	sld [smem:$0x3FFE];
	[sflag:s23] =	ssyncadd.s32 $0xFFFFFFFF  }
0xa5: {  	s26 =	simm.s32 $execute0_lowered;
	[smem:$0x3FD2] =	sst s25  }
0xa6: {  	s5 =	sshll.u32 s26, $0x1;
	_ =	strace $0x80000046;
	[dreg:$0x1] =	wrdreg $0xFFFFFFFF  }
0xa7: {  	s28 =	simm.s32 $_size_execute0_lowered;
	s3 =	sadd.s32 s3, s5;
	[dreg:$0x0] =	wrdreg $0x0  }
0xa8: {  	s5 =	sshll.u32 s28, $0x1;
	[dreg:$0x2] =	wrdreg s3  }
0xa9: {  	[dreg:$0x3] =	wrdreg s5  }
0xaa: {  	[dreg:$0x4] =	wrdreg $0xC0  }
0xab: {  	_ =	task [dreg:s7], $0x5FFFF  }
0xac: {  	[dreg:$0x1] =	wrdreg $0xFFFFFFFF  }
0xad: {  	[dreg:$0x0] =	wrdreg $0x60  }
0xae: {  	[dreg:$0x2] =	wrdreg s24  }
0xaf: {  	[dreg:$0x3] =	wrdreg s2  }
0xb0: {  	[dreg:$0x4] =	wrdreg $0x1800  }
0xb1: {  	[dreg:$0x5] =	wrdreg $0x9  }
0xb2: {  	_ =	task.clear_ibuf [dreg:s7], $0x6FFFF;
	_ =	strace $0x90000046  }
0xb3: {  	s29 =	simm.s32 $0x9;
	_ =	strace $0x80000048  }
0xb4: {  	_ =	swait.ge [sflag:s29], $0x1  }
0xb5: {  	[sflag:s29] =	ssyncadd.s32 $0xFFFFFFFF  }
0xb6: {  	_ =	strace $0x90000048  }
0xb7: {  	_ =	sfence  }
0xb8: {  	s30 =	sld [smem:$0x0];
	_ =	sdelay $0x2  }
0xb9: {  	s31 =	sshll.u32 s1, $0xD;
	s1 =	sshrl.u32 s1, $0x2  }
0xba: {  	s3 =	sand.u32 $0x4000, s31;
	s1 =	sadd.s32 s1, s30  }
0xbb: {  	s0 =	sor.u32 s3, s0;
	s1 =	sshll.u32 s1, $0x11  }
0xbc: {  	s0 =	sor.u32 s1, s0  }
0xbd: {  	s0 =	sadd.s32 $0x8F2B, s0  }
0xbe: {  	[sflag:s0] =	ssyncadd.remote.s32 $0x1  }
0xbf: {  	_ =	sfence.sel $0xFFFF  }
0xc0: {  	[dreg:$0x0] =	wrdreg $0xFFFFFFFF;
	(pc) =	sbr.abs _section_cstart, $3  }
0xc1: {  	[dreg:$0x1] =	wrdreg $0xFFFFFFFF  }
0xc2: {  	_ =	task.clear_ibuf [dreg:s7], $0x2FFFF;
	_ =	strace $0x9FFFFFFF  }
0xc3: {  	(tm) =	ssettm $0x7FFFFFFF  }
tec
execute0_lowered:
.L_overlay_start_1:
0x0: {  	(tag) =	ssettag $0x1  }
0x1: {  	s8 =	rddreg [dreg:$0x0]  }
0x2: {  	s6 =	rddreg [dreg:$0x1]  }
0x3: {  	s1 =	rddreg [dreg:$0x2];
	s2 =	srdreg.scid  }
0x4: {  	s0 =	rddreg [dreg:$0x3];
	s5 =	sand.u32 $0x1, s2  }
0x5: {  	s3 =	simm.s32 $0x0;
	s2 =	stileid.u32;
	s7 =	smul.u32 $0x2A00, s5  }
0x6: {  	s14 =	simm.s32 $0x0;
	[smem:$0x7FF] =	sst s3;
	s9 =	smul.u32 $0x2A0, s2  }
0x7: {  	s4 =	sadd.s32 $0x5000, s8;
	_ =	strace $0x80000047;
	s11 =	smul.u32 $0x2800, s2  }
0x8: {  	s10 =	ssub.s32 $0x2, s5;
	s13 =	sshll.u32 s2, $0xA;
	s5 =	smul.u32 $0x1400, s5  }
0x9: {  	s30 =	sshll.u32 s2, $0x6;
	s12 =	sshrl.u32 s10, $0x1;
	s29 =	sadd.s32 s13, s1  }
0xa: {  	s10 =	ssub.s32 s10, s12;
	s7 =	sadd.s32 s9, s7;
	s11 =	sadd.s32 s5, s11  }
0xb: {  	s5 =	sor.u32 $0x1C01, s30;
	s31 =	sadd.s32 s9, s1;
	s9 =	sshrl.u32 s29, $0x3  }
0xc: {  	s12 =	simm.s32 $0x80;
	s7 =	sshrl.u32 s7, $0x3;
	s11 =	sshrl.u32 s11, $0x3  }
0xd: {  	s13 =	sshrl.u32 s31, $0x3;
	s6 =	sadd.s32 s6, s7;
	s7 =	smax.u32 s10, $0x1  }
0xe: {  	v0 =	vimm.f32 $1.000000000e+00;
	s8 =	sadd.s32 s11, s8;
	s10 =	simm.s32 $0x1;
	s11 =	simm.s32 $0x100  }
.LBB2_1:
0xf: {  	[spmem:s9], [sflag:s5] =	dma.local [hbm:s4], $0x80  }
0x10: {  	_ =	swait.ge [sflag:s10], $0x80  }
0x11: {  	[sflag:s10] =	ssyncset.done $0x0  }
0x12: {  	[sflag:s10] =	ssyncadd.s32 $0xFFFFFF80  }
0x13: {  	[tilespmem:$0x80] =	vst v0  }
0x14: {  	[tilespmem:$0x90] =	vst v0  }
0x15: {  	[tilespmem:$0xA0] =	vst v0  }
0x16: {  	[tilespmem:$0xB0] =	vst v0  }
0x17: {  	[tilespmem:$0xC0] =	vst v0  }
0x18: {  	[tilespmem:$0xD0] =	vst v0  }
0x19: {  	[tilespmem:$0xE0] =	vst v0  }
0x1a: {  	[tilespmem:$0xF0] =	vst v0  }
0x1b: {  	s15 =	sadd.s32 $0x0, s8;
	[bflag:$0x0] =	sbarrier.arrive $0xFFFF  }
0x1c: {  	[tilespmem:s11], [sflag:$0x1] =	stream.linear.gather [hbm4b:s15+s3], $0x80, $0x38;
	[tilespmem:$0x580] =	vst v63  }
0x1d: {  	_ =	swait.ge [sflag:s10], $0x80  }
0x1e: {  	[sflag:s10] =	ssyncset.done $0x0  }
0x1f: {  	[sflag:s10] =	ssyncadd.s32 $0xFFFFFF80  }
0x20: {  	v1 =	vld [tilespmem:$0x170]  }
0x21: {  	v2 =	vld [tilespmem:$0x160]  }
0x22: {  	v3 =	vld [tilespmem:$0x150];
	_ =	sdelay $0x1  }
0x23: {  	v4 =	vld [tilespmem:$0x140]  }
0x24: {  	v5 =	vld [tilespmem:$0x130];
	v1 =	vshra.s32 v1, $0xE  }
0x25: {  	v2 =	vshra.s32 v2, $0xE;
	[tilespmem:$0x70] =	vst v1;
	v1 =	vld [tilespmem:$0x120]  }
0x26: {  	v3 =	vshra.s32 v3, $0xE;
	[tilespmem:$0x60] =	vst v2;
	v2 =	vld [tilespmem:$0x110]  }
0x27: {  	[tilespmem:$0x50] =	vst v3;
	v3 =	vld [tilespmem:$0x100]  }
0x28: {  	v6 =	vshra.s32 v4, $0xE  }
0x29: {  	s15 =	simm.s32 $0x10;
	v4 =	vshra.s32 v5, $0xE;
	[tilespmem:$0x40] =	vst v6  }
.LBB2_2:
0x2a: {  	p0 =	sne.s32 s15, $0x270;
	s16 =	smov.u32 s15;
	s15 =	sadd.s32 $0x10, s15  }
0x2b: {  	v2 =	vshra.s32 v2, $0xE;
	[tilespmem:$0x30] =	vst v4  }
0x2c: {  	v1 =	vshra.s32 v1, $0xE;
	v3 =	vshra.s32 v3, $0xE;
	[tilespmem:$0x10] =	vst v2  }
0x2d: {  	[tilespmem:$0x0] =	vst v3  }
0x2e: {  	[tilespmem:$0x20] =	vst v1  }
0x2f: {  	[spmem:s1] =	stream.indirect.scatter.add.f32 [tilespmem:s12], [sflag:$0x1], $0x1, s3, s12, $0xb8;
	[tilespmem:$0x580] =	vst v63  }
0x30: {  	_ =	swait.ge [sflag:s10], $0x80  }
0x31: {  	[sflag:s10] =	ssyncset.done $0x0  }
0x32: {  	s16 =	sadd.s32 s16, s8;
	[sflag:s10] =	ssyncadd.s32 $0xFFFFFF80  }
0x33: {  	[tilespmem:s11], [sflag:$0x1] =	stream.linear.gather [hbm4b:s16+s3], $0x80, $0x38;
	[tilespmem:$0x580] =	vst v63  }
0x34: {  	_ =	swait.ge [sflag:s10], $0x80  }
0x35: {  	[sflag:s10] =	ssyncset.done $0x0  }
0x36: {  	[sflag:s10] =	ssyncadd.s32 $0xFFFFFF80  }
0x37: {  	v2 =	vld [tilespmem:$0x170]  }
0x38: {  	v3 =	vld [tilespmem:$0x160]  }
0x39: {  	v4 =	vld [tilespmem:$0x150]  }
0x3a: {  	v5 =	vld [tilespmem:$0x140]  }
0x3b: {  	v6 =	vld [tilespmem:$0x130]  }
.Ltmp0:
0x3c: {  	v1 =	vld [tilespmem:$0x120];
	v7 =	vshra.s32 v2, $0xE;
	(pc) =	sbr.rel @p0 .LBB2_2-.Ltmp0, $4  }
0x3d: {  	v2 =	vld [tilespmem:$0x110];
	v8 =	vshra.s32 v3, $0xE;
	[tilespmem:$0x70] =	vst v7  }
0x3e: {  	v3 =	vld [tilespmem:$0x100];
	v4 =	vshra.s32 v4, $0xE;
	[tilespmem:$0x60] =	vst v8  }
0x3f: {  	v5 =	vshra.s32 v5, $0xE;
	[tilespmem:$0x50] =	vst v4  }
0x40: {  	v4 =	vshra.s32 v6, $0xE;
	[tilespmem:$0x40] =	vst v5  }
0x41: {  	[tilespmem:$0x30] =	vst v4;
	v1 =	vshra.s32 v1, $0xE  }
0x42: {  	v2 =	vshra.s32 v2, $0xE;
	[tilespmem:$0x20] =	vst v1  }
0x43: {  	v3 =	vshra.s32 v3, $0xE;
	[tilespmem:$0x10] =	vst v2  }
0x44: {  	[tilespmem:$0x0] =	vst v3  }
0x45: {  	[spmem:s1] =	stream.indirect.scatter.add.f32 [tilespmem:s12], [sflag:$0x1], $0x1, s3, s12, $0xb8;
	[tilespmem:$0x580] =	vst v63  }
0x46: {  	_ =	swait.ge [sflag:s10], $0x80  }
0x47: {  	s14 =	sadd.s32 $0x1, s14;
	[sflag:s10] =	ssyncset.done $0x0  }
0x48: {  	p0 =	sne.s32 s14, s7;
	[sflag:s10] =	ssyncadd.s32 $0xFFFFFF80  }
.Ltmp1:
0x49: {  	[bflag:$0x0] =	sbarrier.arrive $0xFFFF;
	(pc) =	sbr.rel @p0 .LBB2_1-.Ltmp1, $4  }
0x4a: {  	[hbm:s6], [sflag:s5] =	dma.local [spmem:s13], $0x54  }
0x4b: {  	_ =	swait.ge [sflag:s10], $0x54  }
0x4c: {  	[sflag:s10] =	ssyncset.done $0x0  }
0x4d: {  	[sflag:s10] =	ssyncadd.s32 $0xFFFFFFAC  }
0x4e: {  	_ =	sfence.sel $0x180000  }
0x4f: {  	[bflag:$0x0] =	sbarrier.arrive $0xFFFF  }
0x50: {  	p0 =	sne.s32 s2, $0x0;
	_ =	strace $0x90000047  }
0x51: {  	s0 =	sadd.s32 @!p0 $0x100000, s0;
	[bflag:$0x2] =	sbarrier.arrive $0xFFFF  }
0x52: {  	[sflag:s0] =	ssyncadd.tile.s32 @!p0 $0x1;
	_ =	shalt  }
.Lfunc_end2:
_tile_overlayer_lowered:
.L_overlay_start_2:
0x53: {  	(tag) =	ssettag $0x2  }
0x54: {  	s0 =	rddreg [dreg:$0x0];
	s2 =	stileid.u32  }
0x55: {  	s1 =	rddreg [dreg:$0x1];
	p0 =	sne.s32 s2, $0x0  }
0x56: {  	s3 =	rddreg [dreg:$0x2];
	[bflag:$0x3] =	sbarrier.arrive $0xFFFF;
	s2 =	simm.s32 @!p0 $0x1C01  }
0x57: {  	[timem:s3], [sflag:s2] =	dma.local @!p0 [hbm:s0], s1  }
0x58: {  	s0 =	simm.s32 @!p0 $0x1  }
0x59: {  	_ =	swait.ge @!p0 [sflag:s0], s1  }
0x5a: {  	s1 =	ssub.s32 @!p0 $0x0, s1;
	[sflag:s0] =	ssyncset.done @!p0 $0x0  }
0x5b: {  	[sflag:s0] =	ssyncadd.s32 @!p0 s1  }
0x5c: {  	[bflag:$0x3] =	sbarrier.arrive $0xFFFF  }
0x5d: {  	_ =	shalt  }

// kernel: kernel.9.cloned.1.call-start
scs
__scs_entry_jumppad:
0x0: {  	(pc) =	sbr.rel $0x88, $3  }
0x1: {  	(tag) =	ssettag $0x0;
	lr =	simm.s32 $0x1  }
0x2: {  	[smem:$0x3F8F] =	sst lr;
	_ =	strace $0xD0000000  }
0x3: {  	_ = 	snop  }
0x4: {  	_ = 	snop  }
0x5: {  	_ = 	snop  }
0x6: {  	_ = 	snop  }
0x7: {  	_ = 	snop  }
__scs_overlays_trampoline_lowered:
0x8: {  	[smem:$0x3F9E] =	sst s0  }
0x9: {  	[smem:$0x3F9F] =	sst s1  }
0xa: {  	[smem:$0x3FA0] =	sst s2  }
0xb: {  	[smem:$0x3FA1] =	sst s3  }
0xc: {  	[smem:$0x3FA2] =	sst s4  }
0xd: {  	[smem:$0x3FA3] =	sst s5  }
0xe: {  	[smem:$0x3FA4] =	sst s6  }
0xf: {  	[smem:$0x3FA5] =	sst s7  }
0x10: {  	[smem:$0x3FA6] =	sst s8  }
0x11: {  	[smem:$0x3FA7] =	sst s9;
	s0 =	simm.s32 @!p0 $0x0  }
0x12: {  	s1 =	sld [smem:$0x3F8D];
	s0 =	simm.s32 @p0 $0x1  }
0x13: {  	[smem:$0x3FA8] =	sst s0;
	s0 =	simm.s32 @!p1 $0x0  }
0x14: {  	s2 =	sld [smem:$0x3F8C];
	s0 =	simm.s32 @p1 $0x1  }
0x15: {  	[smem:$0x3FA9] =	sst s0;
	s0 =	simm.s32 @!p2 $0x0  }
0x16: {  	s3 =	sld [smem:$0x3FDB];
	s0 =	simm.s32 @p2 $0x1  }
0x17: {  	s4 =	simm.s32 $0x1BF5;
	[smem:$0x3FAB] =	sst s0  }
0x18: {  	s0 =	sld [smem:$0x3F8E];
	_ =	swait.ge [sflag:s4], $0x0  }
0x19: {  	s7 =	sld [smem:$0x3F8F]  }
0x1a: {  	s8 =	sadd.s32 $0xFFFFE003, lr  }
0x1b: {  	s9 =	sadd.s32 $0xFFFFFEF7, lr;
	s5 =	simm.s32 $0xFFFFFFFF;
	p2 =	slt.u32 s8, $0xFFFFF086  }
0x1c: {  	p1 =	slt.u32 s9, $0xF7A;
	s5 =	simm.s32 @!p2 $0x0  }
0x1d: {  	s5 =	simm.s32 @p1 $0x1;
	p0 =	seq.s32 s7, s2  }
0x1e: {  	s7 =	smul.u32 @!p0 $0xF7A, s2;
	p2 =	seq.s32 @!p0 s5, $0x0  }
0x1f: {  	s9 =	smul.u32 $0xF7A, s1;
	s8 =	simm.s32 @!p0 $0x1BF5;
	p2 =	por !p2, p0  }
0x20: {  	[sflag:s8] =	ssyncset.s32 @!p0 $0xFFFFF086;
	s6 =	sadd.s32 @!p0 s3, s7;
	s7 =	simm.s32 @!p0 $0x108  }
0x21: {  	s3 =	sadd.s32 s3, s9;
	s6 =	sadd.s32 @!p0 $0x88, s6;
	s7 =	simm.s32 @p2 $0x1082  }
0x22: {  	[simem:s7], [sflag:s8] =	dma.local @!p0 [hbm:s6], $0xF7A  }
0x23: {  	s9 =	sor.u32 $0xD0000000, s2;
	s6 =	simm.s32 $0x108;
	_ =	swait.ge @!p0 [sflag:s8], $0x0  }
0x24: {  	s3 =	sadd.s32 $0x88, s3;
	s6 =	simm.s32 @!p1 $0x1082;
	[sflag:s4] =	ssyncset.s32 $0xFFFFF086  }
0x25: {  	[simem:s6], [sflag:s4] =	dma.local [hbm:s3], $0xF7A  }
0x26: {  	[smem:$0x3F8F] =	sst s1;
	(tag) =	ssettag s2;
	_ =	strace s9  }
0x27: {  	s1 =	sld [smem:$0x3F9F]  }
0x28: {  	s2 =	sld [smem:$0x3FA0]  }
0x29: {  	s4 =	sld [smem:$0x3FA2]  }
0x2a: {  	p0 =	seq.s32 s5, $0x0;
	s5 =	sld [smem:$0x3FA3]  }
0x2b: {  	s6 =	sld [smem:$0x3FA4]  }
0x2c: {  	s7 =	sld [smem:$0x3FA5]  }
0x2d: {  	s3 =	simm.s32 $0x108;
	s8 =	sld [smem:$0x3FA6]  }
0x2e: {  	s3 =	simm.s32 @!p0 $0x1082;
	s9 =	sld [smem:$0x3FA7]  }
0x2f: {  	lr =	sadd.s32 s0, s3;
	s0 =	sld [smem:$0x3F9E]  }
0x30: {  	s3 =	sld [smem:$0x3FA1]  }
0x31: {  	[smem:$0x3FAA] =	sst s10  }
0x32: {  	s10 =	sld [smem:$0x3FA8];
	_ =	sdelay $0x3  }
0x33: {  	p0 =	seq.s32 s10, $0x1;
	s10 =	sld [smem:$0x3FAA];
	_ =	sdelay $0x3  }
0x34: {  	[smem:$0x3FAA] =	sst s10  }
0x35: {  	s10 =	sld [smem:$0x3FA9];
	_ =	sdelay $0x3  }
0x36: {  	p1 =	seq.s32 s10, $0x1;
	s10 =	sld [smem:$0x3FAA];
	_ =	sdelay $0x3  }
0x37: {  	[smem:$0x3FAA] =	sst s10  }
0x38: {  	s10 =	sld [smem:$0x3FAB]  }
0x39: {  	_ = 	snop;
	(pc) =	sbr.ind lr, $3  }
0x3a: {  	_ = 	snop  }
0x3b: {  	_ = 	snop  }
0x3c: {  	p2 =	seq.s32 s10, $0x1;
	s10 =	sld [smem:$0x3FAA]  }
0x3d: {  	_ =	shalt  }
0x3e: {  	_ =	shalt  }
0x3f: {  	_ =	shalt  }
0x40: {  	_ =	shalt  }
0x41: {  	_ =	shalt  }
0x42: {  	_ =	shalt  }
0x43: {  	_ =	shalt  }
0x44: {  	_ =	shalt  }
0x45: {  	_ =	shalt  }
0x46: {  	_ =	shalt  }
0x47: {  	_ =	shalt  }
0x48: {  	_ =	shalt  }
0x49: {  	_ =	shalt  }
0x4a: {  	_ =	shalt  }
0x4b: {  	_ =	shalt  }
0x4c: {  	_ =	shalt  }
0x4d: {  	_ =	shalt  }
0x4e: {  	_ =	shalt  }
0x4f: {  	_ =	shalt  }
0x50: {  	_ =	shalt  }
0x51: {  	_ =	shalt  }
0x52: {  	_ =	shalt  }
0x53: {  	_ =	shalt  }
0x54: {  	_ =	shalt  }
0x55: {  	_ =	shalt  }
0x56: {  	_ =	shalt  }
0x57: {  	_ =	shalt  }
0x58: {  	_ =	shalt  }
0x59: {  	_ =	shalt  }
0x5a: {  	_ =	shalt  }
0x5b: {  	_ =	shalt  }
0x5c: {  	_ =	shalt  }
0x5d: {  	_ =	shalt  }
0x5e: {  	_ =	shalt  }
0x5f: {  	_ =	shalt  }
0x60: {  	_ =	shalt  }
0x61: {  	_ =	shalt  }
0x62: {  	_ =	shalt  }
0x63: {  	_ =	shalt  }
0x64: {  	_ =	shalt  }
0x65: {  	_ =	shalt  }
0x66: {  	_ =	shalt  }
0x67: {  	_ =	shalt  }
0x68: {  	_ =	shalt  }
0x69: {  	_ =	shalt  }
0x6a: {  	_ =	shalt  }
0x6b: {  	_ =	shalt  }
0x6c: {  	_ =	shalt  }
0x6d: {  	_ =	shalt  }
0x6e: {  	_ =	shalt  }
0x6f: {  	_ =	shalt  }
0x70: {  	_ =	shalt  }
0x71: {  	_ =	shalt  }
0x72: {  	_ =	shalt  }
0x73: {  	_ =	shalt  }
0x74: {  	_ =	shalt  }
0x75: {  	_ =	shalt  }
0x76: {  	_ =	shalt  }
0x77: {  	_ =	shalt  }
0x78: {  	_ =	shalt  }
0x79: {  	_ =	shalt  }
0x7a: {  	_ =	shalt  }
0x7b: {  	_ =	shalt  }
0x7c: {  	_ =	shalt  }
0x7d: {  	_ =	shalt  }
0x7e: {  	_ =	shalt  }
0x7f: {  	_ =	shalt  }
0x80: {  	_ =	shalt  }
0x81: {  	_ =	shalt  }
0x82: {  	_ =	shalt  }
0x83: {  	_ =	shalt  }
0x84: {  	_ =	shalt  }
0x85: {  	_ =	shalt  }
0x86: {  	_ =	shalt  }
0x87: {  	_ =	shalt  }
.Lfunc_end0:
.L_simem_size_0:
called_computation.1_lowered:
.L_overlay_start_0:
0x88: {  	s2 =	sld [smem:$0x3FD9]  }
0x89: {  	s3 =	sld [smem:$0x3FFE];
	_ =	sdelay $0x1  }
0x8a: {  	s1 =	srdreg.scid  }
0x8b: {  	s0 =	sand.u32 $0x1, s1  }
0x8c: {  	s17 =	sshll.u32 s0, $0xA;
	s2 =	sadd.s32 s3, s2  }
0x8d: {  	s2 =	sadd.s32 s2, s17  }
0x8e: {  	[smem:$0x3FB6] =	sst s2  }
0x8f: {  	_ = 	snop  }
0x90: {  	s2 =	sld [smem:$0x3FD0];
	(tm) =	ssettm $0x1  }
0x91: {  	s18 =	sld [smem:$0x3FFB];
	_ =	sdelay $0x3  }
0x92: {  	_ =	strace s18  }
0x93: {  	s3 =	sld [smem:$0x3FFC];
	_ =	sdelay $0x3  }
0x94: {  	_ =	strace s3  }
0x95: {  	s3 =	sld [smem:$0x3FFD];
	_ =	sdelay $0x3  }
0x96: {  	_ =	strace s3  }
0x97: {  	_ =	strace $0x8FFFFFFF  }
0x98: {  	s19 =	sld [smem:$0x3FDB];
	_ =	sdelay $0x1  }
0x99: {  	s4 =	simm.s32 $_scs_section_size  }
0x9a: {  	s5 =	simm.s32 $_size__tile_overlayer_lowered;
	s6 =	simm.s32 $_tile_overlayer_lowered  }
0x9b: {  	s22 =	simm.s32 $0x1BFF;
	s21 =	sshll.u32 s6, $0x1;
	s3 =	sadd.s32 s4, s19  }
0x9c: {  	s7 =	simm.s32 $0x0;
	s20 =	sshll.u32 s5, $0x1;
	s5 =	sadd.s32 s21, s3  }
0x9d: {  	[timem:s7], [sflag:s22] =	dma.local [hbm:s5], s20  }
0x9e: {  	_ =	swait.ge [sflag:s22], s20  }
0x9f: {  	s4 =	ssub.s32 $0x0, s20;
	[sflag:s22] =	ssyncset.done $0x0  }
0xa0: {  	[sflag:s22] =	ssyncadd.s32 s4;
	_ =	sdelay $0x1  }
0xa1: {  	s23 =	simm.s32 $0x1B8B  }
0xa2: {  	_ =	swait.ge [sflag:s23], $0x1  }
0xa3: {  	[sflag:s23] =	ssyncset.done $0x0  }
0xa4: {  	s25 =	simm.s32 $0x1B8E;
	s24 =	sld [smem:$0x3FFE];
	[sflag:s23] =	ssyncadd.s32 $0xFFFFFFFF  }
0xa5: {  	s26 =	simm.s32 $execute0_lowered;
	[smem:$0x3FD2] =	sst s25  }
0xa6: {  	s5 =	sshll.u32 s26, $0x1;
	_ =	strace $0x80000049;
	[dreg:$0x1] =	wrdreg $0xFFFFFFFF  }
0xa7: {  	s28 =	simm.s32 $_size_execute0_lowered;
	s3 =	sadd.s32 s3, s5;
	[dreg:$0x0] =	wrdreg $0x0  }
0xa8: {  	s5 =	sshll.u32 s28, $0x1;
	[dreg:$0x2] =	wrdreg s3  }
0xa9: {  	[dreg:$0x3] =	wrdreg s5  }
0xaa: {  	[dreg:$0x4] =	wrdreg $0xC0  }
0xab: {  	_ =	task [dreg:s7], $0x5FFFF  }
0xac: {  	[dreg:$0x1] =	wrdreg $0xFFFFFFFF  }
0xad: {  	[dreg:$0x0] =	wrdreg $0x60  }
0xae: {  	[dreg:$0x2] =	wrdreg s24  }
0xaf: {  	[dreg:$0x3] =	wrdreg s2  }
0xb0: {  	[dreg:$0x4] =	wrdreg $0x16D800  }
0xb1: {  	[dreg:$0x5] =	wrdreg $0x9  }
0xb2: {  	_ =	task.clear_ibuf [dreg:s7], $0x6FFFF;
	_ =	strace $0x90000049  }
0xb3: {  	s29 =	simm.s32 $0x9;
	_ =	strace $0x8000004B  }
0xb4: {  	_ =	swait.ge [sflag:s29], $0x1  }
0xb5: {  	[sflag:s29] =	ssyncadd.s32 $0xFFFFFFFF  }
0xb6: {  	_ =	strace $0x9000004B  }
0xb7: {  	_ =	sfence  }
0xb8: {  	s30 =	sld [smem:$0x0];
	_ =	sdelay $0x2  }
0xb9: {  	s31 =	sshll.u32 s1, $0xD;
	s1 =	sshrl.u32 s1, $0x2  }
0xba: {  	s3 =	sand.u32 $0x4000, s31;
	s1 =	sadd.s32 s1, s30  }
0xbb: {  	s0 =	sor.u32 s3, s0;
	s1 =	sshll.u32 s1, $0x11  }
0xbc: {  	s0 =	sor.u32 s1, s0  }
0xbd: {  	s0 =	sadd.s32 $0x8F2B, s0  }
0xbe: {  	[sflag:s0] =	ssyncadd.remote.s32 $0x1  }
0xbf: {  	_ =	sfence.sel $0xFFFF  }
0xc0: {  	[dreg:$0x0] =	wrdreg $0xFFFFFFFF;
	(pc) =	sbr.abs _section_cstart, $3  }
0xc1: {  	[dreg:$0x1] =	wrdreg $0xFFFFFFFF  }
0xc2: {  	_ =	task.clear_ibuf [dreg:s7], $0x2FFFF;
	_ =	strace $0x9FFFFFFF  }
0xc3: {  	(tm) =	ssettm $0x7FFFFFFF  }
tec
execute0_lowered:
.L_overlay_start_1:
0x0: {  	(tag) =	ssettag $0x1  }
0x1: {  	s1 =	rddreg [dreg:$0x0]  }
0x2: {  	s2 =	rddreg [dreg:$0x1]  }
0x3: {  	s3 =	rddreg [dreg:$0x2];
	s0 =	simm.s32 $0x0;
	s24 =	srdreg.scid  }
0x4: {  	s7 =	stileid.u32;
	s16 =	simm.s32 $0x11580;
	s17 =	simm.s32 $0x3  }
0x5: {  	s18 =	simm.s32 $0x4D80;
	s19 =	simm.s32 $0x1;
	s20 =	simm.s32 $0x80  }
0x6: {  	s21 =	simm.s32 $0x500;
	s22 =	simm.s32 $0x580;
	s23 =	simm.s32 $0x2  }
0x7: {  	s28 =	simm.s32 $0x0;
	[smem:$0x7FF] =	sst s0;
	s6 =	sadd.s32 $0x5200, s1  }
0x8: {  	s4 =	sadd.s32 $0x2F200, s1;
	s25 =	sand.u32 $0x1, s24;
	s26 =	smul.u32 $0x21000, s7  }
0x9: {  	s5 =	sadd.s32 $0x34600, s1;
	_ =	strace $0x8000004A;
	[dreg:$0x4] =	wrdreg s4  }
0xa: {  	s8 =	smul.u32 $0x8400, s7;
	s29 =	sadd.s32 $0x35200, s1;
	[dreg:$0x5] =	wrdreg s5  }
.Ltmp0:
0xb: {  	v0 =	vimm.s32 $0x600000;
	v1 =	vimm.s32 $0x0;
	[dreg:$0x6] =	wrdreg s25;
	s4 =	ssub.s32 $0x2, s25;
	(pc) =	sbr.rel .LBB2_1-.Ltmp0, $4  }
0xc: {  	v2 =	vimm.f32 $0.0e+00;
	v3 =	vimm.s32 $0x4;
	v4 =	vlaneseq.u32;
	s14 =	smul.u32 $0x2800, s7;
	[dreg:$0x7] =	wrdreg s29;
	s30 =	sshrl.u32 s4, $0x1  }
0xd: {  	v5 =	vimm.s32 $0x8;
	v6 =	vimm.s32 $0x1;
	v7 =	vimm.s32 $0x2;
	s0 =	sshrl.u32 s26, $0x2;
	s11 =	smov.u32 s8;
	s4 =	ssub.s32 s4, s30  }
0xe: {  	v8 =	vimm.s32 $0x3;
	v9 =	vimm.s32 $0x5;
	v10 =	vimm.s32 $0x6;
	s12 =	sadd.s32 s8, s3;
	s0 =	sadd.s32 s0, s3;
	s31 =	smax.u32 s4, $0x1  }
0xf: {  	v11 =	vimm.s32 $0x7;
	vm0 =	vmmov $0xff;
	vm1 =	vmmov $0xffff;
	s13 =	sadd.s32 $0x5800, s0;
	s4 =	simm.s32 $0x0;
	[dreg:$0x8] =	wrdreg s31  }
.LBB2_19:
0x10: {  	s4 =	rddreg [dreg:$0x9]  }
0x11: {  	s0 =	rddreg [dreg:$0x8];
	s4 =	sadd.s32 $0x1, s4  }
0x12: {  	p0 =	sne.s32 s4, s0  }
.Ltmp1:
0x13: {  	_ = 	snop;
	(pc) =	sbr.rel @!p0 .LBB2_20-.Ltmp1, $1  }
0x14: {  	_ =	sdelay $0x3  }
.LBB2_1:
0x15: {  	[dreg:$0x9] =	wrdreg s4  }
.Ltmp2:
0x16: {  	s0 =	simm.s32 $0x0;
	s31 =	rddreg [dreg:$0x5];
	(pc) =	sbr.rel .LBB2_2-.Ltmp2, $4  }
0x17: {  	[tilespmem:s16], [sflag:$0x3] =	stream.linear.gather [hbm4b:s31+s0], $0x5800, $0x38;
	[tilespmem:$0x1F180] =	vst v63  }
0x18: {  	_ =	swait.ge [sflag:s17], $0x5800  }
0x19: {  	[sflag:s17] =	ssyncset.done $0x0  }
0x1a: {  	s25 =	simm.s32 $0x0;
	[sflag:s17] =	ssyncadd.s32 $0xFFFFA800  }
.LBB2_18:
0x1b: {  	s0 =	smul.u32 $0x84000, s26  }
0x1c: {  	[bflag:$0x0] =	sbarrier.arrive $0xFFFF;
	s4 =	stileid.u32;
	s31 =	sshrl.u32 s12, $0x3  }
0x1d: {  	s25 =	sadd.s32 $0x1, s25;
	s4 =	sshll.u32 s4, $0x6;
	s0 =	sadd.s32 s11, s0  }
0x1e: {  	s5 =	rddreg [dreg:$0x7];
	p0 =	sne.s32 s25, $0xE;
	s0 =	sshrl.u32 s0, $0x3  }
.Ltmp3:
0x1f: {  	s4 =	sor.u32 $0x1C03, s4;
	s0 =	sadd.s32 s5, s0;
	(pc) =	sbr.rel @!p0 .LBB2_19-.Ltmp3, $4  }
0x20: {  	[hbm:s0], [sflag:s4] =	dma.local [spmem:s31], $0x1080  }
0x21: {  	_ =	swait.ge [sflag:s17], $0x1080  }
0x22: {  	[sflag:s17] =	ssyncset.done $0x0  }
0x23: {  	[sflag:s17] =	ssyncadd.s32 $0xFFFFEF80  }
.LBB2_2:
0x24: {  	[spmem:s12] =	stream.linear.scatter [tilespmem:s16], [sflag:$0x3], $0x5800, $0x38;
	[tilespmem:$0x1F180] =	vst v63  }
0x25: {  	_ =	swait.ge [sflag:s17], $0x5800  }
0x26: {  	s0 =	sshll.u32 s25, $0x1;
	[sflag:s17] =	ssyncset.done $0x0;
	s4 =	rddreg [dreg:$0x6]  }
0x27: {  	s26 =	sor.u32 s4, s0;
	[sflag:s17] =	ssyncadd.s32 $0xFFFFA800  }
0x28: {  	[spmem:s13] =	stream.linear.scatter [tilespmem:s16], [sflag:$0x3], $0x2C00, $0x38;
	[tilespmem:$0x1F180] =	vst v63  }
0x29: {  	s0 =	smul.u32 $0x300, s26;
	_ =	swait.ge [sflag:s17], $0x2C00  }
0x2a: {  	[sflag:s17] =	ssyncset.done $0x0;
	s24 =	rddreg [dreg:$0x4]  }
0x2b: {  	[sflag:s17] =	ssyncadd.s32 $0xFFFFD400;
	s0 =	sadd.s32 s24, s0  }
0x2c: {  	[tilespmem:s18], [sflag:$0x3] =	stream.linear.gather [hbm4b:s0+s28], $0x1800, $0x38;
	[tilespmem:$0x1F180] =	vst v63  }
0x2d: {  	_ =	swait.ge [sflag:s17], $0x1800  }
0x2e: {  	[sflag:s17] =	ssyncset.done $0x0  }
0x2f: {  	[sflag:s17] =	ssyncadd.s32 $0xFFFFE800  }
0x30: {  	[bflag:$0x0] =	sbarrier.arrive $0xFFFF  }
0x31: {  	[tilespmem:$0x200] =	vst v0  }
0x32: {  	[tilespmem:$0x210] =	vst v0  }
0x33: {  	[tilespmem:$0x220] =	vst v0  }
0x34: {  	[tilespmem:$0x230] =	vst v0  }
0x35: {  	[tilespmem:$0x240] =	vst v0  }
0x36: {  	[tilespmem:$0x250] =	vst v0  }
0x37: {  	[tilespmem:$0x260] =	vst v0  }
0x38: {  	[tilespmem:$0x270] =	vst v0  }
0x39: {  	[tilespmem:$0x280] =	vst v0  }
0x3a: {  	[tilespmem:$0x290] =	vst v0  }
0x3b: {  	[tilespmem:$0x2A0] =	vst v0  }
0x3c: {  	[tilespmem:$0x2B0] =	vst v0  }
0x3d: {  	[tilespmem:$0x2C0] =	vst v0  }
0x3e: {  	[tilespmem:$0x2D0] =	vst v0  }
0x3f: {  	[tilespmem:$0x2E0] =	vst v0  }
0x40: {  	[tilespmem:$0x2F0] =	vst v0  }
0x41: {  	[tilespmem:$0x300] =	vst v0  }
0x42: {  	[tilespmem:$0x310] =	vst v0  }
0x43: {  	[tilespmem:$0x320] =	vst v0  }
0x44: {  	[tilespmem:$0x330] =	vst v0  }
0x45: {  	[tilespmem:$0x340] =	vst v0  }
0x46: {  	[tilespmem:$0x350] =	vst v0  }
0x47: {  	[tilespmem:$0x360] =	vst v0  }
0x48: {  	[tilespmem:$0x370] =	vst v0  }
0x49: {  	[tilespmem:$0x380] =	vst v0  }
0x4a: {  	[tilespmem:$0x390] =	vst v0  }
0x4b: {  	[tilespmem:$0x3A0] =	vst v0  }
0x4c: {  	[tilespmem:$0x3B0] =	vst v0  }
0x4d: {  	[tilespmem:$0x3C0] =	vst v0  }
0x4e: {  	[tilespmem:$0x3D0] =	vst v0  }
0x4f: {  	[tilespmem:$0x3E0] =	vst v0  }
0x50: {  	[tilespmem:$0x3F0] =	vst v0  }
0x51: {  	[tilespmem:$0x400] =	vst v0  }
0x52: {  	[tilespmem:$0x410] =	vst v0  }
0x53: {  	[tilespmem:$0x420] =	vst v0  }
0x54: {  	[tilespmem:$0x430] =	vst v0  }
0x55: {  	[tilespmem:$0x440] =	vst v0  }
0x56: {  	[tilespmem:$0x450] =	vst v0  }
0x57: {  	[tilespmem:$0x460] =	vst v0  }
0x58: {  	[tilespmem:$0x470] =	vst v0  }
0x59: {  	[tilespmem:$0x480] =	vst v0  }
0x5a: {  	[tilespmem:$0x490] =	vst v0  }
0x5b: {  	[tilespmem:$0x4A0] =	vst v0  }
.Ltmp4:
0x5c: {  	[tilespmem:$0x4B0] =	vst v0;
	(pc) =	sbr.rel .LBB2_3-.Ltmp4, $4  }
0x5d: {  	s30 =	smul.u32 $0x180, s26;
	[tilespmem:$0x4C0] =	vst v0  }
0x5e: {  	[tilespmem:$0x4D0] =	vst v0  }
0x5f: {  	s31 =	sadd.s32 $0x180, s30;
	[tilespmem:$0x4E0] =	vst v0  }
0x60: {  	s29 =	simm.s32 $0x0;
	v12 =	vmov s30;
	v13 =	vmov s31;
	s0 =	simm.s32 $0x0;
	[tilespmem:$0x4F0] =	vst v0  }
.LBB2_11:
0x61: {  	s0 =	sshll.u32 s31, $0x7  }
0x62: {  	v14 =	vld [tilespmem:s0+$0x200]  }
0x63: {  	v15 =	vld [tilespmem:s0+$0x210]  }
0x64: {  	v16 =	vld [tilespmem:s0+$0x220]  }
0x65: {  	v17 =	vld [tilespmem:s0+$0x230]  }
0x66: {  	v18 =	vld [tilespmem:s0+$0x240]  }
0x67: {  	v19 =	vld [tilespmem:s0+$0x250]  }
0x68: {  	v20 =	vld [tilespmem:s0+$0x260]  }
0x69: {  	v21 =	vld [tilespmem:s0+$0x270];
	[tilespmem:$0x280] =	vst v0  }
0x6a: {  	[tilespmem:$0x290] =	vst v0  }
0x6b: {  	[tilespmem:$0x2A0] =	vst v0  }
0x6c: {  	[tilespmem:$0x2B0] =	vst v0  }
0x6d: {  	[tilespmem:$0x2C0] =	vst v0  }
0x6e: {  	[tilespmem:$0x2D0] =	vst v0  }
0x6f: {  	[tilespmem:$0x2E0] =	vst v0  }
0x70: {  	[tilespmem:$0x2F0] =	vst v0  }
0x71: {  	[tilespmem:$0x300] =	vst v0  }
0x72: {  	[tilespmem:$0x310] =	vst v0  }
0x73: {  	[tilespmem:$0x320] =	vst v0  }
0x74: {  	[tilespmem:$0x330] =	vst v0  }
0x75: {  	[tilespmem:$0x340] =	vst v0  }
0x76: {  	[tilespmem:$0x350] =	vst v0  }
0x77: {  	[tilespmem:$0x360] =	vst v0  }
0x78: {  	[tilespmem:$0x370] =	vst v0  }
0x79: {  	[tilespmem:$0x380] =	vst v0  }
0x7a: {  	[tilespmem:$0x390] =	vst v0  }
0x7b: {  	[tilespmem:$0x3A0] =	vst v0  }
0x7c: {  	[tilespmem:$0x3B0] =	vst v0  }
0x7d: {  	[tilespmem:$0x3C0] =	vst v0  }
0x7e: {  	[tilespmem:$0x3D0] =	vst v0  }
0x7f: {  	[tilespmem:$0x3E0] =	vst v0  }
0x80: {  	[tilespmem:$0x3F0] =	vst v0  }
0x81: {  	[tilespmem:$0x400] =	vst v0  }
0x82: {  	[tilespmem:$0x410] =	vst v0  }
0x83: {  	[tilespmem:$0x420] =	vst v0  }
0x84: {  	[tilespmem:$0x430] =	vst v0  }
0x85: {  	[tilespmem:$0x440] =	vst v0  }
0x86: {  	[tilespmem:$0x450] =	vst v0  }
0x87: {  	[tilespmem:$0x460] =	vst v0  }
0x88: {  	[tilespmem:$0x470] =	vst v0  }
0x89: {  	[tilespmem:$0x480] =	vst v0  }
0x8a: {  	[tilespmem:$0x490] =	vst v0  }
0x8b: {  	[tilespmem:$0x4A0] =	vst v0  }
0x8c: {  	[tilespmem:$0x4B0] =	vst v0  }
0x8d: {  	[tilespmem:$0x4C0] =	vst v0  }
0x8e: {  	[tilespmem:$0x4D0] =	vst v0  }
0x8f: {  	[tilespmem:$0x4E0] =	vst v0  }
0x90: {  	[tilespmem:$0x4F0] =	vst v0  }
0x91: {  	[tilespmem:$0x200] =	vst v14  }
0x92: {  	s29 =	sadd.s32 $0x1, s29;
	[tilespmem:$0x210] =	vst v15  }
0x93: {  	p0 =	sne.s32 s29, $0x14;
	[tilespmem:$0x220] =	vst v16  }
.Ltmp5:
0x94: {  	[tilespmem:$0x230] =	vst v17;
	(pc) =	sbr.rel @!p0 .LBB2_12-.Ltmp5, $4  }
0x95: {  	[tilespmem:$0x240] =	vst v18  }
0x96: {  	[tilespmem:$0x250] =	vst v19  }
0x97: {  	[tilespmem:$0x260] =	vst v20  }
0x98: {  	s0 =	ssub.s32 s30, s0;
	[tilespmem:$0x270] =	vst v21  }
.LBB2_3:
0x99: {  	s4 =	sshll.u32 s29, $0x9  }
0x9a: {  	s4 =	sadd.s32 s14, s4  }
0x9b: {  	s4 =	sshrl.u32 s4, $0x3  }
0x9c: {  	s4 =	sadd.s32 s1, s4  }
0x9d: {  	[tilespmem:s28], [sflag:$0x3] =	stream.linear.gather [hbm4b:s4+s28], $0x200, $0x38;
	[tilespmem:$0x1F180] =	vst v63  }
0x9e: {  	_ =	swait.ge [sflag:s17], $0x200  }
0x9f: {  	[sflag:s17] =	ssyncset.done $0x0  }
0xa0: {  	s30 =	simm.s32 $0x0;
	[sflag:s17] =	ssyncadd.s32 $0xFFFFFE00  }
0xa1: {  	v14 =	vld [tilespmem:s30+$0x0];
	_ =	sdelay $0x4  }
0xa2: {  	v15 =	vshra.s32 v14, $0xE  }
0xa3: {  	vm2 =	vge.s32 v15, v12;
	vm3 =	vlt.s32 v15, v13  }
0xa4: {  	vm2 =	vmand vm2, vm3  }
0xa5: {  	v16 =	vsel vm2, $0x1, v1  }
0xa6: {  	(xrf0) =	vadd.scan.msk.s32 $0xffff, v16;
	_ =	sdelay $0x4  }
0xa7: {  	v15 =	vsub.s32 v15, v12  }
0xa8: {  	v14 =	vand.u32 $0x3FFF, v14;
	v15 =	vshll.u32 v15, $0xE;
	v16, _, _ =	vpop (xrf0)  }
0xa9: {  	v14 =	vor.u32 v14, v15;
	(v2sf) =	vpush v16, $0xF  }
0xaa: {  	s31 =	simm.s32 $0x10;
	[tilespmem:s0+$0x200] =	vst.msk vm2, v14  }
0xab: {  	v14 =	vld [tilespmem:s31+$0x0];
	_ =	sdelay $0x4  }
0xac: {  	v15 =	vshra.s32 v14, $0xE  }
0xad: {  	vm2 =	vge.s32 v15, v12;
	vm3 =	vlt.s32 v15, v13  }
0xae: {  	vm2 =	vmand vm2, vm3  }
0xaf: {  	v63 =	vsel vm2, $0x1, v1  }
0xb0: {  	(xrf0) =	vadd.scan.msk.s32 $0xffff, v63;
	_ =	sdelay $0x1  }
0xb1: {  	v15 =	vsub.s32 v15, v12  }
0xb2: {  	v14 =	vand.u32 $0x3FFF, v14;
	v15 =	vshll.u32 v15, $0xE  }
0xb3: {  	s4 =	simm.s32 $0x80;
	v14 =	vor.u32 v14, v15;
	s5 =	spop (v2sf)  }
.LBB2_4:
0xb4: {  	p0 =	sne.s32 s4, $0x7C0  }
0xb5: {  	v15, _, _ =	vpop (xrf0);
	s0 =	sadd.s32 s0, s5;
	s5 =	smov.u32 s4;
	s4 =	sadd.s32 $0x40, s4  }
0xb6: {  	s5 =	sshra.s32 s5, $0x2;
	[tilespmem:s0+$0x200] =	vst.msk vm2, v14;
	(v2sf) =	vpush v15, $0xF  }
0xb7: {  	v14 =	vld [tilespmem:s5+$0x0];
	_ =	sdelay $0x4  }
0xb8: {  	v15 =	vshra.s32 v14, $0xE  }
0xb9: {  	vm2 =	vge.s32 v15, v12;
	vm3 =	vlt.s32 v15, v13;
	v15 =	vsub.s32 v15, v12  }
0xba: {  	v14 =	vand.u32 $0x3FFF, v14;
	vm2 =	vmand vm2, vm3;
	v15 =	vshll.u32 v15, $0xE  }
0xbb: {  	v16 =	vsel vm2, $0x1, v1;
	v14 =	vor.u32 v14, v15  }
0xbc: {  	(xrf0) =	vadd.scan.msk.s32 $0xffff, v16  }
.Ltmp6:
0xbd: {  	(pc) =	sbr.rel @p0 .LBB2_4-.Ltmp6, $2  }
0xbe: {  	_ =	sdelay $0x2  }
0xbf: {  	s5 =	spop (v2sf)  }
0xc0: {  	v15, _, _ =	vpop (xrf0)  }
0xc1: {  	(v2sf) =	vpush v15, $0xF;
	_ =	sdelay $0xe  }
0xc2: {  	s0 =	sadd.s32 s0, s5;
	s4 =	spop (v2sf)  }
0xc3: {  	s30 =	sadd.s32 s0, s4  }
0xc4: {  	s4 =	sand.u32 $0x7F, s30  }
0xc5: {  	s15 =	sshra.s32 s30, $0x1F;
	p0 =	slt.s32 s30, $0x1;
	p1 =	sne.s32 s4, $0x0  }
0xc6: {  	s24 =	sshrl.u32 s15, $0x19;
	p0 =	por !p0, !p1  }
0xc7: {  	s5 =	simm.s32 $0x1;
	s4 =	sadd.s32 s24, s30;
	p0 =	por !p0, !p0  }
0xc8: {  	s4 =	sshra.s32 s4, $0x7;
	s5 =	simm.s32 @!p0 $0x0  }
0xc9: {  	s31 =	ssub.s32 s4, s5  }
0xca: {  	p0 =	slt.s32 s31, $0x1  }
.Ltmp7:
0xcb: {  	_ = 	snop;
	(pc) =	sbr.rel @p0 .LBB2_11-.Ltmp7, $2  }
0xcc: {  	_ =	sdelay $0x2  }
0xcd: {  	[tilespmem:s0+$0x200] =	vst.msk vm2, v14;
	s0 =	simm.s32 $0x0  }
.LBB2_6:
0xce: {  	s4 =	sshll.u32 s0, $0x9  }
0xcf: {  	s4 =	sshra.s32 s4, $0x2  }
0xd0: {  	v14 =	vld [tilespmem:s4+$0x200];
	_ =	sdelay $0x4  }
0xd1: {  	v14 =	vand.u32 $0x3FFF, v14  }
0xd2: {  	[tilespmem:$0x500] =	vst v14  }
0xd3: {  	v14 =	vld [tilespmem:s4+$0x210];
	_ =	sdelay $0x4  }
0xd4: {  	v14 =	vand.u32 $0x3FFF, v14  }
0xd5: {  	[tilespmem:$0x510] =	vst v14  }
0xd6: {  	v14 =	vld [tilespmem:s4+$0x220];
	_ =	sdelay $0x4  }
0xd7: {  	v14 =	vand.u32 $0x3FFF, v14  }
0xd8: {  	[tilespmem:$0x520] =	vst v14  }
0xd9: {  	v14 =	vld [tilespmem:s4+$0x230];
	_ =	sdelay $0x4  }
0xda: {  	v14 =	vand.u32 $0x3FFF, v14  }
0xdb: {  	[tilespmem:$0x530] =	vst v14  }
0xdc: {  	v14 =	vld [tilespmem:s4+$0x240];
	_ =	sdelay $0x4  }
0xdd: {  	v14 =	vand.u32 $0x3FFF, v14  }
0xde: {  	[tilespmem:$0x540] =	vst v14  }
0xdf: {  	v14 =	vld [tilespmem:s4+$0x250];
	_ =	sdelay $0x4  }
0xe0: {  	v14 =	vand.u32 $0x3FFF, v14  }
0xe1: {  	[tilespmem:$0x550] =	vst v14  }
0xe2: {  	v14 =	vld [tilespmem:s4+$0x260];
	_ =	sdelay $0x4  }
0xe3: {  	v14 =	vand.u32 $0x3FFF, v14  }
0xe4: {  	[tilespmem:$0x560] =	vst v14  }
0xe5: {  	v14 =	vld [tilespmem:s4+$0x270];
	_ =	sdelay $0x4  }
0xe6: {  	v14 =	vand.u32 $0x3FFF, v14  }
0xe7: {  	[tilespmem:$0x570] =	vst v14  }
0xe8: {  	[tilespmem:s22], [sflag:$0x1] =	stream.indirect.gather [hbm4b:s6+s20], $0x80, s21, s20, $0xb8;
	[tilespmem:$0x1F180] =	vst v63  }
0xe9: {  	s10 =	simm.s32 $0x4580  }
0xea: {  	[tilespmem:s10], [sflag:$0x1] =	stream.indirect.gather [hbm4b:s2+s20], $0x10, s21, s20, $0xb8;
	[tilespmem:$0x1F180] =	vst v63  }
0xeb: {  	_ =	swait.ge [sflag:s19], $0x4000  }
0xec: {  	[sflag:s19] =	ssyncset.done $0x0  }
0xed: {  	[sflag:s19] =	ssyncadd.s32 $0xFFFFC000  }
0xee: {  	_ =	swait.ge [sflag:s19], $0x800  }
0xef: {  	p0 =	por $0x0, $0x0;
	s4 =	sadd.s32 $0x200, s4;
	[sflag:s19] =	ssyncset.done $0x0  }
0xf0: {  	s8 =	simm.s32 $0x5C0;
	s15 =	simm.s32 $0x0;
	v14 =	vmov s4;
	[sflag:s19] =	ssyncadd.s32 $0xFFFFF800  }
.LBB2_7:
0xf1: {  	_ =	sdelay $0x2  }
0xf2: {  	s4 =	sshll.u32 s15, $0x4  }
0xf3: {  	v15 =	vld.idx.msk [tilespmem:v14+s4+$0x0 ss:$0x1], $0xffff;
	_ =	sdelay $0x1  }
0xf4: {  	s5 =	simm.s32 $0x1  }
0xf5: {  	s5 =	simm.s32 @!p0 $0x0  }
0xf6: {  	s5 =	smul.u32 $0x16000, s5  }
0xf7: {  	v15 =	vshra.s32 v15, $0xE  }
0xf8: {  	s7 =	simm.s32 $0x0;
	s9 =	smov.u32 s8;
	s5 =	sshrl.u32 s5, $0x2;
	vm2 =	vlt.s32 v15, $0x180  }
0xf9: {  	s24 =	sand.u32 $0x10, s4;
	s4 =	smov.u32 s10;
	s5 =	sadd.s32 $0x6800, s5;
	v15 =	vnsel vm2, $0x0, v15;
	v16 =	vsel vm2, $0x3F800000, v2  }
.LBB2_8:
0xfa: {  	v19 =	vmov s7  }
0xfb: {  	v17 =	vperm.xlane v15, v19;
	_ =	sdelay $0x1  }
0xfc: {  	v17 =	vshll.u32 v17, $0x4  }
0xfd: {  	v17 =	vor.u32 v4, v17;
	_ =	sdelay $0x3  }
0xfe: {  	v20 =	vld [tilespmem:s4+$0x0]  }
0xff: {  	v18 =	vld.idx.msk [tilespmem:v17+s18+$0x0], $0xffff;
	_ =	sdelay $0x4  }
0x100: {  	v17 =	vld [tilespmem:s9+$0xFFFFFFC0];
	v22 =	vadd.f32 v18, v20  }
0x101: {  	v21 =	vld [tilespmem:s9+$0x0];
	v26 =	vperm.xlane v16, v19;
	v24 =	vperm.xlane v20, v5  }
0x102: {  	v19 =	vld [tilespmem:s9+$0xFFFFFFE0];
	v23 =	vmul.f32 $2.000000030e-01, v22  }
0x103: {  	v27 =	vmul.f32 v24, v26;
	v24 =	vld [tilespmem:s9+$0x30];
	vm2 =	vge.f32 v22, $0.0e+00  }
0x104: {  	v18 =	vld [tilespmem:s9+$0xFFFFFFD0];
	v23 =	vsel vm2, v22, v23  }
0x105: {  	v20 =	vld [tilespmem:s9+$0xFFFFFFF0];
	v28 =	vmul.f32 v17, v26;
	v25 =	vmul.f32 $1.442695020e+00, v23  }
0x106: {  	v29 =	vmul.f32 v27, v17;
	v22 =	vld [tilespmem:s9+$0x10]  }
0x107: {  	v55 =	vmul.f32 v19, v26;
	v23 =	vld [tilespmem:s9+$0x20];
	[tilespmem:s5+$0xFFFFFD80] =	vst v28;
	(erf) = vpow2.f32 v25  }
0x108: {  	v56 =	vmul.f32 v19, v27;
	[tilespmem:s5+$0xFFFFFE00] =	vst v29  }
0x109: {  	v59 =	vmul.f32 v21, v26;
	[tilespmem:s5+$0xFFFFFDA0] =	vst v55  }
0x10a: {  	v60 =	vmul.f32 v21, v27;
	[tilespmem:s5+$0xFFFFFE20] =	vst v56  }
0x10b: {  	v53 =	vmul.f32 v18, v26;
	[tilespmem:s5+$0xFFFFFDC0] =	vst v59  }
0x10c: {  	v54 =	vmul.f32 v18, v27;
	[tilespmem:s5+$0xFFFFFE40] =	vst v60  }
0x10d: {  	v57 =	vmul.f32 v20, v26;
	[tilespmem:s5+$0xFFFFFD90] =	vst v53  }
0x10e: {  	v58 =	vmul.f32 v20, v27;
	[tilespmem:s5+$0xFFFFFE10] =	vst v54  }
0x10f: {  	[tilespmem:s5+$0xFFFFFDB0] =	vst v57;
	v61 =	vmul.f32 v22, v26  }
0x110: {  	[tilespmem:s5+$0xFFFFFE30] =	vst v58;
	v63 =	vmul.f32 v22, v27;
	v62 =	vpop (erf)  }
0x111: {  	v32 =	vmul.f32 v23, v26;
	[tilespmem:s5+$0xFFFFFDD0] =	vst v61;
	v25 =	vmul.f32 v62, v26  }
0x112: {  	v33 =	vmul.f32 v23, v27;
	[tilespmem:s5+$0xFFFFFE50] =	vst v63  }
0x113: {  	v27 =	vmul.f32 v24, v27;
	[tilespmem:s5+$0xFFFFFDE0] =	vst v32;
	v34 =	vperm.xlane v25, v1  }
0x114: {  	[tilespmem:s5+$0xFFFFFE60] =	vst v33;
	v26 =	vmul.f32 v24, v26  }
0x115: {  	[tilespmem:s5+$0xFFFFFE70] =	vst v27;
	v35 =	vmul.f32 v34, v17  }
0x116: {  	[tilespmem:s5+$0xFFFFFDF0] =	vst v26;
	v36 =	vmul.f32 v34, v18  }
0x117: {  	v37 =	vmul.f32 v34, v19;
	[tilespmem:s5+$0xFFFFFE80] =	vst v35  }
0x118: {  	v38 =	vmul.f32 v34, v20;
	[tilespmem:s5+$0xFFFFFE90] =	vst v36  }
0x119: {  	v39 =	vmul.f32 v34, v21;
	[tilespmem:s5+$0xFFFFFEA0] =	vst v37  }
0x11a: {  	v40 =	vmul.f32 v34, v22;
	[tilespmem:s5+$0xFFFFFEB0] =	vst v38  }
0x11b: {  	v42 =	vperm.xlane v25, v6;
	v41 =	vmul.f32 v34, v23;
	[tilespmem:s5+$0xFFFFFEC0] =	vst v39  }
0x11c: {  	v43 =	vmul.f32 v34, v24;
	[tilespmem:s5+$0xFFFFFED0] =	vst v40  }
0x11d: {  	v44 =	vmul.f32 v42, v17;
	[tilespmem:s5+$0xFFFFFEE0] =	vst v41  }
0x11e: {  	v45 =	vmul.f32 v42, v18;
	[tilespmem:s5+$0xFFFFFEF0] =	vst v43  }
0x11f: {  	v46 =	vmul.f32 v42, v19;
	[tilespmem:s5+$0xFFFFFF00] =	vst v44  }
0x120: {  	v47 =	vmul.f32 v42, v20;
	[tilespmem:s5+$0xFFFFFF10] =	vst v45  }
0x121: {  	v48 =	vmul.f32 v42, v21;
	[tilespmem:s5+$0xFFFFFF20] =	vst v46  }
0x122: {  	v49 =	vmul.f32 v42, v22;
	[tilespmem:s5+$0xFFFFFF30] =	vst v47  }
0x123: {  	v51 =	vperm.xlane v25, v7;
	v50 =	vmul.f32 v42, v23;
	[tilespmem:s5+$0xFFFFFF40] =	vst v48  }
0x124: {  	v52 =	vmul.f32 v42, v24;
	[tilespmem:s5+$0xFFFFFF50] =	vst v49  }
0x125: {  	v53 =	vmul.f32 v51, v17;
	[tilespmem:s5+$0xFFFFFF60] =	vst v50  }
0x126: {  	v54 =	vmul.f32 v51, v18;
	[tilespmem:s5+$0xFFFFFF70] =	vst v52  }
0x127: {  	v55 =	vmul.f32 v51, v19;
	[tilespmem:s5+$0xFFFFFF80] =	vst v53  }
0x128: {  	v56 =	vmul.f32 v51, v20;
	[tilespmem:s5+$0xFFFFFF90] =	vst v54  }
0x129: {  	v57 =	vmul.f32 v51, v21;
	[tilespmem:s5+$0xFFFFFFA0] =	vst v55  }
0x12a: {  	v58 =	vmul.f32 v51, v22;
	[tilespmem:s5+$0xFFFFFFB0] =	vst v56  }
0x12b: {  	v60 =	vperm.xlane v25, v8;
	v59 =	vmul.f32 v51, v23;
	[tilespmem:s5+$0xFFFFFFC0] =	vst v57  }
0x12c: {  	v61 =	vmul.f32 v51, v24;
	[tilespmem:s5+$0xFFFFFFD0] =	vst v58  }
0x12d: {  	v62 =	vmul.f32 v60, v17;
	[tilespmem:s5+$0xFFFFFFE0] =	vst v59  }
0x12e: {  	v63 =	vmul.f32 v60, v18;
	[tilespmem:s5+$0xFFFFFFF0] =	vst v61  }
0x12f: {  	v30 =	vmul.f32 v60, v19;
	[tilespmem:s5+$0x0] =	vst v62  }
0x130: {  	v31 =	vmul.f32 v60, v20;
	[tilespmem:s5+$0x10] =	vst v63  }
0x131: {  	v32 =	vmul.f32 v60, v21;
	[tilespmem:s5+$0x20] =	vst v30  }
0x132: {  	v33 =	vmul.f32 v60, v22;
	[tilespmem:s5+$0x30] =	vst v31  }
0x133: {  	v34 =	vmul.f32 v60, v23;
	[tilespmem:s5+$0x40] =	vst v32;
	v35 =	vperm.xlane v25, v3  }
0x134: {  	[tilespmem:s5+$0x50] =	vst v33;
	v36 =	vmul.f32 v60, v24  }
0x135: {  	[tilespmem:s5+$0x60] =	vst v34;
	v37 =	vmul.f32 v35, v17  }
0x136: {  	[tilespmem:s5+$0x70] =	vst v36;
	v38 =	vmul.f32 v35, v18  }
0x137: {  	v39 =	vmul.f32 v35, v19;
	[tilespmem:s5+$0x80] =	vst v37  }
0x138: {  	v40 =	vmul.f32 v35, v20;
	[tilespmem:s5+$0x90] =	vst v38  }
0x139: {  	v41 =	vmul.f32 v35, v21;
	[tilespmem:s5+$0xA0] =	vst v39  }
0x13a: {  	v42 =	vmul.f32 v35, v22;
	[tilespmem:s5+$0xB0] =	vst v40  }
0x13b: {  	v44 =	vperm.xlane v25, v9;
	v43 =	vmul.f32 v35, v23;
	[tilespmem:s5+$0xC0] =	vst v41  }
0x13c: {  	v45 =	vmul.f32 v35, v24;
	[tilespmem:s5+$0xD0] =	vst v42  }
0x13d: {  	v46 =	vmul.f32 v44, v17;
	[tilespmem:s5+$0xE0] =	vst v43  }
0x13e: {  	v47 =	vmul.f32 v44, v18;
	[tilespmem:s5+$0xF0] =	vst v45  }
0x13f: {  	v48 =	vmul.f32 v44, v19;
	[tilespmem:s5+$0x100] =	vst v46  }
0x140: {  	v49 =	vmul.f32 v44, v20;
	[tilespmem:s5+$0x110] =	vst v47  }
0x141: {  	v50 =	vmul.f32 v44, v21;
	[tilespmem:s5+$0x120] =	vst v48  }
0x142: {  	v51 =	vmul.f32 v44, v22;
	[tilespmem:s5+$0x130] =	vst v49  }
0x143: {  	v53 =	vperm.xlane v25, v10;
	v52 =	vmul.f32 v44, v23;
	[tilespmem:s5+$0x140] =	vst v50  }
0x144: {  	v54 =	vmul.f32 v44, v24;
	[tilespmem:s5+$0x150] =	vst v51  }
0x145: {  	v55 =	vmul.f32 v53, v17;
	[tilespmem:s5+$0x160] =	vst v52  }
0x146: {  	v56 =	vmul.f32 v53, v18;
	[tilespmem:s5+$0x170] =	vst v54  }
0x147: {  	v57 =	vmul.f32 v53, v19;
	[tilespmem:s5+$0x180] =	vst v55  }
0x148: {  	v58 =	vmul.f32 v53, v20;
	[tilespmem:s5+$0x190] =	vst v56  }
0x149: {  	v59 =	vmul.f32 v53, v21;
	[tilespmem:s5+$0x1A0] =	vst v57  }
0x14a: {  	v60 =	vmul.f32 v53, v22;
	[tilespmem:s5+$0x1B0] =	vst v58  }
0x14b: {  	v62 =	vperm.xlane v25, v11;
	v61 =	vmul.f32 v53, v23;
	[tilespmem:s5+$0x1C0] =	vst v59  }
0x14c: {  	v63 =	vmul.f32 v53, v24;
	[tilespmem:s5+$0x1D0] =	vst v60  }
0x14d: {  	v17 =	vmul.f32 v62, v17;
	[tilespmem:s5+$0x1E0] =	vst v61  }
0x14e: {  	v18 =	vmul.f32 v62, v18;
	[tilespmem:s5+$0x1F0] =	vst v63  }
0x14f: {  	[tilespmem:s5+$0x200] =	vst v17;
	v17 =	vmul.f32 v62, v19  }
0x150: {  	[tilespmem:s5+$0x210] =	vst v18;
	v18 =	vmul.f32 v62, v20  }
0x151: {  	[tilespmem:s5+$0x220] =	vst v17;
	v17 =	vmul.f32 v62, v21  }
0x152: {  	p1 =	sne.s32 s7, $0xF;
	[tilespmem:s5+$0x230] =	vst v18;
	v18 =	vmul.f32 v62, v22  }
.Ltmp8:
0x153: {  	[tilespmem:s5+$0x240] =	vst v17;
	v17 =	vmul.f32 v62, v23;
	(pc) =	sbr.rel @p1 .LBB2_8-.Ltmp8, $4  }
0x154: {  	[tilespmem:s5+$0x250] =	vst v18;
	v18 =	vmul.f32 v62, v24  }
0x155: {  	[tilespmem:s5+$0x260] =	vst v17  }
0x156: {  	s4 =	sadd.s32 $0x10, s4;
	[tilespmem:s5+$0x270] =	vst v18;
	v17 =	vnsel vm0, $0x0, v25  }
0x157: {  	s7 =	sadd.s32 $0x1, s7;
	s9 =	sadd.s32 $0x80, s9;
	[tilespmem:s5+$0x280] =	vst v17;
	s5 =	sadd.s32 $0x580, s5  }
0x158: {  	p1 =	seq.s32 s15, $0x0  }
0x159: {  	s4 =	simm.s32 @!p1 $0x2  }
0x15a: {  	_ =	swait.ge @!p1 [sflag:s4], $0xB00  }
0x15b: {  	s15 =	sadd.s32 $0x1, s15;
	[sflag:s4] =	ssyncset.done @!p1 $0x0  }
0x15c: {  	s5 =	smul.u32 $0x1600, s24;
	[sflag:s4] =	ssyncadd.s32 @!p1 $0xFFFFF500;
	p1 =	sne.s32 s15, $0x8  }
.Ltmp9:
0x15d: {  	_ = 	snop;
	(pc) =	sbr.rel @p1 .LBB2_7-.Ltmp9, $4  }
0x15e: {  	_ = 	snop  }
0x15f: {  	p0 =	por !p0, !p0;
	s5 =	sshrl.u32 s5, $0x2  }
0x160: {  	s10 =	sadd.s32 $0x100, s10;
	s8 =	sadd.s32 $0x800, s8;
	s24 =	sadd.s32 $0x6580, s5  }
0x161: {  	[spmem:s3] =	stream.indirect_vreg.scatter.add.f32 [tilespmem:s24], [sflag:$0x2], $0x580, v15, vm1, $0xb8;
	[tilespmem:$0x1F180] =	vst v63  }
0x162: {  	s0 =	sadd.s32 $0x1, s0  }
0x163: {  	p0 =	sne.s32 s0, s31  }
.Ltmp10:
0x164: {  	_ = 	snop;
	(pc) =	sbr.rel @p0 .LBB2_6-.Ltmp10, $4  }
.Ltmp11:
0x165: {  	_ = 	snop;
	(pc) =	sbr.rel @!p0 .LBB2_11-.Ltmp11, $4  }
0x166: {  	_ =	swait.ge [sflag:s23], $0xB00  }
0x167: {  	[sflag:s23] =	ssyncset.done $0x0  }
0x168: {  	[sflag:s23] =	ssyncadd.s32 $0xFFFFF500  }
0x169: {  	_ = 	snop  }
.LBB2_12:
0x16a: {  	p0 =	slt.s32 s0, $0x1  }
.Ltmp12:
0x16b: {  	_ = 	snop;
	(pc) =	sbr.rel @p0 .LBB2_18-.Ltmp12, $1  }
0x16c: {  	_ =	sdelay $0x3  }
0x16d: {  	v12 =	vld [tilespmem:$0x210]  }
0x16e: {  	v13 =	vld [tilespmem:$0x220]  }
0x16f: {  	v15 =	vld [tilespmem:$0x230]  }
0x170: {  	v16 =	vld [tilespmem:$0x240]  }
0x171: {  	v14 =	vand.u32 $0x3FFF, v14;
	v17 =	vld [tilespmem:$0x250]  }
0x172: {  	v56 =	vld [tilespmem:$0x260];
	[tilespmem:$0x500] =	vst v14;
	v12 =	vand.u32 $0x3FFF, v12  }
0x173: {  	v58 =	vld [tilespmem:$0x270];
	v57 =	vand.u32 $0x3FFF, v13;
	[tilespmem:$0x510] =	vst v12  }
0x174: {  	v59 =	vand.u32 $0x3FFF, v15;
	[tilespmem:$0x520] =	vst v57  }
0x175: {  	v60 =	vand.u32 $0x3FFF, v16;
	[tilespmem:$0x530] =	vst v59  }
0x176: {  	v61 =	vand.u32 $0x3FFF, v17;
	[tilespmem:$0x540] =	vst v60  }
0x177: {  	v62 =	vand.u32 $0x3FFF, v56;
	[tilespmem:$0x550] =	vst v61  }
0x178: {  	v63 =	vand.u32 $0x3FFF, v58;
	[tilespmem:$0x560] =	vst v62  }
0x179: {  	[tilespmem:$0x570] =	vst v63  }
0x17a: {  	[tilespmem:s22], [sflag:$0x1] =	stream.indirect.gather [hbm4b:s6+s20], $0x80, s21, s20, $0xb8;
	[tilespmem:$0x1F180] =	vst v63  }
0x17b: {  	s0 =	simm.s32 $0x4580  }
0x17c: {  	[tilespmem:s0], [sflag:$0x1] =	stream.indirect.gather [hbm4b:s2+s20], $0x10, s21, s20, $0xb8;
	[tilespmem:$0x1F180] =	vst v63  }
0x17d: {  	_ =	swait.ge [sflag:s19], $0x4000  }
0x17e: {  	[sflag:s19] =	ssyncset.done $0x0  }
0x17f: {  	[sflag:s19] =	ssyncadd.s32 $0xFFFFC000  }
0x180: {  	_ =	swait.ge [sflag:s19], $0x800  }
0x181: {  	s4 =	simm.s32 $0x0;
	[sflag:s19] =	ssyncset.done $0x0  }
0x182: {  	p0 =	por $0x0, $0x0;
	s9 =	simm.s32 $0x5C0;
	[sflag:s19] =	ssyncadd.s32 $0xFFFFF800  }
.LBB2_14:
0x183: {  	s7 =	sshll.u32 s4, $0x4  }
0x184: {  	v12 =	vld [tilespmem:s7+$0x200];
	_ =	sdelay $0x1  }
0x185: {  	s5 =	simm.s32 $0x1  }
0x186: {  	s5 =	simm.s32 @!p0 $0x0  }
0x187: {  	s5 =	smul.u32 $0x16000, s5  }
0x188: {  	v12 =	vshra.s32 v12, $0xE  }
0x189: {  	s8 =	smov.u32 s0;
	s10 =	simm.s32 $0x0;
	s5 =	sshrl.u32 s5, $0x2;
	vm2 =	vlt.s32 v12, $0x180  }
0x18a: {  	s15 =	sand.u32 $0x10, s7;
	s7 =	smov.u32 s9;
	s5 =	sadd.s32 $0x6800, s5;
	v12 =	vnsel vm2, $0x0, v12;
	v13 =	vsel vm2, $0x3F800000, v2  }
.LBB2_15:
0x18b: {  	v16 =	vmov s10  }
0x18c: {  	v14 =	vperm.xlane v12, v16;
	_ =	sdelay $0x1  }
0x18d: {  	v14 =	vshll.u32 v14, $0x4  }
0x18e: {  	v14 =	vor.u32 v4, v14;
	_ =	sdelay $0x3  }
0x18f: {  	v17 =	vld [tilespmem:s8+$0x0]  }
0x190: {  	v15 =	vld.idx.msk [tilespmem:v14+s18+$0x0], $0xffff;
	_ =	sdelay $0x4  }
0x191: {  	v14 =	vld [tilespmem:s7+$0xFFFFFFC0];
	v19 =	vadd.f32 v15, v17  }
0x192: {  	v18 =	vld [tilespmem:s7+$0x0];
	v23 =	vperm.xlane v13, v16;
	v21 =	vperm.xlane v17, v5  }
0x193: {  	v16 =	vld [tilespmem:s7+$0xFFFFFFE0];
	v20 =	vmul.f32 $2.000000030e-01, v19  }
0x194: {  	v24 =	vmul.f32 v21, v23;
	v21 =	vld [tilespmem:s7+$0x30];
	vm2 =	vge.f32 v19, $0.0e+00  }
0x195: {  	v15 =	vld [tilespmem:s7+$0xFFFFFFD0];
	v20 =	vsel vm2, v19, v20  }
0x196: {  	v17 =	vld [tilespmem:s7+$0xFFFFFFF0];
	v25 =	vmul.f32 v14, v23;
	v22 =	vmul.f32 $1.442695020e+00, v20  }
0x197: {  	v26 =	vmul.f32 v24, v14;
	v19 =	vld [tilespmem:s7+$0x10]  }
0x198: {  	v61 =	vmul.f32 v16, v23;
	v20 =	vld [tilespmem:s7+$0x20];
	[tilespmem:s5+$0xFFFFFD80] =	vst v25;
	(erf) = vpow2.f32 v22  }
0x199: {  	v62 =	vmul.f32 v16, v24;
	[tilespmem:s5+$0xFFFFFE00] =	vst v26  }
0x19a: {  	v29 =	vmul.f32 v18, v23;
	[tilespmem:s5+$0xFFFFFDA0] =	vst v61  }
0x19b: {  	v30 =	vmul.f32 v18, v24;
	[tilespmem:s5+$0xFFFFFE20] =	vst v62  }
0x19c: {  	v59 =	vmul.f32 v15, v23;
	[tilespmem:s5+$0xFFFFFDC0] =	vst v29  }
0x19d: {  	v60 =	vmul.f32 v15, v24;
	[tilespmem:s5+$0xFFFFFE40] =	vst v30  }
0x19e: {  	v63 =	vmul.f32 v17, v23;
	[tilespmem:s5+$0xFFFFFD90] =	vst v59  }
0x19f: {  	v28 =	vmul.f32 v17, v24;
	[tilespmem:s5+$0xFFFFFE10] =	vst v60  }
0x1a0: {  	[tilespmem:s5+$0xFFFFFDB0] =	vst v63;
	v31 =	vmul.f32 v19, v23  }
0x1a1: {  	[tilespmem:s5+$0xFFFFFE30] =	vst v28;
	v33 =	vmul.f32 v19, v24;
	v32 =	vpop (erf)  }
0x1a2: {  	v34 =	vmul.f32 v20, v23;
	[tilespmem:s5+$0xFFFFFDD0] =	vst v31;
	v22 =	vmul.f32 v32, v23  }
0x1a3: {  	v35 =	vmul.f32 v20, v24;
	[tilespmem:s5+$0xFFFFFE50] =	vst v33  }
0x1a4: {  	v24 =	vmul.f32 v21, v24;
	[tilespmem:s5+$0xFFFFFDE0] =	vst v34;
	v36 =	vperm.xlane v22, v1  }
0x1a5: {  	[tilespmem:s5+$0xFFFFFE60] =	vst v35;
	v23 =	vmul.f32 v21, v23  }
0x1a6: {  	[tilespmem:s5+$0xFFFFFE70] =	vst v24;
	v37 =	vmul.f32 v36, v14  }
0x1a7: {  	[tilespmem:s5+$0xFFFFFDF0] =	vst v23;
	v38 =	vmul.f32 v36, v15  }
0x1a8: {  	v39 =	vmul.f32 v36, v16;
	[tilespmem:s5+$0xFFFFFE80] =	vst v37  }
0x1a9: {  	v40 =	vmul.f32 v36, v17;
	[tilespmem:s5+$0xFFFFFE90] =	vst v38  }
0x1aa: {  	v41 =	vmul.f32 v36, v18;
	[tilespmem:s5+$0xFFFFFEA0] =	vst v39  }
0x1ab: {  	v42 =	vmul.f32 v36, v19;
	[tilespmem:s5+$0xFFFFFEB0] =	vst v40  }
0x1ac: {  	v44 =	vperm.xlane v22, v6;
	v43 =	vmul.f32 v36, v20;
	[tilespmem:s5+$0xFFFFFEC0] =	vst v41  }
0x1ad: {  	v45 =	vmul.f32 v36, v21;
	[tilespmem:s5+$0xFFFFFED0] =	vst v42  }
0x1ae: {  	v46 =	vmul.f32 v44, v14;
	[tilespmem:s5+$0xFFFFFEE0] =	vst v43  }
0x1af: {  	v47 =	vmul.f32 v44, v15;
	[tilespmem:s5+$0xFFFFFEF0] =	vst v45  }
0x1b0: {  	v48 =	vmul.f32 v44, v16;
	[tilespmem:s5+$0xFFFFFF00] =	vst v46  }
0x1b1: {  	v49 =	vmul.f32 v44, v17;
	[tilespmem:s5+$0xFFFFFF10] =	vst v47  }
0x1b2: {  	v50 =	vmul.f32 v44, v18;
	[tilespmem:s5+$0xFFFFFF20] =	vst v48  }
0x1b3: {  	v51 =	vmul.f32 v44, v19;
	[tilespmem:s5+$0xFFFFFF30] =	vst v49  }
0x1b4: {  	v53 =	vperm.xlane v22, v7;
	v52 =	vmul.f32 v44, v20;
	[tilespmem:s5+$0xFFFFFF40] =	vst v50  }
0x1b5: {  	v54 =	vmul.f32 v44, v21;
	[tilespmem:s5+$0xFFFFFF50] =	vst v51  }
0x1b6: {  	v55 =	vmul.f32 v53, v14;
	[tilespmem:s5+$0xFFFFFF60] =	vst v52  }
0x1b7: {  	v56 =	vmul.f32 v53, v15;
	[tilespmem:s5+$0xFFFFFF70] =	vst v54  }
0x1b8: {  	v57 =	vmul.f32 v53, v16;
	[tilespmem:s5+$0xFFFFFF80] =	vst v55  }
0x1b9: {  	v58 =	vmul.f32 v53, v17;
	[tilespmem:s5+$0xFFFFFF90] =	vst v56  }
0x1ba: {  	v59 =	vmul.f32 v53, v18;
	[tilespmem:s5+$0xFFFFFFA0] =	vst v57  }
0x1bb: {  	v60 =	vmul.f32 v53, v19;
	[tilespmem:s5+$0xFFFFFFB0] =	vst v58  }
0x1bc: {  	v62 =	vperm.xlane v22, v8;
	v61 =	vmul.f32 v53, v20;
	[tilespmem:s5+$0xFFFFFFC0] =	vst v59  }
0x1bd: {  	v63 =	vmul.f32 v53, v21;
	[tilespmem:s5+$0xFFFFFFD0] =	vst v60  }
0x1be: {  	v28 =	vmul.f32 v62, v14;
	[tilespmem:s5+$0xFFFFFFE0] =	vst v61  }
0x1bf: {  	v29 =	vmul.f32 v62, v15;
	[tilespmem:s5+$0xFFFFFFF0] =	vst v63  }
0x1c0: {  	v30 =	vmul.f32 v62, v16;
	[tilespmem:s5+$0x0] =	vst v28  }
0x1c1: {  	v31 =	vmul.f32 v62, v17;
	[tilespmem:s5+$0x10] =	vst v29  }
0x1c2: {  	v32 =	vmul.f32 v62, v18;
	[tilespmem:s5+$0x20] =	vst v30  }
0x1c3: {  	v33 =	vmul.f32 v62, v19;
	[tilespmem:s5+$0x30] =	vst v31  }
0x1c4: {  	v35 =	vperm.xlane v22, v3;
	v34 =	vmul.f32 v62, v20;
	[tilespmem:s5+$0x40] =	vst v32  }
0x1c5: {  	v36 =	vmul.f32 v62, v21;
	[tilespmem:s5+$0x50] =	vst v33  }
0x1c6: {  	[tilespmem:s5+$0x60] =	vst v34;
	v37 =	vmul.f32 v35, v14  }
0x1c7: {  	[tilespmem:s5+$0x70] =	vst v36;
	v38 =	vmul.f32 v35, v15  }
0x1c8: {  	v39 =	vmul.f32 v35, v16;
	[tilespmem:s5+$0x80] =	vst v37  }
0x1c9: {  	v40 =	vmul.f32 v35, v17;
	[tilespmem:s5+$0x90] =	vst v38  }
0x1ca: {  	v41 =	vmul.f32 v35, v18;
	[tilespmem:s5+$0xA0] =	vst v39  }
0x1cb: {  	v42 =	vmul.f32 v35, v19;
	[tilespmem:s5+$0xB0] =	vst v40  }
0x1cc: {  	v44 =	vperm.xlane v22, v9;
	v43 =	vmul.f32 v35, v20;
	[tilespmem:s5+$0xC0] =	vst v41  }
0x1cd: {  	v45 =	vmul.f32 v35, v21;
	[tilespmem:s5+$0xD0] =	vst v42  }
0x1ce: {  	v46 =	vmul.f32 v44, v14;
	[tilespmem:s5+$0xE0] =	vst v43  }
0x1cf: {  	v47 =	vmul.f32 v44, v15;
	[tilespmem:s5+$0xF0] =	vst v45  }
0x1d0: {  	v48 =	vmul.f32 v44, v16;
	[tilespmem:s5+$0x100] =	vst v46  }
0x1d1: {  	v49 =	vmul.f32 v44, v17;
	[tilespmem:s5+$0x110] =	vst v47  }
0x1d2: {  	v50 =	vmul.f32 v44, v18;
	[tilespmem:s5+$0x120] =	vst v48  }
0x1d3: {  	v51 =	vmul.f32 v44, v19;
	[tilespmem:s5+$0x130] =	vst v49  }
0x1d4: {  	v53 =	vperm.xlane v22, v10;
	v52 =	vmul.f32 v44, v20;
	[tilespmem:s5+$0x140] =	vst v50  }
0x1d5: {  	v54 =	vmul.f32 v44, v21;
	[tilespmem:s5+$0x150] =	vst v51  }
0x1d6: {  	v55 =	vmul.f32 v53, v14;
	[tilespmem:s5+$0x160] =	vst v52  }
0x1d7: {  	v56 =	vmul.f32 v53, v15;
	[tilespmem:s5+$0x170] =	vst v54  }
0x1d8: {  	v57 =	vmul.f32 v53, v16;
	[tilespmem:s5+$0x180] =	vst v55  }
0x1d9: {  	v58 =	vmul.f32 v53, v17;
	[tilespmem:s5+$0x190] =	vst v56  }
0x1da: {  	v59 =	vmul.f32 v53, v18;
	[tilespmem:s5+$0x1A0] =	vst v57  }
0x1db: {  	v60 =	vmul.f32 v53, v19;
	[tilespmem:s5+$0x1B0] =	vst v58  }
0x1dc: {  	v62 =	vperm.xlane v22, v11;
	v61 =	vmul.f32 v53, v20;
	[tilespmem:s5+$0x1C0] =	vst v59  }
0x1dd: {  	v63 =	vmul.f32 v53, v21;
	[tilespmem:s5+$0x1D0] =	vst v60  }
0x1de: {  	v14 =	vmul.f32 v62, v14;
	[tilespmem:s5+$0x1E0] =	vst v61  }
0x1df: {  	v15 =	vmul.f32 v62, v15;
	[tilespmem:s5+$0x1F0] =	vst v63  }
0x1e0: {  	[tilespmem:s5+$0x200] =	vst v14;
	v14 =	vmul.f32 v62, v16  }
0x1e1: {  	[tilespmem:s5+$0x210] =	vst v15;
	v15 =	vmul.f32 v62, v17  }
0x1e2: {  	[tilespmem:s5+$0x220] =	vst v14;
	v14 =	vmul.f32 v62, v18  }
0x1e3: {  	p1 =	sne.s32 s10, $0xF;
	[tilespmem:s5+$0x230] =	vst v15;
	v15 =	vmul.f32 v62, v19  }
.Ltmp13:
0x1e4: {  	[tilespmem:s5+$0x240] =	vst v14;
	v14 =	vmul.f32 v62, v20;
	(pc) =	sbr.rel @p1 .LBB2_15-.Ltmp13, $4  }
0x1e5: {  	[tilespmem:s5+$0x250] =	vst v15;
	v15 =	vmul.f32 v62, v21  }
0x1e6: {  	[tilespmem:s5+$0x260] =	vst v14  }
0x1e7: {  	s8 =	sadd.s32 $0x10, s8;
	[tilespmem:s5+$0x270] =	vst v15;
	v14 =	vnsel vm0, $0x0, v22  }
0x1e8: {  	s10 =	sadd.s32 $0x1, s10;
	s7 =	sadd.s32 $0x80, s7;
	[tilespmem:s5+$0x280] =	vst v14;
	s5 =	sadd.s32 $0x580, s5  }
0x1e9: {  	p1 =	seq.s32 s4, $0x0  }
0x1ea: {  	s5 =	simm.s32 @!p1 $0x2  }
0x1eb: {  	_ =	swait.ge @!p1 [sflag:s5], $0xB00  }
0x1ec: {  	s4 =	sadd.s32 $0x1, s4;
	[sflag:s5] =	ssyncset.done @!p1 $0x0  }
0x1ed: {  	s7 =	smul.u32 $0x1600, s15;
	[sflag:s5] =	ssyncadd.s32 @!p1 $0xFFFFF500;
	p1 =	sne.s32 s4, $0x8  }
.Ltmp14:
0x1ee: {  	_ = 	snop;
	(pc) =	sbr.rel @p1 .LBB2_14-.Ltmp14, $4  }
0x1ef: {  	_ = 	snop  }
0x1f0: {  	p0 =	por !p0, !p0;
	s7 =	sshrl.u32 s7, $0x2  }
0x1f1: {  	s0 =	sadd.s32 $0x100, s0;
	s9 =	sadd.s32 $0x800, s9;
	s31 =	sadd.s32 $0x6580, s7  }
0x1f2: {  	[spmem:s3] =	stream.indirect_vreg.scatter.add.f32 [tilespmem:s31], [sflag:$0x2], $0x580, v12, vm1, $0xb8;
	[tilespmem:$0x1F180] =	vst v63  }
.Ltmp15:
0x1f3: {  	(pc) =	sbr.rel .LBB2_18-.Ltmp15, $4  }
0x1f4: {  	_ = 	snop  }
0x1f5: {  	_ =	swait.ge [sflag:s23], $0xB00  }
0x1f6: {  	[sflag:s23] =	ssyncset.done $0x0  }
0x1f7: {  	[sflag:s23] =	ssyncadd.s32 $0xFFFFF500  }
.LBB2_20:
0x1f8: {  	_ =	sfence.sel $0x180000  }
0x1f9: {  	[bflag:$0x0] =	sbarrier.arrive $0xFFFF  }
0x1fa: {  	_ =	strace $0x9000004A  }
0x1fb: {  	s0 =	stileid.u32;
	[bflag:$0x2] =	sbarrier.arrive $0xFFFF  }
0x1fc: {  	p0 =	sne.s32 s0, $0x0;
	s0 =	rddreg [dreg:$0x3]  }
0x1fd: {  	s0 =	sadd.s32 @!p0 $0x100000, s0  }
0x1fe: {  	[sflag:s0] =	ssyncadd.tile.s32 @!p0 $0x1;
	_ =	shalt  }
.Lfunc_end2:
_tile_overlayer_lowered:
.L_overlay_start_2:
0x1ff: {  	(tag) =	ssettag $0x2  }
0x200: {  	s0 =	rddreg [dreg:$0x0];
	s2 =	stileid.u32  }
0x201: {  	s1 =	rddreg [dreg:$0x1];
	p0 =	sne.s32 s2, $0x0  }
0x202: {  	s3 =	rddreg [dreg:$0x2];
	[bflag:$0x3] =	sbarrier.arrive $0xFFFF;
	s2 =	simm.s32 @!p0 $0x1C03  }
0x203: {  	[timem:s3], [sflag:s2] =	dma.local @!p0 [hbm:s0], s1  }
0x204: {  	s0 =	simm.s32 @!p0 $0x3  }
0x205: {  	_ =	swait.ge @!p0 [sflag:s0], s1  }
0x206: {  	s1 =	ssub.s32 @!p0 $0x0, s1;
	[sflag:s0] =	ssyncset.done @!p0 $0x0  }
0x207: {  	[sflag:s0] =	ssyncadd.s32 @!p0 s1  }
0x208: {  	[bflag:$0x3] =	sbarrier.arrive $0xFFFF  }
0x209: {  	_ =	shalt  }

</sc_bundles>
